<compile_context>
chip_gen: v7x
topology: tpu7x:2x2x1
jax: 0.10.2.dev20260603
libtpu: 0.0.44.dev20260713+nightly
codegen_flags: <defaults>
</compile_context>

<pallas_src>
import functools

import jax
import jax.numpy as jnp
from jax import lax
from jax.experimental import pallas as pl
from jax.experimental.pallas import tpu as pltpu
from jax.experimental.pallas import tpu_sc as plsc

VOCAB = 100000
D = 128
SEQ = 200
BATCH = 1024
ROWS = BATCH * SEQ

NC = 2
NS = 16
NW = NC * NS
ROWS_PER_W = ROWS // NW
CHUNK = 128
NCHUNK = ROWS_PER_W // CHUNK
NBUF = 5
AHEAD = 4
NGROUP = NCHUNK // NBUF


@functools.partial(
    pl.kernel,
    out_type=jax.ShapeDtypeStruct((ROWS, D), jnp.float32),
    mesh=plsc.VectorSubcoreMesh(core_axis_name="c", subcore_axis_name="s"),
    scratch_types=(
        [pltpu.VMEM((NCHUNK, CHUNK), jnp.int32),
         pltpu.VMEM((SEQ, D), jnp.float32)]
        + [pltpu.VMEM((CHUNK, D), jnp.float32)] * NBUF
        + [pltpu.SemaphoreType.DMA] * (2 * NBUF)
    ),
)
def _emb_body(x_hbm, tok_hbm, pos_hbm, out_hbm, idx_v, pos_v, *ring):
    bufs = ring[:NBUF]
    gsem = ring[NBUF:2 * NBUF]
    ssem = ring[2 * NBUF:]

    wid = lax.axis_index("s") * NC + lax.axis_index("c")
    base_chunk = wid * NCHUNK

    icopy = pltpu.async_copy(x_hbm.at[wid], idx_v, gsem[0])
    pcopy = pltpu.async_copy(pos_hbm, pos_v, ssem[0])
    icopy.wait()

    def out_slice(c):
        return out_hbm.at[pl.ds((base_chunk + c) * CHUNK, CHUNK)]

    def start_gather(c, b):
        pltpu.async_copy(tok_hbm.at[idx_v.at[c]], bufs[b], gsem[b])

    def wait_gather(c, b):
        pltpu.make_async_copy(tok_hbm.at[idx_v.at[c]], bufs[b], gsem[b]).wait()

    def start_store(c, b):
        pltpu.async_copy(bufs[b], out_slice(c), ssem[b])

    def wait_store(c, b):
        pltpu.make_async_copy(bufs[b], out_slice(c), ssem[b]).wait()

    for b in range(AHEAD):
        start_gather(b, b)
    pcopy.wait()

    def group(g, carry):
        for b in range(NBUF):
            c = g * NBUF + b
            wait_gather(c, b)
            p0 = lax.rem(c * CHUNK, SEQ)
            n1 = jnp.minimum(CHUNK, SEQ - p0)

            @plsc.parallel_loop(0, n1, unroll=4)
            def _(r):
                for k in range(D // 16):
                    sl = pl.ds(k * 16, 16)
                    plsc.addupdate(bufs[b].at[r, sl], pos_v[p0 + r, sl])

            @plsc.parallel_loop(n1, CHUNK, unroll=4)
            def _(r):
                for k in range(D // 16):
                    sl = pl.ds(k * 16, 16)
                    plsc.addupdate(bufs[b].at[r, sl], pos_v[r - n1, sl])

            start_store(c, b)

            nb = (b + AHEAD) % NBUF
            nc = c + AHEAD

            @pl.when(nc < NCHUNK)
            def _():
                @pl.when(c >= NBUF - AHEAD)
                def _():
                    wait_store(nc - NBUF, nb)
                start_gather(nc, nb)

        return carry

    lax.fori_loop(0, NGROUP, group, 0)

    for b in range(NBUF):
        wait_store(NCHUNK - NBUF + b, b)


def kernel(x, token_table, position_table):
    x2 = x.reshape(NW, NCHUNK, CHUNK).astype(jnp.int32)
    out = _emb_body(x2, token_table, position_table)
    return out.reshape(BATCH, SEQ, D)

# --- scband reference (transcript-rebuilt; emitter-appended) ---
"""Pipeline reference for scband-embedding-layer-30520037605636 (READ-ONLY COPY).

The authoritative reference and input builder live on the scoring server;
editing this copy changes nothing except your own understanding.
"""

import jax, jax.numpy as jnp
import numpy as np

VOCAB_SIZE = 100000
EMBED_DIM = 128
MAX_LEN = 200
BATCH = 1024
SEQ_LEN = 200

def setup_inputs(seed: int = 0) -> dict:
    key = jax.random.key(seed)
    k1, k2, k3 = jax.random.split(key, 3)
    x = jax.random.randint(k1, (BATCH, SEQ_LEN), 0, VOCAB_SIZE, dtype=jnp.int64 if jax.config.jax_enable_x64 else jnp.int32)
    token_table = jax.random.normal(k2, (VOCAB_SIZE, EMBED_DIM), dtype=jnp.float32)
    position_table = jax.random.normal(k3, (MAX_LEN, EMBED_DIM), dtype=jnp.float32)
    return {"x": x, "token_table": token_table, "position_table": position_table}

def reference(x, token_table, position_table):
    seq_len = x.shape[1]
    positions = jnp.arange(seq_len, dtype=x.dtype)[None, :]
    positions = jnp.broadcast_to(positions, x.shape)
    token_embeddings = jnp.take(token_table, x, axis=0)
    position_embeddings = jnp.take(position_table, positions, axis=0)
    embeddings = token_embeddings + position_embeddings
    return embeddings

if __name__ == "__main__":
    import jax
    _d = setup_inputs()
    print(jax.jit(kernel)(*tuple(_d.values())))

</pallas_src>

<mosaic_0001>
#map = affine_map<(d0, d1) -> (0, 0, 0)>
#map1 = affine_map<(d0, d1) -> (0, 0)>
module attributes {stable_mosaic.version = 14 : i64} {
  func.func @_emb_body(%arg0: i32, %arg1: i32, %arg2: memref<32x50x128xi32, #tpu.memory_space<hbm>>, %arg3: memref<100000x128xf32, #tpu.memory_space<hbm>>, %arg4: memref<200x128xf32, #tpu.memory_space<hbm>>, %arg5: memref<204800x128xf32, #tpu.memory_space<hbm>>, %arg6: memref<50x128xi32, #tpu.memory_space<vmem>>, %arg7: memref<200x128xf32, #tpu.memory_space<vmem>>, %arg8: memref<128x128xf32, #tpu.memory_space<vmem>>, %arg9: memref<128x128xf32, #tpu.memory_space<vmem>>, %arg10: memref<128x128xf32, #tpu.memory_space<vmem>>, %arg11: memref<128x128xf32, #tpu.memory_space<vmem>>, %arg12: memref<128x128xf32, #tpu.memory_space<vmem>>, %arg13: memref<!tpu.dma_semaphore, #tpu.memory_space<semaphore_mem>>, %arg14: memref<!tpu.dma_semaphore, #tpu.memory_space<semaphore_mem>>, %arg15: memref<!tpu.dma_semaphore, #tpu.memory_space<semaphore_mem>>, %arg16: memref<!tpu.dma_semaphore, #tpu.memory_space<semaphore_mem>>, %arg17: memref<!tpu.dma_semaphore, #tpu.memory_space<semaphore_mem>>, %arg18: memref<!tpu.dma_semaphore, #tpu.memory_space<semaphore_mem>>, %arg19: memref<!tpu.dma_semaphore, #tpu.memory_space<semaphore_mem>>, %arg20: memref<!tpu.dma_semaphore, #tpu.memory_space<semaphore_mem>>, %arg21: memref<!tpu.dma_semaphore, #tpu.memory_space<semaphore_mem>>, %arg22: memref<!tpu.dma_semaphore, #tpu.memory_space<semaphore_mem>>) attributes {dimension_semantics = [#tpu.dimension_semantics<core_parallel>, #tpu.dimension_semantics<subcore_parallel>], iteration_bounds = array<i64: 2, 16>, scalar_prefetch = 0 : i64, scratch_operands = 17 : i64, tpu.core_type = #tpu.core_type<sc_vector_subcore>, window_params = [{transform_indices = #map}, {transform_indices = #map1}, {transform_indices = #map1}, {transform_indices = #map1}]} {
    %mul3A = arith.constant 2 : i32
    %mul3A_0 = arith.muli %arg1, %mul3A : i32
    %add3A = arith.addi %mul3A_0, %arg0 : i32
    %mul3A_1 = arith.constant 50 : i32
    %mul3A_2 = arith.muli %add3A, %mul3A_1 : i32
    %dma_start3A = arith.constant 0 : i32
    %dma_start3A_3 = arith.constant 0 : i32
    %dma_start3A_4 = tpu.memref_slice %arg2[%add3A, %dma_start3A, %dma_start3A_3] : memref<32x50x128xi32, #tpu.memory_space<hbm>> -> memref<1x50x128xi32, #tpu.memory_space<hbm>>
    %dma_start3A_5 = tpu.memref_squeeze %dma_start3A_4 : memref<1x50x128xi32, #tpu.memory_space<hbm>> -> memref<50x128xi32, #tpu.memory_space<hbm>>
    %dma_start3A_6 = arith.constant 0 : i32
    %dma_start3A_7 = arith.constant 0 : i32
    %dma_start3A_8 = tpu.memref_slice %arg2[%add3A, %dma_start3A_6, %dma_start3A_7] : memref<32x50x128xi32, #tpu.memory_space<hbm>> -> memref<1x50x128xi32, #tpu.memory_space<hbm>>
    %dma_start3A_9 = tpu.memref_squeeze %dma_start3A_8 : memref<1x50x128xi32, #tpu.memory_space<hbm>> -> memref<50x128xi32, #tpu.memory_space<hbm>>
    tpu.enqueue_dma source(%dma_start3A_9 : memref<50x128xi32, #tpu.memory_space<hbm>>) target(%arg6 : memref<50x128xi32, #tpu.memory_space<vmem>>) target_semaphore(%arg13 : memref<!tpu.dma_semaphore, #tpu.memory_space<semaphore_mem>>)
    tpu.enqueue_dma source(%arg4 : memref<200x128xf32, #tpu.memory_space<hbm>>) target(%arg7 : memref<200x128xf32, #tpu.memory_space<vmem>>) target_semaphore(%arg18 : memref<!tpu.dma_semaphore, #tpu.memory_space<semaphore_mem>>)
    %dma_wait3A = arith.constant 0 : i32
    %dma_wait3A_10 = arith.constant 0 : i32
    %dma_wait3A_11 = tpu.memref_slice %arg2[%add3A, %dma_wait3A, %dma_wait3A_10] : memref<32x50x128xi32, #tpu.memory_space<hbm>> -> memref<1x50x128xi32, #tpu.memory_space<hbm>>
    %dma_wait3A_12 = tpu.memref_squeeze %dma_wait3A_11 : memref<1x50x128xi32, #tpu.memory_space<hbm>> -> memref<50x128xi32, #tpu.memory_space<hbm>>
    %dma_wait3A_13 = arith.constant 0 : i32
    %dma_wait3A_14 = arith.constant 0 : i32
    %dma_wait3A_15 = tpu.memref_slice %arg2[%add3A, %dma_wait3A_13, %dma_wait3A_14] : memref<32x50x128xi32, #tpu.memory_space<hbm>> -> memref<1x50x128xi32, #tpu.memory_space<hbm>>
    %dma_wait3A_16 = tpu.memref_squeeze %dma_wait3A_15 : memref<1x50x128xi32, #tpu.memory_space<hbm>> -> memref<50x128xi32, #tpu.memory_space<hbm>>
    tpu.wait_dma2 semaphore(%arg13 : memref<!tpu.dma_semaphore, #tpu.memory_space<semaphore_mem>>) src(%dma_wait3A_16 : memref<50x128xi32, #tpu.memory_space<hbm>>) dst(%arg6 : memref<50x128xi32, #tpu.memory_space<vmem>>)
    %dma_start3A_17 = arith.constant 0 : i32
    %dma_start3A_18 = arith.constant 0 : i32
    %dma_start3A_19 = tpu.memref_slice %arg6[%dma_start3A_17, %dma_start3A_18] : memref<50x128xi32, #tpu.memory_space<vmem>> -> memref<1x128xi32, #tpu.memory_space<vmem>>
    %dma_start3A_20 = tpu.memref_squeeze %dma_start3A_19 : memref<1x128xi32, #tpu.memory_space<vmem>> -> memref<128xi32, #tpu.memory_space<vmem>>
    %dma_start3A_21 = arith.constant 0 : i32
    %dma_start3A_22 = arith.constant 0 : i32
    %dma_start3A_23 = tpu.memref_slice %arg3[%dma_start3A_21, %dma_start3A_22] : memref<100000x128xf32, #tpu.memory_space<hbm>> -> memref<100000x128xf32, #tpu.memory_space<hbm>>
    tpu.enqueue_indirect_dma source(%dma_start3A_23 : memref<100000x128xf32, #tpu.memory_space<hbm>>) target(%arg8 : memref<128x128xf32, #tpu.memory_space<vmem>>) offsets(%dma_start3A_20 : memref<128xi32, #tpu.memory_space<vmem>>) semaphore(%arg13 : memref<!tpu.dma_semaphore, #tpu.memory_space<semaphore_mem>>)
    %dma_start3A_24 = arith.constant 1 : i32
    %dma_start3A_25 = arith.constant 0 : i32
    %dma_start3A_26 = tpu.memref_slice %arg6[%dma_start3A_24, %dma_start3A_25] : memref<50x128xi32, #tpu.memory_space<vmem>> -> memref<1x128xi32, #tpu.memory_space<vmem>>
    %dma_start3A_27 = tpu.memref_squeeze %dma_start3A_26 : memref<1x128xi32, #tpu.memory_space<vmem>> -> memref<128xi32, #tpu.memory_space<vmem>>
    %dma_start3A_28 = arith.constant 0 : i32
    %dma_start3A_29 = arith.constant 0 : i32
    %dma_start3A_30 = tpu.memref_slice %arg3[%dma_start3A_28, %dma_start3A_29] : memref<100000x128xf32, #tpu.memory_space<hbm>> -> memref<100000x128xf32, #tpu.memory_space<hbm>>
    tpu.enqueue_indirect_dma source(%dma_start3A_30 : memref<100000x128xf32, #tpu.memory_space<hbm>>) target(%arg9 : memref<128x128xf32, #tpu.memory_space<vmem>>) offsets(%dma_start3A_27 : memref<128xi32, #tpu.memory_space<vmem>>) semaphore(%arg14 : memref<!tpu.dma_semaphore, #tpu.memory_space<semaphore_mem>>)
    %dma_start3A_31 = arith.constant 2 : i32
    %dma_start3A_32 = arith.constant 0 : i32
    %dma_start3A_33 = tpu.memref_slice %arg6[%dma_start3A_31, %dma_start3A_32] : memref<50x128xi32, #tpu.memory_space<vmem>> -> memref<1x128xi32, #tpu.memory_space<vmem>>
    %dma_start3A_34 = tpu.memref_squeeze %dma_start3A_33 : memref<1x128xi32, #tpu.memory_space<vmem>> -> memref<128xi32, #tpu.memory_space<vmem>>
    %dma_start3A_35 = arith.constant 0 : i32
    %dma_start3A_36 = arith.constant 0 : i32
    %dma_start3A_37 = tpu.memref_slice %arg3[%dma_start3A_35, %dma_start3A_36] : memref<100000x128xf32, #tpu.memory_space<hbm>> -> memref<100000x128xf32, #tpu.memory_space<hbm>>
    tpu.enqueue_indirect_dma source(%dma_start3A_37 : memref<100000x128xf32, #tpu.memory_space<hbm>>) target(%arg10 : memref<128x128xf32, #tpu.memory_space<vmem>>) offsets(%dma_start3A_34 : memref<128xi32, #tpu.memory_space<vmem>>) semaphore(%arg15 : memref<!tpu.dma_semaphore, #tpu.memory_space<semaphore_mem>>)
    %dma_start3A_38 = arith.constant 3 : i32
    %dma_start3A_39 = arith.constant 0 : i32
    %dma_start3A_40 = tpu.memref_slice %arg6[%dma_start3A_38, %dma_start3A_39] : memref<50x128xi32, #tpu.memory_space<vmem>> -> memref<1x128xi32, #tpu.memory_space<vmem>>
    %dma_start3A_41 = tpu.memref_squeeze %dma_start3A_40 : memref<1x128xi32, #tpu.memory_space<vmem>> -> memref<128xi32, #tpu.memory_space<vmem>>
    %dma_start3A_42 = arith.constant 0 : i32
    %dma_start3A_43 = arith.constant 0 : i32
    %dma_start3A_44 = tpu.memref_slice %arg3[%dma_start3A_42, %dma_start3A_43] : memref<100000x128xf32, #tpu.memory_space<hbm>> -> memref<100000x128xf32, #tpu.memory_space<hbm>>
    tpu.enqueue_indirect_dma source(%dma_start3A_44 : memref<100000x128xf32, #tpu.memory_space<hbm>>) target(%arg11 : memref<128x128xf32, #tpu.memory_space<vmem>>) offsets(%dma_start3A_41 : memref<128xi32, #tpu.memory_space<vmem>>) semaphore(%arg16 : memref<!tpu.dma_semaphore, #tpu.memory_space<semaphore_mem>>)
    tpu.wait_dma2 semaphore(%arg18 : memref<!tpu.dma_semaphore, #tpu.memory_space<semaphore_mem>>) src(%arg4 : memref<200x128xf32, #tpu.memory_space<hbm>>) dst(%arg7 : memref<200x128xf32, #tpu.memory_space<vmem>>)
    %scan3A = arith.constant 0 : i32
    %scan3A_45 = arith.constant 0 : i32
    %scan3A_46 = arith.constant 10 : i32
    %scan3A_47 = arith.addi %scan3A_45, %scan3A_46 : i32
    %scan3A_48 = arith.constant 1 : i32
    scf.for %scan3A_90 = %scan3A_45 to %scan3A_47 step %scan3A_48  : i32 {
      %mul3A_91 = arith.constant 5 : i32
      %mul3A_92 = arith.muli %scan3A_90, %mul3A_91 : i32
      %add3A_93 = arith.constant 0 : i32
      %add3A_94 = arith.addi %mul3A_92, %add3A_93 : i32
      %dma_wait3A_95 = arith.constant 0 : i32
      %dma_wait3A_96 = tpu.memref_slice %arg6[%add3A_94, %dma_wait3A_95] : memref<50x128xi32, #tpu.memory_space<vmem>> -> memref<1x128xi32, #tpu.memory_space<vmem>>
      %dma_wait3A_97 = tpu.memref_squeeze %dma_wait3A_96 : memref<1x128xi32, #tpu.memory_space<vmem>> -> memref<128xi32, #tpu.memory_space<vmem>>
      %dma_wait3A_98 = arith.constant 0 : i32
      %dma_wait3A_99 = arith.constant 0 : i32
      %dma_wait3A_100 = tpu.memref_slice %arg3[%dma_wait3A_98, %dma_wait3A_99] : memref<100000x128xf32, #tpu.memory_space<hbm>> -> memref<100000x128xf32, #tpu.memory_space<hbm>>
      tpu.wait_indirect_dma semaphore(%arg13 : memref<!tpu.dma_semaphore, #tpu.memory_space<semaphore_mem>>) src(%dma_wait3A_100 : memref<100000x128xf32, #tpu.memory_space<hbm>>) dst(%arg8 : memref<128x128xf32, #tpu.memory_space<vmem>>)
      %mul3A_101 = arith.constant 128 : i32
      %mul3A_102 = arith.muli %add3A_94, %mul3A_101 : i32
      %rem3A = arith.constant 200 : i32
      %rem3A_103 = arith.remsi %mul3A_102, %rem3A : i32
      %sub3A = arith.constant 200 : i32
      %sub3A_104 = arith.subi %sub3A, %rem3A_103 : i32
      %min3A = arith.constant 128 : i32
      %min3A_105 = arith.minsi %min3A, %sub3A_104 : i32
      %parallel_loop3A = arith.constant 0 : i32
      %parallel_loop3A_106 = arith.constant 1 : i32
      scf.for %parallel_loop3A_264 = %parallel_loop3A to %min3A_105 step %parallel_loop3A_106  : i32 {
        %parallel_loop3A_265 = arith.addi %rem3A_103, %parallel_loop3A_264 : i32
        %parallel_loop3A_266 = arith.index_cast %parallel_loop3A_265 : i32 to index
        %parallel_loop3A_267 = arith.constant 0 : index
        %parallel_loop3A_268 = tpu.vector_load %arg7[%parallel_loop3A_266, %parallel_loop3A_267] {strides = array<i32>} : memref<200x128xf32, #tpu.memory_space<vmem>>, vector<1x16xf32>,
        %parallel_loop3A_269 = vector.shape_cast %parallel_loop3A_268 : vector<1x16xf32> to vector<16xf32>
        %parallel_loop3A_270 = arith.index_cast %parallel_loop3A_264 : i32 to index
        %parallel_loop3A_271 = arith.constant 0 : index
        %parallel_loop3A_272 = tpu.vector_load %arg8[%parallel_loop3A_270, %parallel_loop3A_271] {strides = array<i32>} : memref<128x128xf32, #tpu.memory_space<vmem>>, vector<1x16xf32>,
        %parallel_loop3A_273 = vector.shape_cast %parallel_loop3A_272 : vector<1x16xf32> to vector<16xf32>
        %parallel_loop3A_274 = vector.shape_cast %parallel_loop3A_269 : vector<16xf32> to vector<1x16xf32>
        tpu.vector_store %arg8[%parallel_loop3A_270, %parallel_loop3A_271], %parallel_loop3A_274 {add = true, strides = array<i32>} : memref<128x128xf32, #tpu.memory_space<vmem>>, vector<1x16xf32>,
        %parallel_loop3A_275 = arith.addi %rem3A_103, %parallel_loop3A_264 : i32
        %parallel_loop3A_276 = arith.index_cast %parallel_loop3A_275 : i32 to index
        %parallel_loop3A_277 = arith.constant 16 : index
        %parallel_loop3A_278 = tpu.vector_load %arg7[%parallel_loop3A_276, %parallel_loop3A_277] {strides = array<i32>} : memref<200x128xf32, #tpu.memory_space<vmem>>, vector<1x16xf32>,
        %parallel_loop3A_279 = vector.shape_cast %parallel_loop3A_278 : vector<1x16xf32> to vector<16xf32>
        %parallel_loop3A_280 = arith.index_cast %parallel_loop3A_264 : i32 to index
        %parallel_loop3A_281 = arith.constant 16 : index
        %parallel_loop3A_282 = tpu.vector_load %arg8[%parallel_loop3A_280, %parallel_loop3A_281] {strides = array<i32>} : memref<128x128xf32, #tpu.memory_space<vmem>>, vector<1x16xf32>,
        %parallel_loop3A_283 = vector.shape_cast %parallel_loop3A_282 : vector<1x16xf32> to vector<16xf32>
        %parallel_loop3A_284 = vector.shape_cast %parallel_loop3A_279 : vector<16xf32> to vector<1x16xf32>
        tpu.vector_store %arg8[%parallel_loop3A_280, %parallel_loop3A_281], %parallel_loop3A_284 {add = true, strides = array<i32>} : memref<128x128xf32, #tpu.memory_space<vmem>>, vector<1x16xf32>,
        %parallel_loop3A_285 = arith.addi %rem3A_103, %parallel_loop3A_264 : i32
        %parallel_loop3A_286 = arith.index_cast %parallel_loop3A_285 : i32 to index
        %parallel_loop3A_287 = arith.constant 32 : index
        %parallel_loop3A_288 = tpu.vector_load %arg7[%parallel_loop3A_286, %parallel_loop3A_287] {strides = array<i32>} : memref<200x128xf32, #tpu.memory_space<vmem>>, vector<1x16xf32>,
        %parallel_loop3A_289 = vector.shape_cast %parallel_loop3A_288 : vector<1x16xf32> to vector<16xf32>
        %parallel_loop3A_290 = arith.index_cast %parallel_loop3A_264 : i32 to index
        %parallel_loop3A_291 = arith.constant 32 : index
        %parallel_loop3A_292 = tpu.vector_load %arg8[%parallel_loop3A_290, %parallel_loop3A_291] {strides = array<i32>} : memref<128x128xf32, #tpu.memory_space<vmem>>, vector<1x16xf32>,
        %parallel_loop3A_293 = vector.shape_cast %parallel_loop3A_292 : vector<1x16xf32> to vector<16xf32>
        %parallel_loop3A_294 = vector.shape_cast %parallel_loop3A_289 : vector<16xf32> to vector<1x16xf32>
        tpu.vector_store %arg8[%parallel_loop3A_290, %parallel_loop3A_291], %parallel_loop3A_294 {add = true, strides = array<i32>} : memref<128x128xf32, #tpu.memory_space<vmem>>, vector<1x16xf32>,
        %parallel_loop3A_295 = arith.addi %rem3A_103, %parallel_loop3A_264 : i32
        %parallel_loop3A_296 = arith.index_cast %parallel_loop3A_295 : i32 to index
        %parallel_loop3A_297 = arith.constant 48 : index
        %parallel_loop3A_298 = tpu.vector_load %arg7[%parallel_loop3A_296, %parallel_loop3A_297] {strides = array<i32>} : memref<200x128xf32, #tpu.memory_space<vmem>>, vector<1x16xf32>,
        %parallel_loop3A_299 = vector.shape_cast %parallel_loop3A_298 : vector<1x16xf32> to vector<16xf32>
        %parallel_loop3A_300 = arith.index_cast %parallel_loop3A_264 : i32 to index
        %parallel_loop3A_301 = arith.constant 48 : index
        %parallel_loop3A_302 = tpu.vector_load %arg8[%parallel_loop3A_300, %parallel_loop3A_301] {strides = array<i32>} : memref<128x128xf32, #tpu.memory_space<vmem>>, vector<1x16xf32>,
        %parallel_loop3A_303 = vector.shape_cast %parallel_loop3A_302 : vector<1x16xf32> to vector<16xf32>
        %parallel_loop3A_304 = vector.shape_cast %parallel_loop3A_299 : vector<16xf32> to vector<1x16xf32>
        tpu.vector_store %arg8[%parallel_loop3A_300, %parallel_loop3A_301], %parallel_loop3A_304 {add = true, strides = array<i32>} : memref<128x128xf32, #tpu.memory_space<vmem>>, vector<1x16xf32>,
        %parallel_loop3A_305 = arith.addi %rem3A_103, %parallel_loop3A_264 : i32
        %parallel_loop3A_306 = arith.index_cast %parallel_loop3A_305 : i32 to index
        %parallel_loop3A_307 = arith.constant 64 : index
        %parallel_loop3A_308 = tpu.vector_load %arg7[%parallel_loop3A_306, %parallel_loop3A_307] {strides = array<i32>} : memref<200x128xf32, #tpu.memory_space<vmem>>, vector<1x16xf32>,
        %parallel_loop3A_309 = vector.shape_cast %parallel_loop3A_308 : vector<1x16xf32> to vector<16xf32>
        %parallel_loop3A_310 = arith.index_cast %parallel_loop3A_264 : i32 to index
        %parallel_loop3A_311 = arith.constant 64 : index
        %parallel_loop3A_312 = tpu.vector_load %arg8[%parallel_loop3A_310, %parallel_loop3A_311] {strides = array<i32>} : memref<128x128xf32, #tpu.memory_space<vmem>>, vector<1x16xf32>,
        %parallel_loop3A_313 = vector.shape_cast %parallel_loop3A_312 : vector<1x16xf32> to vector<16xf32>
        %parallel_loop3A_314 = vector.shape_cast %parallel_loop3A_309 : vector<16xf32> to vector<1x16xf32>
        tpu.vector_store %arg8[%parallel_loop3A_310, %parallel_loop3A_311], %parallel_loop3A_314 {add = true, strides = array<i32>} : memref<128x128xf32, #tpu.memory_space<vmem>>, vector<1x16xf32>,
        %parallel_loop3A_315 = arith.addi %rem3A_103, %parallel_loop3A_264 : i32
        %parallel_loop3A_316 = arith.index_cast %parallel_loop3A_315 : i32 to index
        %parallel_loop3A_317 = arith.constant 80 : index
        %parallel_loop3A_318 = tpu.vector_load %arg7[%parallel_loop3A_316, %parallel_loop3A_317] {strides = array<i32>} : memref<200x128xf32, #tpu.memory_space<vmem>>, vector<1x16xf32>,
        %parallel_loop3A_319 = vector.shape_cast %parallel_loop3A_318 : vector<1x16xf32> to vector<16xf32>
        %parallel_loop3A_320 = arith.index_cast %parallel_loop3A_264 : i32 to index
        %parallel_loop3A_321 = arith.constant 80 : index
        %parallel_loop3A_322 = tpu.vector_load %arg8[%parallel_loop3A_320, %parallel_loop3A_321] {strides = array<i32>} : memref<128x128xf32, #tpu.memory_space<vmem>>, vector<1x16xf32>,
        %parallel_loop3A_323 = vector.shape_cast %parallel_loop3A_322 : vector<1x16xf32> to vector<16xf32>
        %parallel_loop3A_324 = vector.shape_cast %parallel_loop3A_319 : vector<16xf32> to vector<1x16xf32>
        tpu.vector_store %arg8[%parallel_loop3A_320, %parallel_loop3A_321], %parallel_loop3A_324 {add = true, strides = array<i32>} : memref<128x128xf32, #tpu.memory_space<vmem>>, vector<1x16xf32>,
        %parallel_loop3A_325 = arith.addi %rem3A_103, %parallel_loop3A_264 : i32
        %parallel_loop3A_326 = arith.index_cast %parallel_loop3A_325 : i32 to index
        %parallel_loop3A_327 = arith.constant 96 : index
        %parallel_loop3A_328 = tpu.vector_load %arg7[%parallel_loop3A_326, %parallel_loop3A_327] {strides = array<i32>} : memref<200x128xf32, #tpu.memory_space<vmem>>, vector<1x16xf32>,
        %parallel_loop3A_329 = vector.shape_cast %parallel_loop3A_328 : vector<1x16xf32> to vector<16xf32>
        %parallel_loop3A_330 = arith.index_cast %parallel_loop3A_264 : i32 to index
        %parallel_loop3A_331 = arith.constant 96 : index
        %parallel_loop3A_332 = tpu.vector_load %arg8[%parallel_loop3A_330, %parallel_loop3A_331] {strides = array<i32>} : memref<128x128xf32, #tpu.memory_space<vmem>>, vector<1x16xf32>,
        %parallel_loop3A_333 = vector.shape_cast %parallel_loop3A_332 : vector<1x16xf32> to vector<16xf32>
        %parallel_loop3A_334 = vector.shape_cast %parallel_loop3A_329 : vector<16xf32> to vector<1x16xf32>
        tpu.vector_store %arg8[%parallel_loop3A_330, %parallel_loop3A_331], %parallel_loop3A_334 {add = true, strides = array<i32>} : memref<128x128xf32, #tpu.memory_space<vmem>>, vector<1x16xf32>,
        %parallel_loop3A_335 = arith.addi %rem3A_103, %parallel_loop3A_264 : i32
        %parallel_loop3A_336 = arith.index_cast %parallel_loop3A_335 : i32 to index
        %parallel_loop3A_337 = arith.constant 112 : index
        %parallel_loop3A_338 = tpu.vector_load %arg7[%parallel_loop3A_336, %parallel_loop3A_337] {strides = array<i32>} : memref<200x128xf32, #tpu.memory_space<vmem>>, vector<1x16xf32>,
        %parallel_loop3A_339 = vector.shape_cast %parallel_loop3A_338 : vector<1x16xf32> to vector<16xf32>
        %parallel_loop3A_340 = arith.index_cast %parallel_loop3A_264 : i32 to index
        %parallel_loop3A_341 = arith.constant 112 : index
        %parallel_loop3A_342 = tpu.vector_load %arg8[%parallel_loop3A_340, %parallel_loop3A_341] {strides = array<i32>} : memref<128x128xf32, #tpu.memory_space<vmem>>, vector<1x16xf32>,
        %parallel_loop3A_343 = vector.shape_cast %parallel_loop3A_342 : vector<1x16xf32> to vector<16xf32>
        %parallel_loop3A_344 = vector.shape_cast %parallel_loop3A_339 : vector<16xf32> to vector<1x16xf32>
        tpu.vector_store %arg8[%parallel_loop3A_340, %parallel_loop3A_341], %parallel_loop3A_344 {add = true, strides = array<i32>} : memref<128x128xf32, #tpu.memory_space<vmem>>, vector<1x16xf32>,
      } {sc.loop_unroll_factor = 4 : i64, sc.parallel_access}
      %parallel_loop3A_107 = arith.constant 128 : i32
      %parallel_loop3A_108 = arith.constant 1 : i32
      scf.for %parallel_loop3A_264 = %min3A_105 to %parallel_loop3A_107 step %parallel_loop3A_108  : i32 {
        %parallel_loop3A_265 = arith.subi %parallel_loop3A_264, %min3A_105 : i32
        %parallel_loop3A_266 = arith.index_cast %parallel_loop3A_265 : i32 to index
        %parallel_loop3A_267 = arith.constant 0 : index
        %parallel_loop3A_268 = tpu.vector_load %arg7[%parallel_loop3A_266, %parallel_loop3A_267] {strides = array<i32>} : memref<200x128xf32, #tpu.memory_space<vmem>>, vector<1x16xf32>,
        %parallel_loop3A_269 = vector.shape_cast %parallel_loop3A_268 : vector<1x16xf32> to vector<16xf32>
        %parallel_loop3A_270 = arith.index_cast %parallel_loop3A_264 : i32 to index
        %parallel_loop3A_271 = arith.constant 0 : index
        %parallel_loop3A_272 = tpu.vector_load %arg8[%parallel_loop3A_270, %parallel_loop3A_271] {strides = array<i32>} : memref<128x128xf32, #tpu.memory_space<vmem>>, vector<1x16xf32>,
        %parallel_loop3A_273 = vector.shape_cast %parallel_loop3A_272 : vector<1x16xf32> to vector<16xf32>
        %parallel_loop3A_274 = vector.shape_cast %parallel_loop3A_269 : vector<16xf32> to vector<1x16xf32>
        tpu.vector_store %arg8[%parallel_loop3A_270, %parallel_loop3A_271], %parallel_loop3A_274 {add = true, strides = array<i32>} : memref<128x128xf32, #tpu.memory_space<vmem>>, vector<1x16xf32>,
        %parallel_loop3A_275 = arith.subi %parallel_loop3A_264, %min3A_105 : i32
        %parallel_loop3A_276 = arith.index_cast %parallel_loop3A_275 : i32 to index
        %parallel_loop3A_277 = arith.constant 16 : index
        %parallel_loop3A_278 = tpu.vector_load %arg7[%parallel_loop3A_276, %parallel_loop3A_277] {strides = array<i32>} : memref<200x128xf32, #tpu.memory_space<vmem>>, vector<1x16xf32>,
        %parallel_loop3A_279 = vector.shape_cast %parallel_loop3A_278 : vector<1x16xf32> to vector<16xf32>
        %parallel_loop3A_280 = arith.index_cast %parallel_loop3A_264 : i32 to index
        %parallel_loop3A_281 = arith.constant 16 : index
        %parallel_loop3A_282 = tpu.vector_load %arg8[%parallel_loop3A_280, %parallel_loop3A_281] {strides = array<i32>} : memref<128x128xf32, #tpu.memory_space<vmem>>, vector<1x16xf32>,
        %parallel_loop3A_283 = vector.shape_cast %parallel_loop3A_282 : vector<1x16xf32> to vector<16xf32>
        %parallel_loop3A_284 = vector.shape_cast %parallel_loop3A_279 : vector<16xf32> to vector<1x16xf32>
        tpu.vector_store %arg8[%parallel_loop3A_280, %parallel_loop3A_281], %parallel_loop3A_284 {add = true, strides = array<i32>} : memref<128x128xf32, #tpu.memory_space<vmem>>, vector<1x16xf32>,
        %parallel_loop3A_285 = arith.subi %parallel_loop3A_264, %min3A_105 : i32
        %parallel_loop3A_286 = arith.index_cast %parallel_loop3A_285 : i32 to index
        %parallel_loop3A_287 = arith.constant 32 : index
        %parallel_loop3A_288 = tpu.vector_load %arg7[%parallel_loop3A_286, %parallel_loop3A_287] {strides = array<i32>} : memref<200x128xf32, #tpu.memory_space<vmem>>, vector<1x16xf32>,
        %parallel_loop3A_289 = vector.shape_cast %parallel_loop3A_288 : vector<1x16xf32> to vector<16xf32>
        %parallel_loop3A_290 = arith.index_cast %parallel_loop3A_264 : i32 to index
        %parallel_loop3A_291 = arith.constant 32 : index
        %parallel_loop3A_292 = tpu.vector_load %arg8[%parallel_loop3A_290, %parallel_loop3A_291] {strides = array<i32>} : memref<128x128xf32, #tpu.memory_space<vmem>>, vector<1x16xf32>,
        %parallel_loop3A_293 = vector.shape_cast %parallel_loop3A_292 : vector<1x16xf32> to vector<16xf32>
        %parallel_loop3A_294 = vector.shape_cast %parallel_loop3A_289 : vector<16xf32> to vector<1x16xf32>
        tpu.vector_store %arg8[%parallel_loop3A_290, %parallel_loop3A_291], %parallel_loop3A_294 {add = true, strides = array<i32>} : memref<128x128xf32, #tpu.memory_space<vmem>>, vector<1x16xf32>,
        %parallel_loop3A_295 = arith.subi %parallel_loop3A_264, %min3A_105 : i32
        %parallel_loop3A_296 = arith.index_cast %parallel_loop3A_295 : i32 to index
        %parallel_loop3A_297 = arith.constant 48 : index
        %parallel_loop3A_298 = tpu.vector_load %arg7[%parallel_loop3A_296, %parallel_loop3A_297] {strides = array<i32>} : memref<200x128xf32, #tpu.memory_space<vmem>>, vector<1x16xf32>,
        %parallel_loop3A_299 = vector.shape_cast %parallel_loop3A_298 : vector<1x16xf32> to vector<16xf32>
        %parallel_loop3A_300 = arith.index_cast %parallel_loop3A_264 : i32 to index
        %parallel_loop3A_301 = arith.constant 48 : index
        %parallel_loop3A_302 = tpu.vector_load %arg8[%parallel_loop3A_300, %parallel_loop3A_301] {strides = array<i32>} : memref<128x128xf32, #tpu.memory_space<vmem>>, vector<1x16xf32>,
        %parallel_loop3A_303 = vector.shape_cast %parallel_loop3A_302 : vector<1x16xf32> to vector<16xf32>
        %parallel_loop3A_304 = vector.shape_cast %parallel_loop3A_299 : vector<16xf32> to vector<1x16xf32>
        tpu.vector_store %arg8[%parallel_loop3A_300, %parallel_loop3A_301], %parallel_loop3A_304 {add = true, strides = array<i32>} : memref<128x128xf32, #tpu.memory_space<vmem>>, vector<1x16xf32>,
        %parallel_loop3A_305 = arith.subi %parallel_loop3A_264, %min3A_105 : i32
        %parallel_loop3A_306 = arith.index_cast %parallel_loop3A_305 : i32 to index
        %parallel_loop3A_307 = arith.constant 64 : index
        %parallel_loop3A_308 = tpu.vector_load %arg7[%parallel_loop3A_306, %parallel_loop3A_307] {strides = array<i32>} : memref<200x128xf32, #tpu.memory_space<vmem>>, vector<1x16xf32>,
        %parallel_loop3A_309 = vector.shape_cast %parallel_loop3A_308 : vector<1x16xf32> to vector<16xf32>
        %parallel_loop3A_310 = arith.index_cast %parallel_loop3A_264 : i32 to index
        %parallel_loop3A_311 = arith.constant 64 : index
        %parallel_loop3A_312 = tpu.vector_load %arg8[%parallel_loop3A_310, %parallel_loop3A_311] {strides = array<i32>} : memref<128x128xf32, #tpu.memory_space<vmem>>, vector<1x16xf32>,
        %parallel_loop3A_313 = vector.shape_cast %parallel_loop3A_312 : vector<1x16xf32> to vector<16xf32>
        %parallel_loop3A_314 = vector.shape_cast %parallel_loop3A_309 : vector<16xf32> to vector<1x16xf32>
        tpu.vector_store %arg8[%parallel_loop3A_310, %parallel_loop3A_311], %parallel_loop3A_314 {add = true, strides = array<i32>} : memref<128x128xf32, #tpu.memory_space<vmem>>, vector<1x16xf32>,
        %parallel_loop3A_315 = arith.subi %parallel_loop3A_264, %min3A_105 : i32
        %parallel_loop3A_316 = arith.index_cast %parallel_loop3A_315 : i32 to index
        %parallel_loop3A_317 = arith.constant 80 : index
        %parallel_loop3A_318 = tpu.vector_load %arg7[%parallel_loop3A_316, %parallel_loop3A_317] {strides = array<i32>} : memref<200x128xf32, #tpu.memory_space<vmem>>, vector<1x16xf32>,
        %parallel_loop3A_319 = vector.shape_cast %parallel_loop3A_318 : vector<1x16xf32> to vector<16xf32>
        %parallel_loop3A_320 = arith.index_cast %parallel_loop3A_264 : i32 to index
        %parallel_loop3A_321 = arith.constant 80 : index
        %parallel_loop3A_322 = tpu.vector_load %arg8[%parallel_loop3A_320, %parallel_loop3A_321] {strides = array<i32>} : memref<128x128xf32, #tpu.memory_space<vmem>>, vector<1x16xf32>,
        %parallel_loop3A_323 = vector.shape_cast %parallel_loop3A_322 : vector<1x16xf32> to vector<16xf32>
        %parallel_loop3A_324 = vector.shape_cast %parallel_loop3A_319 : vector<16xf32> to vector<1x16xf32>
        tpu.vector_store %arg8[%parallel_loop3A_320, %parallel_loop3A_321], %parallel_loop3A_324 {add = true, strides = array<i32>} : memref<128x128xf32, #tpu.memory_space<vmem>>, vector<1x16xf32>,
        %parallel_loop3A_325 = arith.subi %parallel_loop3A_264, %min3A_105 : i32
        %parallel_loop3A_326 = arith.index_cast %parallel_loop3A_325 : i32 to index
        %parallel_loop3A_327 = arith.constant 96 : index
        %parallel_loop3A_328 = tpu.vector_load %arg7[%parallel_loop3A_326, %parallel_loop3A_327] {strides = array<i32>} : memref<200x128xf32, #tpu.memory_space<vmem>>, vector<1x16xf32>,
        %parallel_loop3A_329 = vector.shape_cast %parallel_loop3A_328 : vector<1x16xf32> to vector<16xf32>
        %parallel_loop3A_330 = arith.index_cast %parallel_loop3A_264 : i32 to index
        %parallel_loop3A_331 = arith.constant 96 : index
        %parallel_loop3A_332 = tpu.vector_load %arg8[%parallel_loop3A_330, %parallel_loop3A_331] {strides = array<i32>} : memref<128x128xf32, #tpu.memory_space<vmem>>, vector<1x16xf32>,
        %parallel_loop3A_333 = vector.shape_cast %parallel_loop3A_332 : vector<1x16xf32> to vector<16xf32>
        %parallel_loop3A_334 = vector.shape_cast %parallel_loop3A_329 : vector<16xf32> to vector<1x16xf32>
        tpu.vector_store %arg8[%parallel_loop3A_330, %parallel_loop3A_331], %parallel_loop3A_334 {add = true, strides = array<i32>} : memref<128x128xf32, #tpu.memory_space<vmem>>, vector<1x16xf32>,
        %parallel_loop3A_335 = arith.subi %parallel_loop3A_264, %min3A_105 : i32
        %parallel_loop3A_336 = arith.index_cast %parallel_loop3A_335 : i32 to index
        %parallel_loop3A_337 = arith.constant 112 : index
        %parallel_loop3A_338 = tpu.vector_load %arg7[%parallel_loop3A_336, %parallel_loop3A_337] {strides = array<i32>} : memref<200x128xf32, #tpu.memory_space<vmem>>, vector<1x16xf32>,
        %parallel_loop3A_339 = vector.shape_cast %parallel_loop3A_338 : vector<1x16xf32> to vector<16xf32>
        %parallel_loop3A_340 = arith.index_cast %parallel_loop3A_264 : i32 to index
        %parallel_loop3A_341 = arith.constant 112 : index
        %parallel_loop3A_342 = tpu.vector_load %arg8[%parallel_loop3A_340, %parallel_loop3A_341] {strides = array<i32>} : memref<128x128xf32, #tpu.memory_space<vmem>>, vector<1x16xf32>,
        %parallel_loop3A_343 = vector.shape_cast %parallel_loop3A_342 : vector<1x16xf32> to vector<16xf32>
        %parallel_loop3A_344 = vector.shape_cast %parallel_loop3A_339 : vector<16xf32> to vector<1x16xf32>
        tpu.vector_store %arg8[%parallel_loop3A_340, %parallel_loop3A_341], %parallel_loop3A_344 {add = true, strides = array<i32>} : memref<128x128xf32, #tpu.memory_space<vmem>>, vector<1x16xf32>,
      } {sc.loop_unroll_factor = 4 : i64, sc.parallel_access}
      %add3A_109 = arith.addi %mul3A_2, %add3A_94 : i32
      %mul3A_110 = arith.constant 128 : i32
      %mul3A_111 = arith.muli %add3A_109, %mul3A_110 : i32
      %dma_start3A_112 = arith.constant 0 : i32
      %dma_start3A_113 = tpu.memref_slice %arg5[%mul3A_111, %dma_start3A_112] : memref<204800x128xf32, #tpu.memory_space<hbm>> -> memref<128x128xf32, #tpu.memory_space<hbm>>
      %dma_start3A_114 = arith.constant 0 : i32
      %dma_start3A_115 = tpu.memref_slice %arg5[%mul3A_111, %dma_start3A_114] : memref<204800x128xf32, #tpu.memory_space<hbm>> -> memref<128x128xf32, #tpu.memory_space<hbm>>
      tpu.enqueue_dma source(%arg8 : memref<128x128xf32, #tpu.memory_space<vmem>>) target(%dma_start3A_115 : memref<128x128xf32, #tpu.memory_space<hbm>>) target_semaphore(%arg18 : memref<!tpu.dma_semaphore, #tpu.memory_space<semaphore_mem>>)
      %add3A_116 = arith.constant 4 : i32
      %add3A_117 = arith.addi %add3A_94, %add3A_116 : i32
      %lt3A = arith.constant 50 : i32
      %lt3A_118 = arith.cmpi slt, %add3A_117, %lt3A : i32
      %convert_element_type3A = arith.extui %lt3A_118 : i1 to i32
      %cond3A = arith.constant 0 : i32
      %cond3A_119 = arith.cmpi ne, %convert_element_type3A, %cond3A : i32
      scf.if %cond3A_119 {
        %ge3A = arith.constant 1 : i32
        %ge3A_264 = arith.cmpi sge, %add3A_94, %ge3A : i32
        %convert_element_type3A_265 = arith.extui %ge3A_264 : i1 to i32
        %cond3A_266 = arith.constant 0 : i32
        %cond3A_267 = arith.cmpi ne, %convert_element_type3A_265, %cond3A_266 : i32
        scf.if %cond3A_267 {
          %sub3A_274 = arith.constant 5 : i32
          %sub3A_275 = arith.subi %add3A_117, %sub3A_274 : i32
          %add3A_276 = arith.addi %mul3A_2, %sub3A_275 : i32
          %mul3A_277 = arith.constant 128 : i32
          %mul3A_278 = arith.muli %add3A_276, %mul3A_277 : i32
          %dma_wait3A_279 = arith.constant 0 : i32
          %dma_wait3A_280 = tpu.memref_slice %arg5[%mul3A_278, %dma_wait3A_279] : memref<204800x128xf32, #tpu.memory_space<hbm>> -> memref<128x128xf32, #tpu.memory_space<hbm>>
          %dma_wait3A_281 = arith.constant 0 : i32
          %dma_wait3A_282 = tpu.memref_slice %arg5[%mul3A_278, %dma_wait3A_281] : memref<204800x128xf32, #tpu.memory_space<hbm>> -> memref<128x128xf32, #tpu.memory_space<hbm>>
          tpu.wait_dma2 semaphore(%arg22 : memref<!tpu.dma_semaphore, #tpu.memory_space<semaphore_mem>>) src(%arg12 : memref<128x128xf32, #tpu.memory_space<vmem>>) dst(%dma_wait3A_282 : memref<128x128xf32, #tpu.memory_space<hbm>>)
        } else {
        }
        %dma_start3A_268 = arith.constant 0 : i32
        %dma_start3A_269 = tpu.memref_slice %arg6[%add3A_117, %dma_start3A_268] : memref<50x128xi32, #tpu.memory_space<vmem>> -> memref<1x128xi32, #tpu.memory_space<vmem>>
        %dma_start3A_270 = tpu.memref_squeeze %dma_start3A_269 : memref<1x128xi32, #tpu.memory_space<vmem>> -> memref<128xi32, #tpu.memory_space<vmem>>
        %dma_start3A_271 = arith.constant 0 : i32
        %dma_start3A_272 = arith.constant 0 : i32
        %dma_start3A_273 = tpu.memref_slice %arg3[%dma_start3A_271, %dma_start3A_272] : memref<100000x128xf32, #tpu.memory_space<hbm>> -> memref<100000x128xf32, #tpu.memory_space<hbm>>
        tpu.enqueue_indirect_dma source(%dma_start3A_273 : memref<100000x128xf32, #tpu.memory_space<hbm>>) target(%arg12 : memref<128x128xf32, #tpu.memory_space<vmem>>) offsets(%dma_start3A_270 : memref<128xi32, #tpu.memory_space<vmem>>) semaphore(%arg17 : memref<!tpu.dma_semaphore, #tpu.memory_space<semaphore_mem>>)
      } else {
      }
      %mul3A_120 = arith.constant 5 : i32
      %mul3A_121 = arith.muli %scan3A_90, %mul3A_120 : i32
      %add3A_122 = arith.constant 1 : i32
      %add3A_123 = arith.addi %mul3A_121, %add3A_122 : i32
      %dma_wait3A_124 = arith.constant 0 : i32
      %dma_wait3A_125 = tpu.memref_slice %arg6[%add3A_123, %dma_wait3A_124] : memref<50x128xi32, #tpu.memory_space<vmem>> -> memref<1x128xi32, #tpu.memory_space<vmem>>
      %dma_wait3A_126 = tpu.memref_squeeze %dma_wait3A_125 : memref<1x128xi32, #tpu.memory_space<vmem>> -> memref<128xi32, #tpu.memory_space<vmem>>
      %dma_wait3A_127 = arith.constant 0 : i32
      %dma_wait3A_128 = arith.constant 0 : i32
      %dma_wait3A_129 = tpu.memref_slice %arg3[%dma_wait3A_127, %dma_wait3A_128] : memref<100000x128xf32, #tpu.memory_space<hbm>> -> memref<100000x128xf32, #tpu.memory_space<hbm>>
      tpu.wait_indirect_dma semaphore(%arg14 : memref<!tpu.dma_semaphore, #tpu.memory_space<semaphore_mem>>) src(%dma_wait3A_129 : memref<100000x128xf32, #tpu.memory_space<hbm>>) dst(%arg9 : memref<128x128xf32, #tpu.memory_space<vmem>>)
      %mul3A_130 = arith.constant 128 : i32
      %mul3A_131 = arith.muli %add3A_123, %mul3A_130 : i32
      %rem3A_132 = arith.constant 200 : i32
      %rem3A_133 = arith.remsi %mul3A_131, %rem3A_132 : i32
      %sub3A_134 = arith.constant 200 : i32
      %sub3A_135 = arith.subi %sub3A_134, %rem3A_133 : i32
      %min3A_136 = arith.constant 128 : i32
      %min3A_137 = arith.minsi %min3A_136, %sub3A_135 : i32
      %parallel_loop3A_138 = arith.constant 0 : i32
      %parallel_loop3A_139 = arith.constant 1 : i32
      scf.for %parallel_loop3A_264 = %parallel_loop3A_138 to %min3A_137 step %parallel_loop3A_139  : i32 {
        %parallel_loop3A_265 = arith.addi %rem3A_133, %parallel_loop3A_264 : i32
        %parallel_loop3A_266 = arith.index_cast %parallel_loop3A_265 : i32 to index
        %parallel_loop3A_267 = arith.constant 0 : index
        %parallel_loop3A_268 = tpu.vector_load %arg7[%parallel_loop3A_266, %parallel_loop3A_267] {strides = array<i32>} : memref<200x128xf32, #tpu.memory_space<vmem>>, vector<1x16xf32>,
        %parallel_loop3A_269 = vector.shape_cast %parallel_loop3A_268 : vector<1x16xf32> to vector<16xf32>
        %parallel_loop3A_270 = arith.index_cast %parallel_loop3A_264 : i32 to index
        %parallel_loop3A_271 = arith.constant 0 : index
        %parallel_loop3A_272 = tpu.vector_load %arg9[%parallel_loop3A_270, %parallel_loop3A_271] {strides = array<i32>} : memref<128x128xf32, #tpu.memory_space<vmem>>, vector<1x16xf32>,
        %parallel_loop3A_273 = vector.shape_cast %parallel_loop3A_272 : vector<1x16xf32> to vector<16xf32>
        %parallel_loop3A_274 = vector.shape_cast %parallel_loop3A_269 : vector<16xf32> to vector<1x16xf32>
        tpu.vector_store %arg9[%parallel_loop3A_270, %parallel_loop3A_271], %parallel_loop3A_274 {add = true, strides = array<i32>} : memref<128x128xf32, #tpu.memory_space<vmem>>, vector<1x16xf32>,
        %parallel_loop3A_275 = arith.addi %rem3A_133, %parallel_loop3A_264 : i32
        %parallel_loop3A_276 = arith.index_cast %parallel_loop3A_275 : i32 to index
        %parallel_loop3A_277 = arith.constant 16 : index
        %parallel_loop3A_278 = tpu.vector_load %arg7[%parallel_loop3A_276, %parallel_loop3A_277] {strides = array<i32>} : memref<200x128xf32, #tpu.memory_space<vmem>>, vector<1x16xf32>,
        %parallel_loop3A_279 = vector.shape_cast %parallel_loop3A_278 : vector<1x16xf32> to vector<16xf32>
        %parallel_loop3A_280 = arith.index_cast %parallel_loop3A_264 : i32 to index
        %parallel_loop3A_281 = arith.constant 16 : index
        %parallel_loop3A_282 = tpu.vector_load %arg9[%parallel_loop3A_280, %parallel_loop3A_281] {strides = array<i32>} : memref<128x128xf32, #tpu.memory_space<vmem>>, vector<1x16xf32>,
        %parallel_loop3A_283 = vector.shape_cast %parallel_loop3A_282 : vector<1x16xf32> to vector<16xf32>
        %parallel_loop3A_284 = vector.shape_cast %parallel_loop3A_279 : vector<16xf32> to vector<1x16xf32>
        tpu.vector_store %arg9[%parallel_loop3A_280, %parallel_loop3A_281], %parallel_loop3A_284 {add = true, strides = array<i32>} : memref<128x128xf32, #tpu.memory_space<vmem>>, vector<1x16xf32>,
        %parallel_loop3A_285 = arith.addi %rem3A_133, %parallel_loop3A_264 : i32
        %parallel_loop3A_286 = arith.index_cast %parallel_loop3A_285 : i32 to index
        %parallel_loop3A_287 = arith.constant 32 : index
        %parallel_loop3A_288 = tpu.vector_load %arg7[%parallel_loop3A_286, %parallel_loop3A_287] {strides = array<i32>} : memref<200x128xf32, #tpu.memory_space<vmem>>, vector<1x16xf32>,
        %parallel_loop3A_289 = vector.shape_cast %parallel_loop3A_288 : vector<1x16xf32> to vector<16xf32>
        %parallel_loop3A_290 = arith.index_cast %parallel_loop3A_264 : i32 to index
        %parallel_loop3A_291 = arith.constant 32 : index
        %parallel_loop3A_292 = tpu.vector_load %arg9[%parallel_loop3A_290, %parallel_loop3A_291] {strides = array<i32>} : memref<128x128xf32, #tpu.memory_space<vmem>>, vector<1x16xf32>,
        %parallel_loop3A_293 = vector.shape_cast %parallel_loop3A_292 : vector<1x16xf32> to vector<16xf32>
        %parallel_loop3A_294 = vector.shape_cast %parallel_loop3A_289 : vector<16xf32> to vector<1x16xf32>
        tpu.vector_store %arg9[%parallel_loop3A_290, %parallel_loop3A_291], %parallel_loop3A_294 {add = true, strides = array<i32>} : memref<128x128xf32, #tpu.memory_space<vmem>>, vector<1x16xf32>,
        %parallel_loop3A_295 = arith.addi %rem3A_133, %parallel_loop3A_264 : i32
        %parallel_loop3A_296 = arith.index_cast %parallel_loop3A_295 : i32 to index
        %parallel_loop3A_297 = arith.constant 48 : index
        %parallel_loop3A_298 = tpu.vector_load %arg7[%parallel_loop3A_296, %parallel_loop3A_297] {strides = array<i32>} : memref<200x128xf32, #tpu.memory_space<vmem>>, vector<1x16xf32>,
        %parallel_loop3A_299 = vector.shape_cast %parallel_loop3A_298 : vector<1x16xf32> to vector<16xf32>
        %parallel_loop3A_300 = arith.index_cast %parallel_loop3A_264 : i32 to index
        %parallel_loop3A_301 = arith.constant 48 : index
        %parallel_loop3A_302 = tpu.vector_load %arg9[%parallel_loop3A_300, %parallel_loop3A_301] {strides = array<i32>} : memref<128x128xf32, #tpu.memory_space<vmem>>, vector<1x16xf32>,
        %parallel_loop3A_303 = vector.shape_cast %parallel_loop3A_302 : vector<1x16xf32> to vector<16xf32>
        %parallel_loop3A_304 = vector.shape_cast %parallel_loop3A_299 : vector<16xf32> to vector<1x16xf32>
        tpu.vector_store %arg9[%parallel_loop3A_300, %parallel_loop3A_301], %parallel_loop3A_304 {add = true, strides = array<i32>} : memref<128x128xf32, #tpu.memory_space<vmem>>, vector<1x16xf32>,
        %parallel_loop3A_305 = arith.addi %rem3A_133, %parallel_loop3A_264 : i32
        %parallel_loop3A_306 = arith.index_cast %parallel_loop3A_305 : i32 to index
        %parallel_loop3A_307 = arith.constant 64 : index
        %parallel_loop3A_308 = tpu.vector_load %arg7[%parallel_loop3A_306, %parallel_loop3A_307] {strides = array<i32>} : memref<200x128xf32, #tpu.memory_space<vmem>>, vector<1x16xf32>,
        %parallel_loop3A_309 = vector.shape_cast %parallel_loop3A_308 : vector<1x16xf32> to vector<16xf32>
        %parallel_loop3A_310 = arith.index_cast %parallel_loop3A_264 : i32 to index
        %parallel_loop3A_311 = arith.constant 64 : index
        %parallel_loop3A_312 = tpu.vector_load %arg9[%parallel_loop3A_310, %parallel_loop3A_311] {strides = array<i32>} : memref<128x128xf32, #tpu.memory_space<vmem>>, vector<1x16xf32>,
        %parallel_loop3A_313 = vector.shape_cast %parallel_loop3A_312 : vector<1x16xf32> to vector<16xf32>
        %parallel_loop3A_314 = vector.shape_cast %parallel_loop3A_309 : vector<16xf32> to vector<1x16xf32>
        tpu.vector_store %arg9[%parallel_loop3A_310, %parallel_loop3A_311], %parallel_loop3A_314 {add = true, strides = array<i32>} : memref<128x128xf32, #tpu.memory_space<vmem>>, vector<1x16xf32>,
        %parallel_loop3A_315 = arith.addi %rem3A_133, %parallel_loop3A_264 : i32
        %parallel_loop3A_316 = arith.index_cast %parallel_loop3A_315 : i32 to index
        %parallel_loop3A_317 = arith.constant 80 : index
        %parallel_loop3A_318 = tpu.vector_load %arg7[%parallel_loop3A_316, %parallel_loop3A_317] {strides = array<i32>} : memref<200x128xf32, #tpu.memory_space<vmem>>, vector<1x16xf32>,
        %parallel_loop3A_319 = vector.shape_cast %parallel_loop3A_318 : vector<1x16xf32> to vector<16xf32>
        %parallel_loop3A_320 = arith.index_cast %parallel_loop3A_264 : i32 to index
        %parallel_loop3A_321 = arith.constant 80 : index
        %parallel_loop3A_322 = tpu.vector_load %arg9[%parallel_loop3A_320, %parallel_loop3A_321] {strides = array<i32>} : memref<128x128xf32, #tpu.memory_space<vmem>>, vector<1x16xf32>,
        %parallel_loop3A_323 = vector.shape_cast %parallel_loop3A_322 : vector<1x16xf32> to vector<16xf32>
        %parallel_loop3A_324 = vector.shape_cast %parallel_loop3A_319 : vector<16xf32> to vector<1x16xf32>
        tpu.vector_store %arg9[%parallel_loop3A_320, %parallel_loop3A_321], %parallel_loop3A_324 {add = true, strides = array<i32>} : memref<128x128xf32, #tpu.memory_space<vmem>>, vector<1x16xf32>,
        %parallel_loop3A_325 = arith.addi %rem3A_133, %parallel_loop3A_264 : i32
        %parallel_loop3A_326 = arith.index_cast %parallel_loop3A_325 : i32 to index
        %parallel_loop3A_327 = arith.constant 96 : index
        %parallel_loop3A_328 = tpu.vector_load %arg7[%parallel_loop3A_326, %parallel_loop3A_327] {strides = array<i32>} : memref<200x128xf32, #tpu.memory_space<vmem>>, vector<1x16xf32>,
        %parallel_loop3A_329 = vector.shape_cast %parallel_loop3A_328 : vector<1x16xf32> to vector<16xf32>
        %parallel_loop3A_330 = arith.index_cast %parallel_loop3A_264 : i32 to index
        %parallel_loop3A_331 = arith.constant 96 : index
        %parallel_loop3A_332 = tpu.vector_load %arg9[%parallel_loop3A_330, %parallel_loop3A_331] {strides = array<i32>} : memref<128x128xf32, #tpu.memory_space<vmem>>, vector<1x16xf32>,
        %parallel_loop3A_333 = vector.shape_cast %parallel_loop3A_332 : vector<1x16xf32> to vector<16xf32>
        %parallel_loop3A_334 = vector.shape_cast %parallel_loop3A_329 : vector<16xf32> to vector<1x16xf32>
        tpu.vector_store %arg9[%parallel_loop3A_330, %parallel_loop3A_331], %parallel_loop3A_334 {add = true, strides = array<i32>} : memref<128x128xf32, #tpu.memory_space<vmem>>, vector<1x16xf32>,
        %parallel_loop3A_335 = arith.addi %rem3A_133, %parallel_loop3A_264 : i32
        %parallel_loop3A_336 = arith.index_cast %parallel_loop3A_335 : i32 to index
        %parallel_loop3A_337 = arith.constant 112 : index
        %parallel_loop3A_338 = tpu.vector_load %arg7[%parallel_loop3A_336, %parallel_loop3A_337] {strides = array<i32>} : memref<200x128xf32, #tpu.memory_space<vmem>>, vector<1x16xf32>,
        %parallel_loop3A_339 = vector.shape_cast %parallel_loop3A_338 : vector<1x16xf32> to vector<16xf32>
        %parallel_loop3A_340 = arith.index_cast %parallel_loop3A_264 : i32 to index
        %parallel_loop3A_341 = arith.constant 112 : index
        %parallel_loop3A_342 = tpu.vector_load %arg9[%parallel_loop3A_340, %parallel_loop3A_341] {strides = array<i32>} : memref<128x128xf32, #tpu.memory_space<vmem>>, vector<1x16xf32>,
        %parallel_loop3A_343 = vector.shape_cast %parallel_loop3A_342 : vector<1x16xf32> to vector<16xf32>
        %parallel_loop3A_344 = vector.shape_cast %parallel_loop3A_339 : vector<16xf32> to vector<1x16xf32>
        tpu.vector_store %arg9[%parallel_loop3A_340, %parallel_loop3A_341], %parallel_loop3A_344 {add = true, strides = array<i32>} : memref<128x128xf32, #tpu.memory_space<vmem>>, vector<1x16xf32>,
      } {sc.loop_unroll_factor = 4 : i64, sc.parallel_access}
      %parallel_loop3A_140 = arith.constant 128 : i32
      %parallel_loop3A_141 = arith.constant 1 : i32
      scf.for %parallel_loop3A_264 = %min3A_137 to %parallel_loop3A_140 step %parallel_loop3A_141  : i32 {
        %parallel_loop3A_265 = arith.subi %parallel_loop3A_264, %min3A_137 : i32
        %parallel_loop3A_266 = arith.index_cast %parallel_loop3A_265 : i32 to index
        %parallel_loop3A_267 = arith.constant 0 : index
        %parallel_loop3A_268 = tpu.vector_load %arg7[%parallel_loop3A_266, %parallel_loop3A_267] {strides = array<i32>} : memref<200x128xf32, #tpu.memory_space<vmem>>, vector<1x16xf32>,
        %parallel_loop3A_269 = vector.shape_cast %parallel_loop3A_268 : vector<1x16xf32> to vector<16xf32>
        %parallel_loop3A_270 = arith.index_cast %parallel_loop3A_264 : i32 to index
        %parallel_loop3A_271 = arith.constant 0 : index
        %parallel_loop3A_272 = tpu.vector_load %arg9[%parallel_loop3A_270, %parallel_loop3A_271] {strides = array<i32>} : memref<128x128xf32, #tpu.memory_space<vmem>>, vector<1x16xf32>,
        %parallel_loop3A_273 = vector.shape_cast %parallel_loop3A_272 : vector<1x16xf32> to vector<16xf32>
        %parallel_loop3A_274 = vector.shape_cast %parallel_loop3A_269 : vector<16xf32> to vector<1x16xf32>
        tpu.vector_store %arg9[%parallel_loop3A_270, %parallel_loop3A_271], %parallel_loop3A_274 {add = true, strides = array<i32>} : memref<128x128xf32, #tpu.memory_space<vmem>>, vector<1x16xf32>,
        %parallel_loop3A_275 = arith.subi %parallel_loop3A_264, %min3A_137 : i32
        %parallel_loop3A_276 = arith.index_cast %parallel_loop3A_275 : i32 to index
        %parallel_loop3A_277 = arith.constant 16 : index
        %parallel_loop3A_278 = tpu.vector_load %arg7[%parallel_loop3A_276, %parallel_loop3A_277] {strides = array<i32>} : memref<200x128xf32, #tpu.memory_space<vmem>>, vector<1x16xf32>,
        %parallel_loop3A_279 = vector.shape_cast %parallel_loop3A_278 : vector<1x16xf32> to vector<16xf32>
        %parallel_loop3A_280 = arith.index_cast %parallel_loop3A_264 : i32 to index
        %parallel_loop3A_281 = arith.constant 16 : index
        %parallel_loop3A_282 = tpu.vector_load %arg9[%parallel_loop3A_280, %parallel_loop3A_281] {strides = array<i32>} : memref<128x128xf32, #tpu.memory_space<vmem>>, vector<1x16xf32>,
        %parallel_loop3A_283 = vector.shape_cast %parallel_loop3A_282 : vector<1x16xf32> to vector<16xf32>
        %parallel_loop3A_284 = vector.shape_cast %parallel_loop3A_279 : vector<16xf32> to vector<1x16xf32>
        tpu.vector_store %arg9[%parallel_loop3A_280, %parallel_loop3A_281], %parallel_loop3A_284 {add = true, strides = array<i32>} : memref<128x128xf32, #tpu.memory_space<vmem>>, vector<1x16xf32>,
        %parallel_loop3A_285 = arith.subi %parallel_loop3A_264, %min3A_137 : i32
        %parallel_loop3A_286 = arith.index_cast %parallel_loop3A_285 : i32 to index
        %parallel_loop3A_287 = arith.constant 32 : index
        %parallel_loop3A_288 = tpu.vector_load %arg7[%parallel_loop3A_286, %parallel_loop3A_287] {strides = array<i32>} : memref<200x128xf32, #tpu.memory_space<vmem>>, vector<1x16xf32>,
        %parallel_loop3A_289 = vector.shape_cast %parallel_loop3A_288 : vector<1x16xf32> to vector<16xf32>
        %parallel_loop3A_290 = arith.index_cast %parallel_loop3A_264 : i32 to index
        %parallel_loop3A_291 = arith.constant 32 : index
        %parallel_loop3A_292 = tpu.vector_load %arg9[%parallel_loop3A_290, %parallel_loop3A_291] {strides = array<i32>} : memref<128x128xf32, #tpu.memory_space<vmem>>, vector<1x16xf32>,
        %parallel_loop3A_293 = vector.shape_cast %parallel_loop3A_292 : vector<1x16xf32> to vector<16xf32>
        %parallel_loop3A_294 = vector.shape_cast %parallel_loop3A_289 : vector<16xf32> to vector<1x16xf32>
        tpu.vector_store %arg9[%parallel_loop3A_290, %parallel_loop3A_291], %parallel_loop3A_294 {add = true, strides = array<i32>} : memref<128x128xf32, #tpu.memory_space<vmem>>, vector<1x16xf32>,
        %parallel_loop3A_295 = arith.subi %parallel_loop3A_264, %min3A_137 : i32
        %parallel_loop3A_296 = arith.index_cast %parallel_loop3A_295 : i32 to index
        %parallel_loop3A_297 = arith.constant 48 : index
        %parallel_loop3A_298 = tpu.vector_load %arg7[%parallel_loop3A_296, %parallel_loop3A_297] {strides = array<i32>} : memref<200x128xf32, #tpu.memory_space<vmem>>, vector<1x16xf32>,
        %parallel_loop3A_299 = vector.shape_cast %parallel_loop3A_298 : vector<1x16xf32> to vector<16xf32>
        %parallel_loop3A_300 = arith.index_cast %parallel_loop3A_264 : i32 to index
        %parallel_loop3A_301 = arith.constant 48 : index
        %parallel_loop3A_302 = tpu.vector_load %arg9[%parallel_loop3A_300, %parallel_loop3A_301] {strides = array<i32>} : memref<128x128xf32, #tpu.memory_space<vmem>>, vector<1x16xf32>,
        %parallel_loop3A_303 = vector.shape_cast %parallel_loop3A_302 : vector<1x16xf32> to vector<16xf32>
        %parallel_loop3A_304 = vector.shape_cast %parallel_loop3A_299 : vector<16xf32> to vector<1x16xf32>
        tpu.vector_store %arg9[%parallel_loop3A_300, %parallel_loop3A_301], %parallel_loop3A_304 {add = true, strides = array<i32>} : memref<128x128xf32, #tpu.memory_space<vmem>>, vector<1x16xf32>,
        %parallel_loop3A_305 = arith.subi %parallel_loop3A_264, %min3A_137 : i32
        %parallel_loop3A_306 = arith.index_cast %parallel_loop3A_305 : i32 to index
        %parallel_loop3A_307 = arith.constant 64 : index
        %parallel_loop3A_308 = tpu.vector_load %arg7[%parallel_loop3A_306, %parallel_loop3A_307] {strides = array<i32>} : memref<200x128xf32, #tpu.memory_space<vmem>>, vector<1x16xf32>,
        %parallel_loop3A_309 = vector.shape_cast %parallel_loop3A_308 : vector<1x16xf32> to vector<16xf32>
        %parallel_loop3A_310 = arith.index_cast %parallel_loop3A_264 : i32 to index
        %parallel_loop3A_311 = arith.constant 64 : index
        %parallel_loop3A_312 = tpu.vector_load %arg9[%parallel_loop3A_310, %parallel_loop3A_311] {strides = array<i32>} : memref<128x128xf32, #tpu.memory_space<vmem>>, vector<1x16xf32>,
        %parallel_loop3A_313 = vector.shape_cast %parallel_loop3A_312 : vector<1x16xf32> to vector<16xf32>
        %parallel_loop3A_314 = vector.shape_cast %parallel_loop3A_309 : vector<16xf32> to vector<1x16xf32>
        tpu.vector_store %arg9[%parallel_loop3A_310, %parallel_loop3A_311], %parallel_loop3A_314 {add = true, strides = array<i32>} : memref<128x128xf32, #tpu.memory_space<vmem>>, vector<1x16xf32>,
        %parallel_loop3A_315 = arith.subi %parallel_loop3A_264, %min3A_137 : i32
        %parallel_loop3A_316 = arith.index_cast %parallel_loop3A_315 : i32 to index
        %parallel_loop3A_317 = arith.constant 80 : index
        %parallel_loop3A_318 = tpu.vector_load %arg7[%parallel_loop3A_316, %parallel_loop3A_317] {strides = array<i32>} : memref<200x128xf32, #tpu.memory_space<vmem>>, vector<1x16xf32>,
        %parallel_loop3A_319 = vector.shape_cast %parallel_loop3A_318 : vector<1x16xf32> to vector<16xf32>
        %parallel_loop3A_320 = arith.index_cast %parallel_loop3A_264 : i32 to index
        %parallel_loop3A_321 = arith.constant 80 : index
        %parallel_loop3A_322 = tpu.vector_load %arg9[%parallel_loop3A_320, %parallel_loop3A_321] {strides = array<i32>} : memref<128x128xf32, #tpu.memory_space<vmem>>, vector<1x16xf32>,
        %parallel_loop3A_323 = vector.shape_cast %parallel_loop3A_322 : vector<1x16xf32> to vector<16xf32>
        %parallel_loop3A_324 = vector.shape_cast %parallel_loop3A_319 : vector<16xf32> to vector<1x16xf32>
        tpu.vector_store %arg9[%parallel_loop3A_320, %parallel_loop3A_321], %parallel_loop3A_324 {add = true, strides = array<i32>} : memref<128x128xf32, #tpu.memory_space<vmem>>, vector<1x16xf32>,
        %parallel_loop3A_325 = arith.subi %parallel_loop3A_264, %min3A_137 : i32
        %parallel_loop3A_326 = arith.index_cast %parallel_loop3A_325 : i32 to index
        %parallel_loop3A_327 = arith.constant 96 : index
        %parallel_loop3A_328 = tpu.vector_load %arg7[%parallel_loop3A_326, %parallel_loop3A_327] {strides = array<i32>} : memref<200x128xf32, #tpu.memory_space<vmem>>, vector<1x16xf32>,
        %parallel_loop3A_329 = vector.shape_cast %parallel_loop3A_328 : vector<1x16xf32> to vector<16xf32>
        %parallel_loop3A_330 = arith.index_cast %parallel_loop3A_264 : i32 to index
        %parallel_loop3A_331 = arith.constant 96 : index
        %parallel_loop3A_332 = tpu.vector_load %arg9[%parallel_loop3A_330, %parallel_loop3A_331] {strides = array<i32>} : memref<128x128xf32, #tpu.memory_space<vmem>>, vector<1x16xf32>,
        %parallel_loop3A_333 = vector.shape_cast %parallel_loop3A_332 : vector<1x16xf32> to vector<16xf32>
        %parallel_loop3A_334 = vector.shape_cast %parallel_loop3A_329 : vector<16xf32> to vector<1x16xf32>
        tpu.vector_store %arg9[%parallel_loop3A_330, %parallel_loop3A_331], %parallel_loop3A_334 {add = true, strides = array<i32>} : memref<128x128xf32, #tpu.memory_space<vmem>>, vector<1x16xf32>,
        %parallel_loop3A_335 = arith.subi %parallel_loop3A_264, %min3A_137 : i32
        %parallel_loop3A_336 = arith.index_cast %parallel_loop3A_335 : i32 to index
        %parallel_loop3A_337 = arith.constant 112 : index
        %parallel_loop3A_338 = tpu.vector_load %arg7[%parallel_loop3A_336, %parallel_loop3A_337] {strides = array<i32>} : memref<200x128xf32, #tpu.memory_space<vmem>>, vector<1x16xf32>,
        %parallel_loop3A_339 = vector.shape_cast %parallel_loop3A_338 : vector<1x16xf32> to vector<16xf32>
        %parallel_loop3A_340 = arith.index_cast %parallel_loop3A_264 : i32 to index
        %parallel_loop3A_341 = arith.constant 112 : index
        %parallel_loop3A_342 = tpu.vector_load %arg9[%parallel_loop3A_340, %parallel_loop3A_341] {strides = array<i32>} : memref<128x128xf32, #tpu.memory_space<vmem>>, vector<1x16xf32>,
        %parallel_loop3A_343 = vector.shape_cast %parallel_loop3A_342 : vector<1x16xf32> to vector<16xf32>
        %parallel_loop3A_344 = vector.shape_cast %parallel_loop3A_339 : vector<16xf32> to vector<1x16xf32>
        tpu.vector_store %arg9[%parallel_loop3A_340, %parallel_loop3A_341], %parallel_loop3A_344 {add = true, strides = array<i32>} : memref<128x128xf32, #tpu.memory_space<vmem>>, vector<1x16xf32>,
      } {sc.loop_unroll_factor = 4 : i64, sc.parallel_access}
      %add3A_142 = arith.addi %mul3A_2, %add3A_123 : i32
      %mul3A_143 = arith.constant 128 : i32
      %mul3A_144 = arith.muli %add3A_142, %mul3A_143 : i32
      %dma_start3A_145 = arith.constant 0 : i32
      %dma_start3A_146 = tpu.memref_slice %arg5[%mul3A_144, %dma_start3A_145] : memref<204800x128xf32, #tpu.memory_space<hbm>> -> memref<128x128xf32, #tpu.memory_space<hbm>>
      %dma_start3A_147 = arith.constant 0 : i32
      %dma_start3A_148 = tpu.memref_slice %arg5[%mul3A_144, %dma_start3A_147] : memref<204800x128xf32, #tpu.memory_space<hbm>> -> memref<128x128xf32, #tpu.memory_space<hbm>>
      tpu.enqueue_dma source(%arg9 : memref<128x128xf32, #tpu.memory_space<vmem>>) target(%dma_start3A_148 : memref<128x128xf32, #tpu.memory_space<hbm>>) target_semaphore(%arg19 : memref<!tpu.dma_semaphore, #tpu.memory_space<semaphore_mem>>)
      %add3A_149 = arith.constant 4 : i32
      %add3A_150 = arith.addi %add3A_123, %add3A_149 : i32
      %lt3A_151 = arith.constant 50 : i32
      %lt3A_152 = arith.cmpi slt, %add3A_150, %lt3A_151 : i32
      %convert_element_type3A_153 = arith.extui %lt3A_152 : i1 to i32
      %cond3A_154 = arith.constant 0 : i32
      %cond3A_155 = arith.cmpi ne, %convert_element_type3A_153, %cond3A_154 : i32
      scf.if %cond3A_155 {
        %ge3A = arith.constant 1 : i32
        %ge3A_264 = arith.cmpi sge, %add3A_123, %ge3A : i32
        %convert_element_type3A_265 = arith.extui %ge3A_264 : i1 to i32
        %cond3A_266 = arith.constant 0 : i32
        %cond3A_267 = arith.cmpi ne, %convert_element_type3A_265, %cond3A_266 : i32
        scf.if %cond3A_267 {
          %sub3A_274 = arith.constant 5 : i32
          %sub3A_275 = arith.subi %add3A_150, %sub3A_274 : i32
          %add3A_276 = arith.addi %mul3A_2, %sub3A_275 : i32
          %mul3A_277 = arith.constant 128 : i32
          %mul3A_278 = arith.muli %add3A_276, %mul3A_277 : i32
          %dma_wait3A_279 = arith.constant 0 : i32
          %dma_wait3A_280 = tpu.memref_slice %arg5[%mul3A_278, %dma_wait3A_279] : memref<204800x128xf32, #tpu.memory_space<hbm>> -> memref<128x128xf32, #tpu.memory_space<hbm>>
          %dma_wait3A_281 = arith.constant 0 : i32
          %dma_wait3A_282 = tpu.memref_slice %arg5[%mul3A_278, %dma_wait3A_281] : memref<204800x128xf32, #tpu.memory_space<hbm>> -> memref<128x128xf32, #tpu.memory_space<hbm>>
          tpu.wait_dma2 semaphore(%arg18 : memref<!tpu.dma_semaphore, #tpu.memory_space<semaphore_mem>>) src(%arg8 : memref<128x128xf32, #tpu.memory_space<vmem>>) dst(%dma_wait3A_282 : memref<128x128xf32, #tpu.memory_space<hbm>>)
        } else {
        }
        %dma_start3A_268 = arith.constant 0 : i32
        %dma_start3A_269 = tpu.memref_slice %arg6[%add3A_150, %dma_start3A_268] : memref<50x128xi32, #tpu.memory_space<vmem>> -> memref<1x128xi32, #tpu.memory_space<vmem>>
        %dma_start3A_270 = tpu.memref_squeeze %dma_start3A_269 : memref<1x128xi32, #tpu.memory_space<vmem>> -> memref<128xi32, #tpu.memory_space<vmem>>
        %dma_start3A_271 = arith.constant 0 : i32
        %dma_start3A_272 = arith.constant 0 : i32
        %dma_start3A_273 = tpu.memref_slice %arg3[%dma_start3A_271, %dma_start3A_272] : memref<100000x128xf32, #tpu.memory_space<hbm>> -> memref<100000x128xf32, #tpu.memory_space<hbm>>
        tpu.enqueue_indirect_dma source(%dma_start3A_273 : memref<100000x128xf32, #tpu.memory_space<hbm>>) target(%arg8 : memref<128x128xf32, #tpu.memory_space<vmem>>) offsets(%dma_start3A_270 : memref<128xi32, #tpu.memory_space<vmem>>) semaphore(%arg13 : memref<!tpu.dma_semaphore, #tpu.memory_space<semaphore_mem>>)
      } else {
      }
      %mul3A_156 = arith.constant 5 : i32
      %mul3A_157 = arith.muli %scan3A_90, %mul3A_156 : i32
      %add3A_158 = arith.constant 2 : i32
      %add3A_159 = arith.addi %mul3A_157, %add3A_158 : i32
      %dma_wait3A_160 = arith.constant 0 : i32
      %dma_wait3A_161 = tpu.memref_slice %arg6[%add3A_159, %dma_wait3A_160] : memref<50x128xi32, #tpu.memory_space<vmem>> -> memref<1x128xi32, #tpu.memory_space<vmem>>
      %dma_wait3A_162 = tpu.memref_squeeze %dma_wait3A_161 : memref<1x128xi32, #tpu.memory_space<vmem>> -> memref<128xi32, #tpu.memory_space<vmem>>
      %dma_wait3A_163 = arith.constant 0 : i32
      %dma_wait3A_164 = arith.constant 0 : i32
      %dma_wait3A_165 = tpu.memref_slice %arg3[%dma_wait3A_163, %dma_wait3A_164] : memref<100000x128xf32, #tpu.memory_space<hbm>> -> memref<100000x128xf32, #tpu.memory_space<hbm>>
      tpu.wait_indirect_dma semaphore(%arg15 : memref<!tpu.dma_semaphore, #tpu.memory_space<semaphore_mem>>) src(%dma_wait3A_165 : memref<100000x128xf32, #tpu.memory_space<hbm>>) dst(%arg10 : memref<128x128xf32, #tpu.memory_space<vmem>>)
      %mul3A_166 = arith.constant 128 : i32
      %mul3A_167 = arith.muli %add3A_159, %mul3A_166 : i32
      %rem3A_168 = arith.constant 200 : i32
      %rem3A_169 = arith.remsi %mul3A_167, %rem3A_168 : i32
      %sub3A_170 = arith.constant 200 : i32
      %sub3A_171 = arith.subi %sub3A_170, %rem3A_169 : i32
      %min3A_172 = arith.constant 128 : i32
      %min3A_173 = arith.minsi %min3A_172, %sub3A_171 : i32
      %parallel_loop3A_174 = arith.constant 0 : i32
      %parallel_loop3A_175 = arith.constant 1 : i32
      scf.for %parallel_loop3A_264 = %parallel_loop3A_174 to %min3A_173 step %parallel_loop3A_175  : i32 {
        %parallel_loop3A_265 = arith.addi %rem3A_169, %parallel_loop3A_264 : i32
        %parallel_loop3A_266 = arith.index_cast %parallel_loop3A_265 : i32 to index
        %parallel_loop3A_267 = arith.constant 0 : index
        %parallel_loop3A_268 = tpu.vector_load %arg7[%parallel_loop3A_266, %parallel_loop3A_267] {strides = array<i32>} : memref<200x128xf32, #tpu.memory_space<vmem>>, vector<1x16xf32>,
        %parallel_loop3A_269 = vector.shape_cast %parallel_loop3A_268 : vector<1x16xf32> to vector<16xf32>
        %parallel_loop3A_270 = arith.index_cast %parallel_loop3A_264 : i32 to index
        %parallel_loop3A_271 = arith.constant 0 : index
        %parallel_loop3A_272 = tpu.vector_load %arg10[%parallel_loop3A_270, %parallel_loop3A_271] {strides = array<i32>} : memref<128x128xf32, #tpu.memory_space<vmem>>, vector<1x16xf32>,
        %parallel_loop3A_273 = vector.shape_cast %parallel_loop3A_272 : vector<1x16xf32> to vector<16xf32>
        %parallel_loop3A_274 = vector.shape_cast %parallel_loop3A_269 : vector<16xf32> to vector<1x16xf32>
        tpu.vector_store %arg10[%parallel_loop3A_270, %parallel_loop3A_271], %parallel_loop3A_274 {add = true, strides = array<i32>} : memref<128x128xf32, #tpu.memory_space<vmem>>, vector<1x16xf32>,
        %parallel_loop3A_275 = arith.addi %rem3A_169, %parallel_loop3A_264 : i32
        %parallel_loop3A_276 = arith.index_cast %parallel_loop3A_275 : i32 to index
        %parallel_loop3A_277 = arith.constant 16 : index
        %parallel_loop3A_278 = tpu.vector_load %arg7[%parallel_loop3A_276, %parallel_loop3A_277] {strides = array<i32>} : memref<200x128xf32, #tpu.memory_space<vmem>>, vector<1x16xf32>,
        %parallel_loop3A_279 = vector.shape_cast %parallel_loop3A_278 : vector<1x16xf32> to vector<16xf32>
        %parallel_loop3A_280 = arith.index_cast %parallel_loop3A_264 : i32 to index
        %parallel_loop3A_281 = arith.constant 16 : index
        %parallel_loop3A_282 = tpu.vector_load %arg10[%parallel_loop3A_280, %parallel_loop3A_281] {strides = array<i32>} : memref<128x128xf32, #tpu.memory_space<vmem>>, vector<1x16xf32>,
        %parallel_loop3A_283 = vector.shape_cast %parallel_loop3A_282 : vector<1x16xf32> to vector<16xf32>
        %parallel_loop3A_284 = vector.shape_cast %parallel_loop3A_279 : vector<16xf32> to vector<1x16xf32>
        tpu.vector_store %arg10[%parallel_loop3A_280, %parallel_loop3A_281], %parallel_loop3A_284 {add = true, strides = array<i32>} : memref<128x128xf32, #tpu.memory_space<vmem>>, vector<1x16xf32>,
        %parallel_loop3A_285 = arith.addi %rem3A_169, %parallel_loop3A_264 : i32
        %parallel_loop3A_286 = arith.index_cast %parallel_loop3A_285 : i32 to index
        %parallel_loop3A_287 = arith.constant 32 : index
        %parallel_loop3A_288 = tpu.vector_load %arg7[%parallel_loop3A_286, %parallel_loop3A_287] {strides = array<i32>} : memref<200x128xf32, #tpu.memory_space<vmem>>, vector<1x16xf32>,
        %parallel_loop3A_289 = vector.shape_cast %parallel_loop3A_288 : vector<1x16xf32> to vector<16xf32>
        %parallel_loop3A_290 = arith.index_cast %parallel_loop3A_264 : i32 to index
        %parallel_loop3A_291 = arith.constant 32 : index
        %parallel_loop3A_292 = tpu.vector_load %arg10[%parallel_loop3A_290, %parallel_loop3A_291] {strides = array<i32>} : memref<128x128xf32, #tpu.memory_space<vmem>>, vector<1x16xf32>,
        %parallel_loop3A_293 = vector.shape_cast %parallel_loop3A_292 : vector<1x16xf32> to vector<16xf32>
        %parallel_loop3A_294 = vector.shape_cast %parallel_loop3A_289 : vector<16xf32> to vector<1x16xf32>
        tpu.vector_store %arg10[%parallel_loop3A_290, %parallel_loop3A_291], %parallel_loop3A_294 {add = true, strides = array<i32>} : memref<128x128xf32, #tpu.memory_space<vmem>>, vector<1x16xf32>,
        %parallel_loop3A_295 = arith.addi %rem3A_169, %parallel_loop3A_264 : i32
        %parallel_loop3A_296 = arith.index_cast %parallel_loop3A_295 : i32 to index
        %parallel_loop3A_297 = arith.constant 48 : index
        %parallel_loop3A_298 = tpu.vector_load %arg7[%parallel_loop3A_296, %parallel_loop3A_297] {strides = array<i32>} : memref<200x128xf32, #tpu.memory_space<vmem>>, vector<1x16xf32>,
        %parallel_loop3A_299 = vector.shape_cast %parallel_loop3A_298 : vector<1x16xf32> to vector<16xf32>
        %parallel_loop3A_300 = arith.index_cast %parallel_loop3A_264 : i32 to index
        %parallel_loop3A_301 = arith.constant 48 : index
        %parallel_loop3A_302 = tpu.vector_load %arg10[%parallel_loop3A_300, %parallel_loop3A_301] {strides = array<i32>} : memref<128x128xf32, #tpu.memory_space<vmem>>, vector<1x16xf32>,
        %parallel_loop3A_303 = vector.shape_cast %parallel_loop3A_302 : vector<1x16xf32> to vector<16xf32>
        %parallel_loop3A_304 = vector.shape_cast %parallel_loop3A_299 : vector<16xf32> to vector<1x16xf32>
        tpu.vector_store %arg10[%parallel_loop3A_300, %parallel_loop3A_301], %parallel_loop3A_304 {add = true, strides = array<i32>} : memref<128x128xf32, #tpu.memory_space<vmem>>, vector<1x16xf32>,
        %parallel_loop3A_305 = arith.addi %rem3A_169, %parallel_loop3A_264 : i32
        %parallel_loop3A_306 = arith.index_cast %parallel_loop3A_305 : i32 to index
        %parallel_loop3A_307 = arith.constant 64 : index
        %parallel_loop3A_308 = tpu.vector_load %arg7[%parallel_loop3A_306, %parallel_loop3A_307] {strides = array<i32>} : memref<200x128xf32, #tpu.memory_space<vmem>>, vector<1x16xf32>,
        %parallel_loop3A_309 = vector.shape_cast %parallel_loop3A_308 : vector<1x16xf32> to vector<16xf32>
        %parallel_loop3A_310 = arith.index_cast %parallel_loop3A_264 : i32 to index
        %parallel_loop3A_311 = arith.constant 64 : index
        %parallel_loop3A_312 = tpu.vector_load %arg10[%parallel_loop3A_310, %parallel_loop3A_311] {strides = array<i32>} : memref<128x128xf32, #tpu.memory_space<vmem>>, vector<1x16xf32>,
        %parallel_loop3A_313 = vector.shape_cast %parallel_loop3A_312 : vector<1x16xf32> to vector<16xf32>
        %parallel_loop3A_314 = vector.shape_cast %parallel_loop3A_309 : vector<16xf32> to vector<1x16xf32>
        tpu.vector_store %arg10[%parallel_loop3A_310, %parallel_loop3A_311], %parallel_loop3A_314 {add = true, strides = array<i32>} : memref<128x128xf32, #tpu.memory_space<vmem>>, vector<1x16xf32>,
        %parallel_loop3A_315 = arith.addi %rem3A_169, %parallel_loop3A_264 : i32
        %parallel_loop3A_316 = arith.index_cast %parallel_loop3A_315 : i32 to index
        %parallel_loop3A_317 = arith.constant 80 : index
        %parallel_loop3A_318 = tpu.vector_load %arg7[%parallel_loop3A_316, %parallel_loop3A_317] {strides = array<i32>} : memref<200x128xf32, #tpu.memory_space<vmem>>, vector<1x16xf32>,
        %parallel_loop3A_319 = vector.shape_cast %parallel_loop3A_318 : vector<1x16xf32> to vector<16xf32>
        %parallel_loop3A_320 = arith.index_cast %parallel_loop3A_264 : i32 to index
        %parallel_loop3A_321 = arith.constant 80 : index
        %parallel_loop3A_322 = tpu.vector_load %arg10[%parallel_loop3A_320, %parallel_loop3A_321] {strides = array<i32>} : memref<128x128xf32, #tpu.memory_space<vmem>>, vector<1x16xf32>,
        %parallel_loop3A_323 = vector.shape_cast %parallel_loop3A_322 : vector<1x16xf32> to vector<16xf32>
        %parallel_loop3A_324 = vector.shape_cast %parallel_loop3A_319 : vector<16xf32> to vector<1x16xf32>
        tpu.vector_store %arg10[%parallel_loop3A_320, %parallel_loop3A_321], %parallel_loop3A_324 {add = true, strides = array<i32>} : memref<128x128xf32, #tpu.memory_space<vmem>>, vector<1x16xf32>,
        %parallel_loop3A_325 = arith.addi %rem3A_169, %parallel_loop3A_264 : i32
        %parallel_loop3A_326 = arith.index_cast %parallel_loop3A_325 : i32 to index
        %parallel_loop3A_327 = arith.constant 96 : index
        %parallel_loop3A_328 = tpu.vector_load %arg7[%parallel_loop3A_326, %parallel_loop3A_327] {strides = array<i32>} : memref<200x128xf32, #tpu.memory_space<vmem>>, vector<1x16xf32>,
        %parallel_loop3A_329 = vector.shape_cast %parallel_loop3A_328 : vector<1x16xf32> to vector<16xf32>
        %parallel_loop3A_330 = arith.index_cast %parallel_loop3A_264 : i32 to index
        %parallel_loop3A_331 = arith.constant 96 : index
        %parallel_loop3A_332 = tpu.vector_load %arg10[%parallel_loop3A_330, %parallel_loop3A_331] {strides = array<i32>} : memref<128x128xf32, #tpu.memory_space<vmem>>, vector<1x16xf32>,
        %parallel_loop3A_333 = vector.shape_cast %parallel_loop3A_332 : vector<1x16xf32> to vector<16xf32>
        %parallel_loop3A_334 = vector.shape_cast %parallel_loop3A_329 : vector<16xf32> to vector<1x16xf32>
        tpu.vector_store %arg10[%parallel_loop3A_330, %parallel_loop3A_331], %parallel_loop3A_334 {add = true, strides = array<i32>} : memref<128x128xf32, #tpu.memory_space<vmem>>, vector<1x16xf32>,
        %parallel_loop3A_335 = arith.addi %rem3A_169, %parallel_loop3A_264 : i32
        %parallel_loop3A_336 = arith.index_cast %parallel_loop3A_335 : i32 to index
        %parallel_loop3A_337 = arith.constant 112 : index
        %parallel_loop3A_338 = tpu.vector_load %arg7[%parallel_loop3A_336, %parallel_loop3A_337] {strides = array<i32>} : memref<200x128xf32, #tpu.memory_space<vmem>>, vector<1x16xf32>,
        %parallel_loop3A_339 = vector.shape_cast %parallel_loop3A_338 : vector<1x16xf32> to vector<16xf32>
        %parallel_loop3A_340 = arith.index_cast %parallel_loop3A_264 : i32 to index
        %parallel_loop3A_341 = arith.constant 112 : index
        %parallel_loop3A_342 = tpu.vector_load %arg10[%parallel_loop3A_340, %parallel_loop3A_341] {strides = array<i32>} : memref<128x128xf32, #tpu.memory_space<vmem>>, vector<1x16xf32>,
        %parallel_loop3A_343 = vector.shape_cast %parallel_loop3A_342 : vector<1x16xf32> to vector<16xf32>
        %parallel_loop3A_344 = vector.shape_cast %parallel_loop3A_339 : vector<16xf32> to vector<1x16xf32>
        tpu.vector_store %arg10[%parallel_loop3A_340, %parallel_loop3A_341], %parallel_loop3A_344 {add = true, strides = array<i32>} : memref<128x128xf32, #tpu.memory_space<vmem>>, vector<1x16xf32>,
      } {sc.loop_unroll_factor = 4 : i64, sc.parallel_access}
      %parallel_loop3A_176 = arith.constant 128 : i32
      %parallel_loop3A_177 = arith.constant 1 : i32
      scf.for %parallel_loop3A_264 = %min3A_173 to %parallel_loop3A_176 step %parallel_loop3A_177  : i32 {
        %parallel_loop3A_265 = arith.subi %parallel_loop3A_264, %min3A_173 : i32
        %parallel_loop3A_266 = arith.index_cast %parallel_loop3A_265 : i32 to index
        %parallel_loop3A_267 = arith.constant 0 : index
        %parallel_loop3A_268 = tpu.vector_load %arg7[%parallel_loop3A_266, %parallel_loop3A_267] {strides = array<i32>} : memref<200x128xf32, #tpu.memory_space<vmem>>, vector<1x16xf32>,
        %parallel_loop3A_269 = vector.shape_cast %parallel_loop3A_268 : vector<1x16xf32> to vector<16xf32>
        %parallel_loop3A_270 = arith.index_cast %parallel_loop3A_264 : i32 to index
        %parallel_loop3A_271 = arith.constant 0 : index
        %parallel_loop3A_272 = tpu.vector_load %arg10[%parallel_loop3A_270, %parallel_loop3A_271] {strides = array<i32>} : memref<128x128xf32, #tpu.memory_space<vmem>>, vector<1x16xf32>,
        %parallel_loop3A_273 = vector.shape_cast %parallel_loop3A_272 : vector<1x16xf32> to vector<16xf32>
        %parallel_loop3A_274 = vector.shape_cast %parallel_loop3A_269 : vector<16xf32> to vector<1x16xf32>
        tpu.vector_store %arg10[%parallel_loop3A_270, %parallel_loop3A_271], %parallel_loop3A_274 {add = true, strides = array<i32>} : memref<128x128xf32, #tpu.memory_space<vmem>>, vector<1x16xf32>,
        %parallel_loop3A_275 = arith.subi %parallel_loop3A_264, %min3A_173 : i32
        %parallel_loop3A_276 = arith.index_cast %parallel_loop3A_275 : i32 to index
        %parallel_loop3A_277 = arith.constant 16 : index
        %parallel_loop3A_278 = tpu.vector_load %arg7[%parallel_loop3A_276, %parallel_loop3A_277] {strides = array<i32>} : memref<200x128xf32, #tpu.memory_space<vmem>>, vector<1x16xf32>,
        %parallel_loop3A_279 = vector.shape_cast %parallel_loop3A_278 : vector<1x16xf32> to vector<16xf32>
        %parallel_loop3A_280 = arith.index_cast %parallel_loop3A_264 : i32 to index
        %parallel_loop3A_281 = arith.constant 16 : index
        %parallel_loop3A_282 = tpu.vector_load %arg10[%parallel_loop3A_280, %parallel_loop3A_281] {strides = array<i32>} : memref<128x128xf32, #tpu.memory_space<vmem>>, vector<1x16xf32>,
        %parallel_loop3A_283 = vector.shape_cast %parallel_loop3A_282 : vector<1x16xf32> to vector<16xf32>
        %parallel_loop3A_284 = vector.shape_cast %parallel_loop3A_279 : vector<16xf32> to vector<1x16xf32>
        tpu.vector_store %arg10[%parallel_loop3A_280, %parallel_loop3A_281], %parallel_loop3A_284 {add = true, strides = array<i32>} : memref<128x128xf32, #tpu.memory_space<vmem>>, vector<1x16xf32>,
        %parallel_loop3A_285 = arith.subi %parallel_loop3A_264, %min3A_173 : i32
        %parallel_loop3A_286 = arith.index_cast %parallel_loop3A_285 : i32 to index
        %parallel_loop3A_287 = arith.constant 32 : index
        %parallel_loop3A_288 = tpu.vector_load %arg7[%parallel_loop3A_286, %parallel_loop3A_287] {strides = array<i32>} : memref<200x128xf32, #tpu.memory_space<vmem>>, vector<1x16xf32>,
        %parallel_loop3A_289 = vector.shape_cast %parallel_loop3A_288 : vector<1x16xf32> to vector<16xf32>
        %parallel_loop3A_290 = arith.index_cast %parallel_loop3A_264 : i32 to index
        %parallel_loop3A_291 = arith.constant 32 : index
        %parallel_loop3A_292 = tpu.vector_load %arg10[%parallel_loop3A_290, %parallel_loop3A_291] {strides = array<i32>} : memref<128x128xf32, #tpu.memory_space<vmem>>, vector<1x16xf32>,
        %parallel_loop3A_293 = vector.shape_cast %parallel_loop3A_292 : vector<1x16xf32> to vector<16xf32>
        %parallel_loop3A_294 = vector.shape_cast %parallel_loop3A_289 : vector<16xf32> to vector<1x16xf32>
        tpu.vector_store %arg10[%parallel_loop3A_290, %parallel_loop3A_291], %parallel_loop3A_294 {add = true, strides = array<i32>} : memref<128x128xf32, #tpu.memory_space<vmem>>, vector<1x16xf32>,
        %parallel_loop3A_295 = arith.subi %parallel_loop3A_264, %min3A_173 : i32
        %parallel_loop3A_296 = arith.index_cast %parallel_loop3A_295 : i32 to index
        %parallel_loop3A_297 = arith.constant 48 : index
        %parallel_loop3A_298 = tpu.vector_load %arg7[%parallel_loop3A_296, %parallel_loop3A_297] {strides = array<i32>} : memref<200x128xf32, #tpu.memory_space<vmem>>, vector<1x16xf32>,
        %parallel_loop3A_299 = vector.shape_cast %parallel_loop3A_298 : vector<1x16xf32> to vector<16xf32>
        %parallel_loop3A_300 = arith.index_cast %parallel_loop3A_264 : i32 to index
        %parallel_loop3A_301 = arith.constant 48 : index
        %parallel_loop3A_302 = tpu.vector_load %arg10[%parallel_loop3A_300, %parallel_loop3A_301] {strides = array<i32>} : memref<128x128xf32, #tpu.memory_space<vmem>>, vector<1x16xf32>,
        %parallel_loop3A_303 = vector.shape_cast %parallel_loop3A_302 : vector<1x16xf32> to vector<16xf32>
        %parallel_loop3A_304 = vector.shape_cast %parallel_loop3A_299 : vector<16xf32> to vector<1x16xf32>
        tpu.vector_store %arg10[%parallel_loop3A_300, %parallel_loop3A_301], %parallel_loop3A_304 {add = true, strides = array<i32>} : memref<128x128xf32, #tpu.memory_space<vmem>>, vector<1x16xf32>,
        %parallel_loop3A_305 = arith.subi %parallel_loop3A_264, %min3A_173 : i32
        %parallel_loop3A_306 = arith.index_cast %parallel_loop3A_305 : i32 to index
        %parallel_loop3A_307 = arith.constant 64 : index
        %parallel_loop3A_308 = tpu.vector_load %arg7[%parallel_loop3A_306, %parallel_loop3A_307] {strides = array<i32>} : memref<200x128xf32, #tpu.memory_space<vmem>>, vector<1x16xf32>,
        %parallel_loop3A_309 = vector.shape_cast %parallel_loop3A_308 : vector<1x16xf32> to vector<16xf32>
        %parallel_loop3A_310 = arith.index_cast %parallel_loop3A_264 : i32 to index
        %parallel_loop3A_311 = arith.constant 64 : index
        %parallel_loop3A_312 = tpu.vector_load %arg10[%parallel_loop3A_310, %parallel_loop3A_311] {strides = array<i32>} : memref<128x128xf32, #tpu.memory_space<vmem>>, vector<1x16xf32>,
        %parallel_loop3A_313 = vector.shape_cast %parallel_loop3A_312 : vector<1x16xf32> to vector<16xf32>
        %parallel_loop3A_314 = vector.shape_cast %parallel_loop3A_309 : vector<16xf32> to vector<1x16xf32>
        tpu.vector_store %arg10[%parallel_loop3A_310, %parallel_loop3A_311], %parallel_loop3A_314 {add = true, strides = array<i32>} : memref<128x128xf32, #tpu.memory_space<vmem>>, vector<1x16xf32>,
        %parallel_loop3A_315 = arith.subi %parallel_loop3A_264, %min3A_173 : i32
        %parallel_loop3A_316 = arith.index_cast %parallel_loop3A_315 : i32 to index
        %parallel_loop3A_317 = arith.constant 80 : index
        %parallel_loop3A_318 = tpu.vector_load %arg7[%parallel_loop3A_316, %parallel_loop3A_317] {strides = array<i32>} : memref<200x128xf32, #tpu.memory_space<vmem>>, vector<1x16xf32>,
        %parallel_loop3A_319 = vector.shape_cast %parallel_loop3A_318 : vector<1x16xf32> to vector<16xf32>
        %parallel_loop3A_320 = arith.index_cast %parallel_loop3A_264 : i32 to index
        %parallel_loop3A_321 = arith.constant 80 : index
        %parallel_loop3A_322 = tpu.vector_load %arg10[%parallel_loop3A_320, %parallel_loop3A_321] {strides = array<i32>} : memref<128x128xf32, #tpu.memory_space<vmem>>, vector<1x16xf32>,
        %parallel_loop3A_323 = vector.shape_cast %parallel_loop3A_322 : vector<1x16xf32> to vector<16xf32>
        %parallel_loop3A_324 = vector.shape_cast %parallel_loop3A_319 : vector<16xf32> to vector<1x16xf32>
        tpu.vector_store %arg10[%parallel_loop3A_320, %parallel_loop3A_321], %parallel_loop3A_324 {add = true, strides = array<i32>} : memref<128x128xf32, #tpu.memory_space<vmem>>, vector<1x16xf32>,
        %parallel_loop3A_325 = arith.subi %parallel_loop3A_264, %min3A_173 : i32
        %parallel_loop3A_326 = arith.index_cast %parallel_loop3A_325 : i32 to index
        %parallel_loop3A_327 = arith.constant 96 : index
        %parallel_loop3A_328 = tpu.vector_load %arg7[%parallel_loop3A_326, %parallel_loop3A_327] {strides = array<i32>} : memref<200x128xf32, #tpu.memory_space<vmem>>, vector<1x16xf32>,
        %parallel_loop3A_329 = vector.shape_cast %parallel_loop3A_328 : vector<1x16xf32> to vector<16xf32>
        %parallel_loop3A_330 = arith.index_cast %parallel_loop3A_264 : i32 to index
        %parallel_loop3A_331 = arith.constant 96 : index
        %parallel_loop3A_332 = tpu.vector_load %arg10[%parallel_loop3A_330, %parallel_loop3A_331] {strides = array<i32>} : memref<128x128xf32, #tpu.memory_space<vmem>>, vector<1x16xf32>,
        %parallel_loop3A_333 = vector.shape_cast %parallel_loop3A_332 : vector<1x16xf32> to vector<16xf32>
        %parallel_loop3A_334 = vector.shape_cast %parallel_loop3A_329 : vector<16xf32> to vector<1x16xf32>
        tpu.vector_store %arg10[%parallel_loop3A_330, %parallel_loop3A_331], %parallel_loop3A_334 {add = true, strides = array<i32>} : memref<128x128xf32, #tpu.memory_space<vmem>>, vector<1x16xf32>,
        %parallel_loop3A_335 = arith.subi %parallel_loop3A_264, %min3A_173 : i32
        %parallel_loop3A_336 = arith.index_cast %parallel_loop3A_335 : i32 to index
        %parallel_loop3A_337 = arith.constant 112 : index
        %parallel_loop3A_338 = tpu.vector_load %arg7[%parallel_loop3A_336, %parallel_loop3A_337] {strides = array<i32>} : memref<200x128xf32, #tpu.memory_space<vmem>>, vector<1x16xf32>,
        %parallel_loop3A_339 = vector.shape_cast %parallel_loop3A_338 : vector<1x16xf32> to vector<16xf32>
        %parallel_loop3A_340 = arith.index_cast %parallel_loop3A_264 : i32 to index
        %parallel_loop3A_341 = arith.constant 112 : index
        %parallel_loop3A_342 = tpu.vector_load %arg10[%parallel_loop3A_340, %parallel_loop3A_341] {strides = array<i32>} : memref<128x128xf32, #tpu.memory_space<vmem>>, vector<1x16xf32>,
        %parallel_loop3A_343 = vector.shape_cast %parallel_loop3A_342 : vector<1x16xf32> to vector<16xf32>
        %parallel_loop3A_344 = vector.shape_cast %parallel_loop3A_339 : vector<16xf32> to vector<1x16xf32>
        tpu.vector_store %arg10[%parallel_loop3A_340, %parallel_loop3A_341], %parallel_loop3A_344 {add = true, strides = array<i32>} : memref<128x128xf32, #tpu.memory_space<vmem>>, vector<1x16xf32>,
      } {sc.loop_unroll_factor = 4 : i64, sc.parallel_access}
      %add3A_178 = arith.addi %mul3A_2, %add3A_159 : i32
      %mul3A_179 = arith.constant 128 : i32
      %mul3A_180 = arith.muli %add3A_178, %mul3A_179 : i32
      %dma_start3A_181 = arith.constant 0 : i32
      %dma_start3A_182 = tpu.memref_slice %arg5[%mul3A_180, %dma_start3A_181] : memref<204800x128xf32, #tpu.memory_space<hbm>> -> memref<128x128xf32, #tpu.memory_space<hbm>>
      %dma_start3A_183 = arith.constant 0 : i32
      %dma_start3A_184 = tpu.memref_slice %arg5[%mul3A_180, %dma_start3A_183] : memref<204800x128xf32, #tpu.memory_space<hbm>> -> memref<128x128xf32, #tpu.memory_space<hbm>>
      tpu.enqueue_dma source(%arg10 : memref<128x128xf32, #tpu.memory_space<vmem>>) target(%dma_start3A_184 : memref<128x128xf32, #tpu.memory_space<hbm>>) target_semaphore(%arg20 : memref<!tpu.dma_semaphore, #tpu.memory_space<semaphore_mem>>)
      %add3A_185 = arith.constant 4 : i32
      %add3A_186 = arith.addi %add3A_159, %add3A_185 : i32
      %lt3A_187 = arith.constant 50 : i32
      %lt3A_188 = arith.cmpi slt, %add3A_186, %lt3A_187 : i32
      %convert_element_type3A_189 = arith.extui %lt3A_188 : i1 to i32
      %cond3A_190 = arith.constant 0 : i32
      %cond3A_191 = arith.cmpi ne, %convert_element_type3A_189, %cond3A_190 : i32
      scf.if %cond3A_191 {
        %ge3A = arith.constant 1 : i32
        %ge3A_264 = arith.cmpi sge, %add3A_159, %ge3A : i32
        %convert_element_type3A_265 = arith.extui %ge3A_264 : i1 to i32
        %cond3A_266 = arith.constant 0 : i32
        %cond3A_267 = arith.cmpi ne, %convert_element_type3A_265, %cond3A_266 : i32
        scf.if %cond3A_267 {
          %sub3A_274 = arith.constant 5 : i32
          %sub3A_275 = arith.subi %add3A_186, %sub3A_274 : i32
          %add3A_276 = arith.addi %mul3A_2, %sub3A_275 : i32
          %mul3A_277 = arith.constant 128 : i32
          %mul3A_278 = arith.muli %add3A_276, %mul3A_277 : i32
          %dma_wait3A_279 = arith.constant 0 : i32
          %dma_wait3A_280 = tpu.memref_slice %arg5[%mul3A_278, %dma_wait3A_279] : memref<204800x128xf32, #tpu.memory_space<hbm>> -> memref<128x128xf32, #tpu.memory_space<hbm>>
          %dma_wait3A_281 = arith.constant 0 : i32
          %dma_wait3A_282 = tpu.memref_slice %arg5[%mul3A_278, %dma_wait3A_281] : memref<204800x128xf32, #tpu.memory_space<hbm>> -> memref<128x128xf32, #tpu.memory_space<hbm>>
          tpu.wait_dma2 semaphore(%arg19 : memref<!tpu.dma_semaphore, #tpu.memory_space<semaphore_mem>>) src(%arg9 : memref<128x128xf32, #tpu.memory_space<vmem>>) dst(%dma_wait3A_282 : memref<128x128xf32, #tpu.memory_space<hbm>>)
        } else {
        }
        %dma_start3A_268 = arith.constant 0 : i32
        %dma_start3A_269 = tpu.memref_slice %arg6[%add3A_186, %dma_start3A_268] : memref<50x128xi32, #tpu.memory_space<vmem>> -> memref<1x128xi32, #tpu.memory_space<vmem>>
        %dma_start3A_270 = tpu.memref_squeeze %dma_start3A_269 : memref<1x128xi32, #tpu.memory_space<vmem>> -> memref<128xi32, #tpu.memory_space<vmem>>
        %dma_start3A_271 = arith.constant 0 : i32
        %dma_start3A_272 = arith.constant 0 : i32
        %dma_start3A_273 = tpu.memref_slice %arg3[%dma_start3A_271, %dma_start3A_272] : memref<100000x128xf32, #tpu.memory_space<hbm>> -> memref<100000x128xf32, #tpu.memory_space<hbm>>
        tpu.enqueue_indirect_dma source(%dma_start3A_273 : memref<100000x128xf32, #tpu.memory_space<hbm>>) target(%arg9 : memref<128x128xf32, #tpu.memory_space<vmem>>) offsets(%dma_start3A_270 : memref<128xi32, #tpu.memory_space<vmem>>) semaphore(%arg14 : memref<!tpu.dma_semaphore, #tpu.memory_space<semaphore_mem>>)
      } else {
      }
      %mul3A_192 = arith.constant 5 : i32
      %mul3A_193 = arith.muli %scan3A_90, %mul3A_192 : i32
      %add3A_194 = arith.constant 3 : i32
      %add3A_195 = arith.addi %mul3A_193, %add3A_194 : i32
      %dma_wait3A_196 = arith.constant 0 : i32
      %dma_wait3A_197 = tpu.memref_slice %arg6[%add3A_195, %dma_wait3A_196] : memref<50x128xi32, #tpu.memory_space<vmem>> -> memref<1x128xi32, #tpu.memory_space<vmem>>
      %dma_wait3A_198 = tpu.memref_squeeze %dma_wait3A_197 : memref<1x128xi32, #tpu.memory_space<vmem>> -> memref<128xi32, #tpu.memory_space<vmem>>
      %dma_wait3A_199 = arith.constant 0 : i32
      %dma_wait3A_200 = arith.constant 0 : i32
      %dma_wait3A_201 = tpu.memref_slice %arg3[%dma_wait3A_199, %dma_wait3A_200] : memref<100000x128xf32, #tpu.memory_space<hbm>> -> memref<100000x128xf32, #tpu.memory_space<hbm>>
      tpu.wait_indirect_dma semaphore(%arg16 : memref<!tpu.dma_semaphore, #tpu.memory_space<semaphore_mem>>) src(%dma_wait3A_201 : memref<100000x128xf32, #tpu.memory_space<hbm>>) dst(%arg11 : memref<128x128xf32, #tpu.memory_space<vmem>>)
      %mul3A_202 = arith.constant 128 : i32
      %mul3A_203 = arith.muli %add3A_195, %mul3A_202 : i32
      %rem3A_204 = arith.constant 200 : i32
      %rem3A_205 = arith.remsi %mul3A_203, %rem3A_204 : i32
      %sub3A_206 = arith.constant 200 : i32
      %sub3A_207 = arith.subi %sub3A_206, %rem3A_205 : i32
      %min3A_208 = arith.constant 128 : i32
      %min3A_209 = arith.minsi %min3A_208, %sub3A_207 : i32
      %parallel_loop3A_210 = arith.constant 0 : i32
      %parallel_loop3A_211 = arith.constant 1 : i32
      scf.for %parallel_loop3A_264 = %parallel_loop3A_210 to %min3A_209 step %parallel_loop3A_211  : i32 {
        %parallel_loop3A_265 = arith.addi %rem3A_205, %parallel_loop3A_264 : i32
        %parallel_loop3A_266 = arith.index_cast %parallel_loop3A_265 : i32 to index
        %parallel_loop3A_267 = arith.constant 0 : index
        %parallel_loop3A_268 = tpu.vector_load %arg7[%parallel_loop3A_266, %parallel_loop3A_267] {strides = array<i32>} : memref<200x128xf32, #tpu.memory_space<vmem>>, vector<1x16xf32>,
        %parallel_loop3A_269 = vector.shape_cast %parallel_loop3A_268 : vector<1x16xf32> to vector<16xf32>
        %parallel_loop3A_270 = arith.index_cast %parallel_loop3A_264 : i32 to index
        %parallel_loop3A_271 = arith.constant 0 : index
        %parallel_loop3A_272 = tpu.vector_load %arg11[%parallel_loop3A_270, %parallel_loop3A_271] {strides = array<i32>} : memref<128x128xf32, #tpu.memory_space<vmem>>, vector<1x16xf32>,
        %parallel_loop3A_273 = vector.shape_cast %parallel_loop3A_272 : vector<1x16xf32> to vector<16xf32>
        %parallel_loop3A_274 = vector.shape_cast %parallel_loop3A_269 : vector<16xf32> to vector<1x16xf32>
        tpu.vector_store %arg11[%parallel_loop3A_270, %parallel_loop3A_271], %parallel_loop3A_274 {add = true, strides = array<i32>} : memref<128x128xf32, #tpu.memory_space<vmem>>, vector<1x16xf32>,
        %parallel_loop3A_275 = arith.addi %rem3A_205, %parallel_loop3A_264 : i32
        %parallel_loop3A_276 = arith.index_cast %parallel_loop3A_275 : i32 to index
        %parallel_loop3A_277 = arith.constant 16 : index
        %parallel_loop3A_278 = tpu.vector_load %arg7[%parallel_loop3A_276, %parallel_loop3A_277] {strides = array<i32>} : memref<200x128xf32, #tpu.memory_space<vmem>>, vector<1x16xf32>,
        %parallel_loop3A_279 = vector.shape_cast %parallel_loop3A_278 : vector<1x16xf32> to vector<16xf32>
        %parallel_loop3A_280 = arith.index_cast %parallel_loop3A_264 : i32 to index
        %parallel_loop3A_281 = arith.constant 16 : index
        %parallel_loop3A_282 = tpu.vector_load %arg11[%parallel_loop3A_280, %parallel_loop3A_281] {strides = array<i32>} : memref<128x128xf32, #tpu.memory_space<vmem>>, vector<1x16xf32>,
        %parallel_loop3A_283 = vector.shape_cast %parallel_loop3A_282 : vector<1x16xf32> to vector<16xf32>
        %parallel_loop3A_284 = vector.shape_cast %parallel_loop3A_279 : vector<16xf32> to vector<1x16xf32>
        tpu.vector_store %arg11[%parallel_loop3A_280, %parallel_loop3A_281], %parallel_loop3A_284 {add = true, strides = array<i32>} : memref<128x128xf32, #tpu.memory_space<vmem>>, vector<1x16xf32>,
        %parallel_loop3A_285 = arith.addi %rem3A_205, %parallel_loop3A_264 : i32
        %parallel_loop3A_286 = arith.index_cast %parallel_loop3A_285 : i32 to index
        %parallel_loop3A_287 = arith.constant 32 : index
        %parallel_loop3A_288 = tpu.vector_load %arg7[%parallel_loop3A_286, %parallel_loop3A_287] {strides = array<i32>} : memref<200x128xf32, #tpu.memory_space<vmem>>, vector<1x16xf32>,
        %parallel_loop3A_289 = vector.shape_cast %parallel_loop3A_288 : vector<1x16xf32> to vector<16xf32>
        %parallel_loop3A_290 = arith.index_cast %parallel_loop3A_264 : i32 to index
        %parallel_loop3A_291 = arith.constant 32 : index
        %parallel_loop3A_292 = tpu.vector_load %arg11[%parallel_loop3A_290, %parallel_loop3A_291] {strides = array<i32>} : memref<128x128xf32, #tpu.memory_space<vmem>>, vector<1x16xf32>,
        %parallel_loop3A_293 = vector.shape_cast %parallel_loop3A_292 : vector<1x16xf32> to vector<16xf32>
        %parallel_loop3A_294 = vector.shape_cast %parallel_loop3A_289 : vector<16xf32> to vector<1x16xf32>
        tpu.vector_store %arg11[%parallel_loop3A_290, %parallel_loop3A_291], %parallel_loop3A_294 {add = true, strides = array<i32>} : memref<128x128xf32, #tpu.memory_space<vmem>>, vector<1x16xf32>,
        %parallel_loop3A_295 = arith.addi %rem3A_205, %parallel_loop3A_264 : i32
        %parallel_loop3A_296 = arith.index_cast %parallel_loop3A_295 : i32 to index
        %parallel_loop3A_297 = arith.constant 48 : index
        %parallel_loop3A_298 = tpu.vector_load %arg7[%parallel_loop3A_296, %parallel_loop3A_297] {strides = array<i32>} : memref<200x128xf32, #tpu.memory_space<vmem>>, vector<1x16xf32>,
        %parallel_loop3A_299 = vector.shape_cast %parallel_loop3A_298 : vector<1x16xf32> to vector<16xf32>
        %parallel_loop3A_300 = arith.index_cast %parallel_loop3A_264 : i32 to index
        %parallel_loop3A_301 = arith.constant 48 : index
        %parallel_loop3A_302 = tpu.vector_load %arg11[%parallel_loop3A_300, %parallel_loop3A_301] {strides = array<i32>} : memref<128x128xf32, #tpu.memory_space<vmem>>, vector<1x16xf32>,
        %parallel_loop3A_303 = vector.shape_cast %parallel_loop3A_302 : vector<1x16xf32> to vector<16xf32>
        %parallel_loop3A_304 = vector.shape_cast %parallel_loop3A_299 : vector<16xf32> to vector<1x16xf32>
        tpu.vector_store %arg11[%parallel_loop3A_300, %parallel_loop3A_301], %parallel_loop3A_304 {add = true, strides = array<i32>} : memref<128x128xf32, #tpu.memory_space<vmem>>, vector<1x16xf32>,
        %parallel_loop3A_305 = arith.addi %rem3A_205, %parallel_loop3A_264 : i32
        %parallel_loop3A_306 = arith.index_cast %parallel_loop3A_305 : i32 to index
        %parallel_loop3A_307 = arith.constant 64 : index
        %parallel_loop3A_308 = tpu.vector_load %arg7[%parallel_loop3A_306, %parallel_loop3A_307] {strides = array<i32>} : memref<200x128xf32, #tpu.memory_space<vmem>>, vector<1x16xf32>,
        %parallel_loop3A_309 = vector.shape_cast %parallel_loop3A_308 : vector<1x16xf32> to vector<16xf32>
        %parallel_loop3A_310 = arith.index_cast %parallel_loop3A_264 : i32 to index
        %parallel_loop3A_311 = arith.constant 64 : index
        %parallel_loop3A_312 = tpu.vector_load %arg11[%parallel_loop3A_310, %parallel_loop3A_311] {strides = array<i32>} : memref<128x128xf32, #tpu.memory_space<vmem>>, vector<1x16xf32>,
        %parallel_loop3A_313 = vector.shape_cast %parallel_loop3A_312 : vector<1x16xf32> to vector<16xf32>
        %parallel_loop3A_314 = vector.shape_cast %parallel_loop3A_309 : vector<16xf32> to vector<1x16xf32>
        tpu.vector_store %arg11[%parallel_loop3A_310, %parallel_loop3A_311], %parallel_loop3A_314 {add = true, strides = array<i32>} : memref<128x128xf32, #tpu.memory_space<vmem>>, vector<1x16xf32>,
        %parallel_loop3A_315 = arith.addi %rem3A_205, %parallel_loop3A_264 : i32
        %parallel_loop3A_316 = arith.index_cast %parallel_loop3A_315 : i32 to index
        %parallel_loop3A_317 = arith.constant 80 : index
        %parallel_loop3A_318 = tpu.vector_load %arg7[%parallel_loop3A_316, %parallel_loop3A_317] {strides = array<i32>} : memref<200x128xf32, #tpu.memory_space<vmem>>, vector<1x16xf32>,
        %parallel_loop3A_319 = vector.shape_cast %parallel_loop3A_318 : vector<1x16xf32> to vector<16xf32>
        %parallel_loop3A_320 = arith.index_cast %parallel_loop3A_264 : i32 to index
        %parallel_loop3A_321 = arith.constant 80 : index
        %parallel_loop3A_322 = tpu.vector_load %arg11[%parallel_loop3A_320, %parallel_loop3A_321] {strides = array<i32>} : memref<128x128xf32, #tpu.memory_space<vmem>>, vector<1x16xf32>,
        %parallel_loop3A_323 = vector.shape_cast %parallel_loop3A_322 : vector<1x16xf32> to vector<16xf32>
        %parallel_loop3A_324 = vector.shape_cast %parallel_loop3A_319 : vector<16xf32> to vector<1x16xf32>
        tpu.vector_store %arg11[%parallel_loop3A_320, %parallel_loop3A_321], %parallel_loop3A_324 {add = true, strides = array<i32>} : memref<128x128xf32, #tpu.memory_space<vmem>>, vector<1x16xf32>,
        %parallel_loop3A_325 = arith.addi %rem3A_205, %parallel_loop3A_264 : i32
        %parallel_loop3A_326 = arith.index_cast %parallel_loop3A_325 : i32 to index
        %parallel_loop3A_327 = arith.constant 96 : index
        %parallel_loop3A_328 = tpu.vector_load %arg7[%parallel_loop3A_326, %parallel_loop3A_327] {strides = array<i32>} : memref<200x128xf32, #tpu.memory_space<vmem>>, vector<1x16xf32>,
        %parallel_loop3A_329 = vector.shape_cast %parallel_loop3A_328 : vector<1x16xf32> to vector<16xf32>
        %parallel_loop3A_330 = arith.index_cast %parallel_loop3A_264 : i32 to index
        %parallel_loop3A_331 = arith.constant 96 : index
        %parallel_loop3A_332 = tpu.vector_load %arg11[%parallel_loop3A_330, %parallel_loop3A_331] {strides = array<i32>} : memref<128x128xf32, #tpu.memory_space<vmem>>, vector<1x16xf32>,
        %parallel_loop3A_333 = vector.shape_cast %parallel_loop3A_332 : vector<1x16xf32> to vector<16xf32>
        %parallel_loop3A_334 = vector.shape_cast %parallel_loop3A_329 : vector<16xf32> to vector<1x16xf32>
        tpu.vector_store %arg11[%parallel_loop3A_330, %parallel_loop3A_331], %parallel_loop3A_334 {add = true, strides = array<i32>} : memref<128x128xf32, #tpu.memory_space<vmem>>, vector<1x16xf32>,
        %parallel_loop3A_335 = arith.addi %rem3A_205, %parallel_loop3A_264 : i32
        %parallel_loop3A_336 = arith.index_cast %parallel_loop3A_335 : i32 to index
        %parallel_loop3A_337 = arith.constant 112 : index
        %parallel_loop3A_338 = tpu.vector_load %arg7[%parallel_loop3A_336, %parallel_loop3A_337] {strides = array<i32>} : memref<200x128xf32, #tpu.memory_space<vmem>>, vector<1x16xf32>,
        %parallel_loop3A_339 = vector.shape_cast %parallel_loop3A_338 : vector<1x16xf32> to vector<16xf32>
        %parallel_loop3A_340 = arith.index_cast %parallel_loop3A_264 : i32 to index
        %parallel_loop3A_341 = arith.constant 112 : index
        %parallel_loop3A_342 = tpu.vector_load %arg11[%parallel_loop3A_340, %parallel_loop3A_341] {strides = array<i32>} : memref<128x128xf32, #tpu.memory_space<vmem>>, vector<1x16xf32>,
        %parallel_loop3A_343 = vector.shape_cast %parallel_loop3A_342 : vector<1x16xf32> to vector<16xf32>
        %parallel_loop3A_344 = vector.shape_cast %parallel_loop3A_339 : vector<16xf32> to vector<1x16xf32>
        tpu.vector_store %arg11[%parallel_loop3A_340, %parallel_loop3A_341], %parallel_loop3A_344 {add = true, strides = array<i32>} : memref<128x128xf32, #tpu.memory_space<vmem>>, vector<1x16xf32>,
      } {sc.loop_unroll_factor = 4 : i64, sc.parallel_access}
      %parallel_loop3A_212 = arith.constant 128 : i32
      %parallel_loop3A_213 = arith.constant 1 : i32
      scf.for %parallel_loop3A_264 = %min3A_209 to %parallel_loop3A_212 step %parallel_loop3A_213  : i32 {
        %parallel_loop3A_265 = arith.subi %parallel_loop3A_264, %min3A_209 : i32
        %parallel_loop3A_266 = arith.index_cast %parallel_loop3A_265 : i32 to index
        %parallel_loop3A_267 = arith.constant 0 : index
        %parallel_loop3A_268 = tpu.vector_load %arg7[%parallel_loop3A_266, %parallel_loop3A_267] {strides = array<i32>} : memref<200x128xf32, #tpu.memory_space<vmem>>, vector<1x16xf32>,
        %parallel_loop3A_269 = vector.shape_cast %parallel_loop3A_268 : vector<1x16xf32> to vector<16xf32>
        %parallel_loop3A_270 = arith.index_cast %parallel_loop3A_264 : i32 to index
        %parallel_loop3A_271 = arith.constant 0 : index
        %parallel_loop3A_272 = tpu.vector_load %arg11[%parallel_loop3A_270, %parallel_loop3A_271] {strides = array<i32>} : memref<128x128xf32, #tpu.memory_space<vmem>>, vector<1x16xf32>,
        %parallel_loop3A_273 = vector.shape_cast %parallel_loop3A_272 : vector<1x16xf32> to vector<16xf32>
        %parallel_loop3A_274 = vector.shape_cast %parallel_loop3A_269 : vector<16xf32> to vector<1x16xf32>
        tpu.vector_store %arg11[%parallel_loop3A_270, %parallel_loop3A_271], %parallel_loop3A_274 {add = true, strides = array<i32>} : memref<128x128xf32, #tpu.memory_space<vmem>>, vector<1x16xf32>,
        %parallel_loop3A_275 = arith.subi %parallel_loop3A_264, %min3A_209 : i32
        %parallel_loop3A_276 = arith.index_cast %parallel_loop3A_275 : i32 to index
        %parallel_loop3A_277 = arith.constant 16 : index
        %parallel_loop3A_278 = tpu.vector_load %arg7[%parallel_loop3A_276, %parallel_loop3A_277] {strides = array<i32>} : memref<200x128xf32, #tpu.memory_space<vmem>>, vector<1x16xf32>,
        %parallel_loop3A_279 = vector.shape_cast %parallel_loop3A_278 : vector<1x16xf32> to vector<16xf32>
        %parallel_loop3A_280 = arith.index_cast %parallel_loop3A_264 : i32 to index
        %parallel_loop3A_281 = arith.constant 16 : index
        %parallel_loop3A_282 = tpu.vector_load %arg11[%parallel_loop3A_280, %parallel_loop3A_281] {strides = array<i32>} : memref<128x128xf32, #tpu.memory_space<vmem>>, vector<1x16xf32>,
        %parallel_loop3A_283 = vector.shape_cast %parallel_loop3A_282 : vector<1x16xf32> to vector<16xf32>
        %parallel_loop3A_284 = vector.shape_cast %parallel_loop3A_279 : vector<16xf32> to vector<1x16xf32>
        tpu.vector_store %arg11[%parallel_loop3A_280, %parallel_loop3A_281], %parallel_loop3A_284 {add = true, strides = array<i32>} : memref<128x128xf32, #tpu.memory_space<vmem>>, vector<1x16xf32>,
        %parallel_loop3A_285 = arith.subi %parallel_loop3A_264, %min3A_209 : i32
        %parallel_loop3A_286 = arith.index_cast %parallel_loop3A_285 : i32 to index
        %parallel_loop3A_287 = arith.constant 32 : index
        %parallel_loop3A_288 = tpu.vector_load %arg7[%parallel_loop3A_286, %parallel_loop3A_287] {strides = array<i32>} : memref<200x128xf32, #tpu.memory_space<vmem>>, vector<1x16xf32>,
        %parallel_loop3A_289 = vector.shape_cast %parallel_loop3A_288 : vector<1x16xf32> to vector<16xf32>
        %parallel_loop3A_290 = arith.index_cast %parallel_loop3A_264 : i32 to index
        %parallel_loop3A_291 = arith.constant 32 : index
        %parallel_loop3A_292 = tpu.vector_load %arg11[%parallel_loop3A_290, %parallel_loop3A_291] {strides = array<i32>} : memref<128x128xf32, #tpu.memory_space<vmem>>, vector<1x16xf32>,
        %parallel_loop3A_293 = vector.shape_cast %parallel_loop3A_292 : vector<1x16xf32> to vector<16xf32>
        %parallel_loop3A_294 = vector.shape_cast %parallel_loop3A_289 : vector<16xf32> to vector<1x16xf32>
        tpu.vector_store %arg11[%parallel_loop3A_290, %parallel_loop3A_291], %parallel_loop3A_294 {add = true, strides = array<i32>} : memref<128x128xf32, #tpu.memory_space<vmem>>, vector<1x16xf32>,
        %parallel_loop3A_295 = arith.subi %parallel_loop3A_264, %min3A_209 : i32
        %parallel_loop3A_296 = arith.index_cast %parallel_loop3A_295 : i32 to index
        %parallel_loop3A_297 = arith.constant 48 : index
        %parallel_loop3A_298 = tpu.vector_load %arg7[%parallel_loop3A_296, %parallel_loop3A_297] {strides = array<i32>} : memref<200x128xf32, #tpu.memory_space<vmem>>, vector<1x16xf32>,
        %parallel_loop3A_299 = vector.shape_cast %parallel_loop3A_298 : vector<1x16xf32> to vector<16xf32>
        %parallel_loop3A_300 = arith.index_cast %parallel_loop3A_264 : i32 to index
        %parallel_loop3A_301 = arith.constant 48 : index
        %parallel_loop3A_302 = tpu.vector_load %arg11[%parallel_loop3A_300, %parallel_loop3A_301] {strides = array<i32>} : memref<128x128xf32, #tpu.memory_space<vmem>>, vector<1x16xf32>,
        %parallel_loop3A_303 = vector.shape_cast %parallel_loop3A_302 : vector<1x16xf32> to vector<16xf32>
        %parallel_loop3A_304 = vector.shape_cast %parallel_loop3A_299 : vector<16xf32> to vector<1x16xf32>
        tpu.vector_store %arg11[%parallel_loop3A_300, %parallel_loop3A_301], %parallel_loop3A_304 {add = true, strides = array<i32>} : memref<128x128xf32, #tpu.memory_space<vmem>>, vector<1x16xf32>,
        %parallel_loop3A_305 = arith.subi %parallel_loop3A_264, %min3A_209 : i32
        %parallel_loop3A_306 = arith.index_cast %parallel_loop3A_305 : i32 to index
        %parallel_loop3A_307 = arith.constant 64 : index
        %parallel_loop3A_308 = tpu.vector_load %arg7[%parallel_loop3A_306, %parallel_loop3A_307] {strides = array<i32>} : memref<200x128xf32, #tpu.memory_space<vmem>>, vector<1x16xf32>,
        %parallel_loop3A_309 = vector.shape_cast %parallel_loop3A_308 : vector<1x16xf32> to vector<16xf32>
        %parallel_loop3A_310 = arith.index_cast %parallel_loop3A_264 : i32 to index
        %parallel_loop3A_311 = arith.constant 64 : index
        %parallel_loop3A_312 = tpu.vector_load %arg11[%parallel_loop3A_310, %parallel_loop3A_311] {strides = array<i32>} : memref<128x128xf32, #tpu.memory_space<vmem>>, vector<1x16xf32>,
        %parallel_loop3A_313 = vector.shape_cast %parallel_loop3A_312 : vector<1x16xf32> to vector<16xf32>
        %parallel_loop3A_314 = vector.shape_cast %parallel_loop3A_309 : vector<16xf32> to vector<1x16xf32>
        tpu.vector_store %arg11[%parallel_loop3A_310, %parallel_loop3A_311], %parallel_loop3A_314 {add = true, strides = array<i32>} : memref<128x128xf32, #tpu.memory_space<vmem>>, vector<1x16xf32>,
        %parallel_loop3A_315 = arith.subi %parallel_loop3A_264, %min3A_209 : i32
        %parallel_loop3A_316 = arith.index_cast %parallel_loop3A_315 : i32 to index
        %parallel_loop3A_317 = arith.constant 80 : index
        %parallel_loop3A_318 = tpu.vector_load %arg7[%parallel_loop3A_316, %parallel_loop3A_317] {strides = array<i32>} : memref<200x128xf32, #tpu.memory_space<vmem>>, vector<1x16xf32>,
        %parallel_loop3A_319 = vector.shape_cast %parallel_loop3A_318 : vector<1x16xf32> to vector<16xf32>
        %parallel_loop3A_320 = arith.index_cast %parallel_loop3A_264 : i32 to index
        %parallel_loop3A_321 = arith.constant 80 : index
        %parallel_loop3A_322 = tpu.vector_load %arg11[%parallel_loop3A_320, %parallel_loop3A_321] {strides = array<i32>} : memref<128x128xf32, #tpu.memory_space<vmem>>, vector<1x16xf32>,
        %parallel_loop3A_323 = vector.shape_cast %parallel_loop3A_322 : vector<1x16xf32> to vector<16xf32>
        %parallel_loop3A_324 = vector.shape_cast %parallel_loop3A_319 : vector<16xf32> to vector<1x16xf32>
        tpu.vector_store %arg11[%parallel_loop3A_320, %parallel_loop3A_321], %parallel_loop3A_324 {add = true, strides = array<i32>} : memref<128x128xf32, #tpu.memory_space<vmem>>, vector<1x16xf32>,
        %parallel_loop3A_325 = arith.subi %parallel_loop3A_264, %min3A_209 : i32
        %parallel_loop3A_326 = arith.index_cast %parallel_loop3A_325 : i32 to index
        %parallel_loop3A_327 = arith.constant 96 : index
        %parallel_loop3A_328 = tpu.vector_load %arg7[%parallel_loop3A_326, %parallel_loop3A_327] {strides = array<i32>} : memref<200x128xf32, #tpu.memory_space<vmem>>, vector<1x16xf32>,
        %parallel_loop3A_329 = vector.shape_cast %parallel_loop3A_328 : vector<1x16xf32> to vector<16xf32>
        %parallel_loop3A_330 = arith.index_cast %parallel_loop3A_264 : i32 to index
        %parallel_loop3A_331 = arith.constant 96 : index
        %parallel_loop3A_332 = tpu.vector_load %arg11[%parallel_loop3A_330, %parallel_loop3A_331] {strides = array<i32>} : memref<128x128xf32, #tpu.memory_space<vmem>>, vector<1x16xf32>,
        %parallel_loop3A_333 = vector.shape_cast %parallel_loop3A_332 : vector<1x16xf32> to vector<16xf32>
        %parallel_loop3A_334 = vector.shape_cast %parallel_loop3A_329 : vector<16xf32> to vector<1x16xf32>
        tpu.vector_store %arg11[%parallel_loop3A_330, %parallel_loop3A_331], %parallel_loop3A_334 {add = true, strides = array<i32>} : memref<128x128xf32, #tpu.memory_space<vmem>>, vector<1x16xf32>,
        %parallel_loop3A_335 = arith.subi %parallel_loop3A_264, %min3A_209 : i32
        %parallel_loop3A_336 = arith.index_cast %parallel_loop3A_335 : i32 to index
        %parallel_loop3A_337 = arith.constant 112 : index
        %parallel_loop3A_338 = tpu.vector_load %arg7[%parallel_loop3A_336, %parallel_loop3A_337] {strides = array<i32>} : memref<200x128xf32, #tpu.memory_space<vmem>>, vector<1x16xf32>,
        %parallel_loop3A_339 = vector.shape_cast %parallel_loop3A_338 : vector<1x16xf32> to vector<16xf32>
        %parallel_loop3A_340 = arith.index_cast %parallel_loop3A_264 : i32 to index
        %parallel_loop3A_341 = arith.constant 112 : index
        %parallel_loop3A_342 = tpu.vector_load %arg11[%parallel_loop3A_340, %parallel_loop3A_341] {strides = array<i32>} : memref<128x128xf32, #tpu.memory_space<vmem>>, vector<1x16xf32>,
        %parallel_loop3A_343 = vector.shape_cast %parallel_loop3A_342 : vector<1x16xf32> to vector<16xf32>
        %parallel_loop3A_344 = vector.shape_cast %parallel_loop3A_339 : vector<16xf32> to vector<1x16xf32>
        tpu.vector_store %arg11[%parallel_loop3A_340, %parallel_loop3A_341], %parallel_loop3A_344 {add = true, strides = array<i32>} : memref<128x128xf32, #tpu.memory_space<vmem>>, vector<1x16xf32>,
      } {sc.loop_unroll_factor = 4 : i64, sc.parallel_access}
      %add3A_214 = arith.addi %mul3A_2, %add3A_195 : i32
      %mul3A_215 = arith.constant 128 : i32
      %mul3A_216 = arith.muli %add3A_214, %mul3A_215 : i32
      %dma_start3A_217 = arith.constant 0 : i32
      %dma_start3A_218 = tpu.memref_slice %arg5[%mul3A_216, %dma_start3A_217] : memref<204800x128xf32, #tpu.memory_space<hbm>> -> memref<128x128xf32, #tpu.memory_space<hbm>>
      %dma_start3A_219 = arith.constant 0 : i32
      %dma_start3A_220 = tpu.memref_slice %arg5[%mul3A_216, %dma_start3A_219] : memref<204800x128xf32, #tpu.memory_space<hbm>> -> memref<128x128xf32, #tpu.memory_space<hbm>>
      tpu.enqueue_dma source(%arg11 : memref<128x128xf32, #tpu.memory_space<vmem>>) target(%dma_start3A_220 : memref<128x128xf32, #tpu.memory_space<hbm>>) target_semaphore(%arg21 : memref<!tpu.dma_semaphore, #tpu.memory_space<semaphore_mem>>)
      %add3A_221 = arith.constant 4 : i32
      %add3A_222 = arith.addi %add3A_195, %add3A_221 : i32
      %lt3A_223 = arith.constant 50 : i32
      %lt3A_224 = arith.cmpi slt, %add3A_222, %lt3A_223 : i32
      %convert_element_type3A_225 = arith.extui %lt3A_224 : i1 to i32
      %cond3A_226 = arith.constant 0 : i32
      %cond3A_227 = arith.cmpi ne, %convert_element_type3A_225, %cond3A_226 : i32
      scf.if %cond3A_227 {
        %ge3A = arith.constant 1 : i32
        %ge3A_264 = arith.cmpi sge, %add3A_195, %ge3A : i32
        %convert_element_type3A_265 = arith.extui %ge3A_264 : i1 to i32
        %cond3A_266 = arith.constant 0 : i32
        %cond3A_267 = arith.cmpi ne, %convert_element_type3A_265, %cond3A_266 : i32
        scf.if %cond3A_267 {
          %sub3A_274 = arith.constant 5 : i32
          %sub3A_275 = arith.subi %add3A_222, %sub3A_274 : i32
          %add3A_276 = arith.addi %mul3A_2, %sub3A_275 : i32
          %mul3A_277 = arith.constant 128 : i32
          %mul3A_278 = arith.muli %add3A_276, %mul3A_277 : i32
          %dma_wait3A_279 = arith.constant 0 : i32
          %dma_wait3A_280 = tpu.memref_slice %arg5[%mul3A_278, %dma_wait3A_279] : memref<204800x128xf32, #tpu.memory_space<hbm>> -> memref<128x128xf32, #tpu.memory_space<hbm>>
          %dma_wait3A_281 = arith.constant 0 : i32
          %dma_wait3A_282 = tpu.memref_slice %arg5[%mul3A_278, %dma_wait3A_281] : memref<204800x128xf32, #tpu.memory_space<hbm>> -> memref<128x128xf32, #tpu.memory_space<hbm>>
          tpu.wait_dma2 semaphore(%arg20 : memref<!tpu.dma_semaphore, #tpu.memory_space<semaphore_mem>>) src(%arg10 : memref<128x128xf32, #tpu.memory_space<vmem>>) dst(%dma_wait3A_282 : memref<128x128xf32, #tpu.memory_space<hbm>>)
        } else {
        }
        %dma_start3A_268 = arith.constant 0 : i32
        %dma_start3A_269 = tpu.memref_slice %arg6[%add3A_222, %dma_start3A_268] : memref<50x128xi32, #tpu.memory_space<vmem>> -> memref<1x128xi32, #tpu.memory_space<vmem>>
        %dma_start3A_270 = tpu.memref_squeeze %dma_start3A_269 : memref<1x128xi32, #tpu.memory_space<vmem>> -> memref<128xi32, #tpu.memory_space<vmem>>
        %dma_start3A_271 = arith.constant 0 : i32
        %dma_start3A_272 = arith.constant 0 : i32
        %dma_start3A_273 = tpu.memref_slice %arg3[%dma_start3A_271, %dma_start3A_272] : memref<100000x128xf32, #tpu.memory_space<hbm>> -> memref<100000x128xf32, #tpu.memory_space<hbm>>
        tpu.enqueue_indirect_dma source(%dma_start3A_273 : memref<100000x128xf32, #tpu.memory_space<hbm>>) target(%arg10 : memref<128x128xf32, #tpu.memory_space<vmem>>) offsets(%dma_start3A_270 : memref<128xi32, #tpu.memory_space<vmem>>) semaphore(%arg15 : memref<!tpu.dma_semaphore, #tpu.memory_space<semaphore_mem>>)
      } else {
      }
      %mul3A_228 = arith.constant 5 : i32
      %mul3A_229 = arith.muli %scan3A_90, %mul3A_228 : i32
      %add3A_230 = arith.constant 4 : i32
      %add3A_231 = arith.addi %mul3A_229, %add3A_230 : i32
      %dma_wait3A_232 = arith.constant 0 : i32
      %dma_wait3A_233 = tpu.memref_slice %arg6[%add3A_231, %dma_wait3A_232] : memref<50x128xi32, #tpu.memory_space<vmem>> -> memref<1x128xi32, #tpu.memory_space<vmem>>
      %dma_wait3A_234 = tpu.memref_squeeze %dma_wait3A_233 : memref<1x128xi32, #tpu.memory_space<vmem>> -> memref<128xi32, #tpu.memory_space<vmem>>
      %dma_wait3A_235 = arith.constant 0 : i32
      %dma_wait3A_236 = arith.constant 0 : i32
      %dma_wait3A_237 = tpu.memref_slice %arg3[%dma_wait3A_235, %dma_wait3A_236] : memref<100000x128xf32, #tpu.memory_space<hbm>> -> memref<100000x128xf32, #tpu.memory_space<hbm>>
      tpu.wait_indirect_dma semaphore(%arg17 : memref<!tpu.dma_semaphore, #tpu.memory_space<semaphore_mem>>) src(%dma_wait3A_237 : memref<100000x128xf32, #tpu.memory_space<hbm>>) dst(%arg12 : memref<128x128xf32, #tpu.memory_space<vmem>>)
      %mul3A_238 = arith.constant 128 : i32
      %mul3A_239 = arith.muli %add3A_231, %mul3A_238 : i32
      %rem3A_240 = arith.constant 200 : i32
      %rem3A_241 = arith.remsi %mul3A_239, %rem3A_240 : i32
      %sub3A_242 = arith.constant 200 : i32
      %sub3A_243 = arith.subi %sub3A_242, %rem3A_241 : i32
      %min3A_244 = arith.constant 128 : i32
      %min3A_245 = arith.minsi %min3A_244, %sub3A_243 : i32
      %parallel_loop3A_246 = arith.constant 0 : i32
      %parallel_loop3A_247 = arith.constant 1 : i32
      scf.for %parallel_loop3A_264 = %parallel_loop3A_246 to %min3A_245 step %parallel_loop3A_247  : i32 {
        %parallel_loop3A_265 = arith.addi %rem3A_241, %parallel_loop3A_264 : i32
        %parallel_loop3A_266 = arith.index_cast %parallel_loop3A_265 : i32 to index
        %parallel_loop3A_267 = arith.constant 0 : index
        %parallel_loop3A_268 = tpu.vector_load %arg7[%parallel_loop3A_266, %parallel_loop3A_267] {strides = array<i32>} : memref<200x128xf32, #tpu.memory_space<vmem>>, vector<1x16xf32>,
        %parallel_loop3A_269 = vector.shape_cast %parallel_loop3A_268 : vector<1x16xf32> to vector<16xf32>
        %parallel_loop3A_270 = arith.index_cast %parallel_loop3A_264 : i32 to index
        %parallel_loop3A_271 = arith.constant 0 : index
        %parallel_loop3A_272 = tpu.vector_load %arg12[%parallel_loop3A_270, %parallel_loop3A_271] {strides = array<i32>} : memref<128x128xf32, #tpu.memory_space<vmem>>, vector<1x16xf32>,
        %parallel_loop3A_273 = vector.shape_cast %parallel_loop3A_272 : vector<1x16xf32> to vector<16xf32>
        %parallel_loop3A_274 = vector.shape_cast %parallel_loop3A_269 : vector<16xf32> to vector<1x16xf32>
        tpu.vector_store %arg12[%parallel_loop3A_270, %parallel_loop3A_271], %parallel_loop3A_274 {add = true, strides = array<i32>} : memref<128x128xf32, #tpu.memory_space<vmem>>, vector<1x16xf32>,
        %parallel_loop3A_275 = arith.addi %rem3A_241, %parallel_loop3A_264 : i32
        %parallel_loop3A_276 = arith.index_cast %parallel_loop3A_275 : i32 to index
        %parallel_loop3A_277 = arith.constant 16 : index
        %parallel_loop3A_278 = tpu.vector_load %arg7[%parallel_loop3A_276, %parallel_loop3A_277] {strides = array<i32>} : memref<200x128xf32, #tpu.memory_space<vmem>>, vector<1x16xf32>,
        %parallel_loop3A_279 = vector.shape_cast %parallel_loop3A_278 : vector<1x16xf32> to vector<16xf32>
        %parallel_loop3A_280 = arith.index_cast %parallel_loop3A_264 : i32 to index
        %parallel_loop3A_281 = arith.constant 16 : index
        %parallel_loop3A_282 = tpu.vector_load %arg12[%parallel_loop3A_280, %parallel_loop3A_281] {strides = array<i32>} : memref<128x128xf32, #tpu.memory_space<vmem>>, vector<1x16xf32>,
        %parallel_loop3A_283 = vector.shape_cast %parallel_loop3A_282 : vector<1x16xf32> to vector<16xf32>
        %parallel_loop3A_284 = vector.shape_cast %parallel_loop3A_279 : vector<16xf32> to vector<1x16xf32>
        tpu.vector_store %arg12[%parallel_loop3A_280, %parallel_loop3A_281], %parallel_loop3A_284 {add = true, strides = array<i32>} : memref<128x128xf32, #tpu.memory_space<vmem>>, vector<1x16xf32>,
        %parallel_loop3A_285 = arith.addi %rem3A_241, %parallel_loop3A_264 : i32
        %parallel_loop3A_286 = arith.index_cast %parallel_loop3A_285 : i32 to index
        %parallel_loop3A_287 = arith.constant 32 : index
        %parallel_loop3A_288 = tpu.vector_load %arg7[%parallel_loop3A_286, %parallel_loop3A_287] {strides = array<i32>} : memref<200x128xf32, #tpu.memory_space<vmem>>, vector<1x16xf32>,
        %parallel_loop3A_289 = vector.shape_cast %parallel_loop3A_288 : vector<1x16xf32> to vector<16xf32>
        %parallel_loop3A_290 = arith.index_cast %parallel_loop3A_264 : i32 to index
        %parallel_loop3A_291 = arith.constant 32 : index
        %parallel_loop3A_292 = tpu.vector_load %arg12[%parallel_loop3A_290, %parallel_loop3A_291] {strides = array<i32>} : memref<128x128xf32, #tpu.memory_space<vmem>>, vector<1x16xf32>,
        %parallel_loop3A_293 = vector.shape_cast %parallel_loop3A_292 : vector<1x16xf32> to vector<16xf32>
        %parallel_loop3A_294 = vector.shape_cast %parallel_loop3A_289 : vector<16xf32> to vector<1x16xf32>
        tpu.vector_store %arg12[%parallel_loop3A_290, %parallel_loop3A_291], %parallel_loop3A_294 {add = true, strides = array<i32>} : memref<128x128xf32, #tpu.memory_space<vmem>>, vector<1x16xf32>,
        %parallel_loop3A_295 = arith.addi %rem3A_241, %parallel_loop3A_264 : i32
        %parallel_loop3A_296 = arith.index_cast %parallel_loop3A_295 : i32 to index
        %parallel_loop3A_297 = arith.constant 48 : index
        %parallel_loop3A_298 = tpu.vector_load %arg7[%parallel_loop3A_296, %parallel_loop3A_297] {strides = array<i32>} : memref<200x128xf32, #tpu.memory_space<vmem>>, vector<1x16xf32>,
        %parallel_loop3A_299 = vector.shape_cast %parallel_loop3A_298 : vector<1x16xf32> to vector<16xf32>
        %parallel_loop3A_300 = arith.index_cast %parallel_loop3A_264 : i32 to index
        %parallel_loop3A_301 = arith.constant 48 : index
        %parallel_loop3A_302 = tpu.vector_load %arg12[%parallel_loop3A_300, %parallel_loop3A_301] {strides = array<i32>} : memref<128x128xf32, #tpu.memory_space<vmem>>, vector<1x16xf32>,
        %parallel_loop3A_303 = vector.shape_cast %parallel_loop3A_302 : vector<1x16xf32> to vector<16xf32>
        %parallel_loop3A_304 = vector.shape_cast %parallel_loop3A_299 : vector<16xf32> to vector<1x16xf32>
        tpu.vector_store %arg12[%parallel_loop3A_300, %parallel_loop3A_301], %parallel_loop3A_304 {add = true, strides = array<i32>} : memref<128x128xf32, #tpu.memory_space<vmem>>, vector<1x16xf32>,
        %parallel_loop3A_305 = arith.addi %rem3A_241, %parallel_loop3A_264 : i32
        %parallel_loop3A_306 = arith.index_cast %parallel_loop3A_305 : i32 to index
        %parallel_loop3A_307 = arith.constant 64 : index
        %parallel_loop3A_308 = tpu.vector_load %arg7[%parallel_loop3A_306, %parallel_loop3A_307] {strides = array<i32>} : memref<200x128xf32, #tpu.memory_space<vmem>>, vector<1x16xf32>,
        %parallel_loop3A_309 = vector.shape_cast %parallel_loop3A_308 : vector<1x16xf32> to vector<16xf32>
        %parallel_loop3A_310 = arith.index_cast %parallel_loop3A_264 : i32 to index
        %parallel_loop3A_311 = arith.constant 64 : index
        %parallel_loop3A_312 = tpu.vector_load %arg12[%parallel_loop3A_310, %parallel_loop3A_311] {strides = array<i32>} : memref<128x128xf32, #tpu.memory_space<vmem>>, vector<1x16xf32>,
        %parallel_loop3A_313 = vector.shape_cast %parallel_loop3A_312 : vector<1x16xf32> to vector<16xf32>
        %parallel_loop3A_314 = vector.shape_cast %parallel_loop3A_309 : vector<16xf32> to vector<1x16xf32>
        tpu.vector_store %arg12[%parallel_loop3A_310, %parallel_loop3A_311], %parallel_loop3A_314 {add = true, strides = array<i32>} : memref<128x128xf32, #tpu.memory_space<vmem>>, vector<1x16xf32>,
        %parallel_loop3A_315 = arith.addi %rem3A_241, %parallel_loop3A_264 : i32
        %parallel_loop3A_316 = arith.index_cast %parallel_loop3A_315 : i32 to index
        %parallel_loop3A_317 = arith.constant 80 : index
        %parallel_loop3A_318 = tpu.vector_load %arg7[%parallel_loop3A_316, %parallel_loop3A_317] {strides = array<i32>} : memref<200x128xf32, #tpu.memory_space<vmem>>, vector<1x16xf32>,
        %parallel_loop3A_319 = vector.shape_cast %parallel_loop3A_318 : vector<1x16xf32> to vector<16xf32>
        %parallel_loop3A_320 = arith.index_cast %parallel_loop3A_264 : i32 to index
        %parallel_loop3A_321 = arith.constant 80 : index
        %parallel_loop3A_322 = tpu.vector_load %arg12[%parallel_loop3A_320, %parallel_loop3A_321] {strides = array<i32>} : memref<128x128xf32, #tpu.memory_space<vmem>>, vector<1x16xf32>,
        %parallel_loop3A_323 = vector.shape_cast %parallel_loop3A_322 : vector<1x16xf32> to vector<16xf32>
        %parallel_loop3A_324 = vector.shape_cast %parallel_loop3A_319 : vector<16xf32> to vector<1x16xf32>
        tpu.vector_store %arg12[%parallel_loop3A_320, %parallel_loop3A_321], %parallel_loop3A_324 {add = true, strides = array<i32>} : memref<128x128xf32, #tpu.memory_space<vmem>>, vector<1x16xf32>,
        %parallel_loop3A_325 = arith.addi %rem3A_241, %parallel_loop3A_264 : i32
        %parallel_loop3A_326 = arith.index_cast %parallel_loop3A_325 : i32 to index
        %parallel_loop3A_327 = arith.constant 96 : index
        %parallel_loop3A_328 = tpu.vector_load %arg7[%parallel_loop3A_326, %parallel_loop3A_327] {strides = array<i32>} : memref<200x128xf32, #tpu.memory_space<vmem>>, vector<1x16xf32>,
        %parallel_loop3A_329 = vector.shape_cast %parallel_loop3A_328 : vector<1x16xf32> to vector<16xf32>
        %parallel_loop3A_330 = arith.index_cast %parallel_loop3A_264 : i32 to index
        %parallel_loop3A_331 = arith.constant 96 : index
        %parallel_loop3A_332 = tpu.vector_load %arg12[%parallel_loop3A_330, %parallel_loop3A_331] {strides = array<i32>} : memref<128x128xf32, #tpu.memory_space<vmem>>, vector<1x16xf32>,
        %parallel_loop3A_333 = vector.shape_cast %parallel_loop3A_332 : vector<1x16xf32> to vector<16xf32>
        %parallel_loop3A_334 = vector.shape_cast %parallel_loop3A_329 : vector<16xf32> to vector<1x16xf32>
        tpu.vector_store %arg12[%parallel_loop3A_330, %parallel_loop3A_331], %parallel_loop3A_334 {add = true, strides = array<i32>} : memref<128x128xf32, #tpu.memory_space<vmem>>, vector<1x16xf32>,
        %parallel_loop3A_335 = arith.addi %rem3A_241, %parallel_loop3A_264 : i32
        %parallel_loop3A_336 = arith.index_cast %parallel_loop3A_335 : i32 to index
        %parallel_loop3A_337 = arith.constant 112 : index
        %parallel_loop3A_338 = tpu.vector_load %arg7[%parallel_loop3A_336, %parallel_loop3A_337] {strides = array<i32>} : memref<200x128xf32, #tpu.memory_space<vmem>>, vector<1x16xf32>,
        %parallel_loop3A_339 = vector.shape_cast %parallel_loop3A_338 : vector<1x16xf32> to vector<16xf32>
        %parallel_loop3A_340 = arith.index_cast %parallel_loop3A_264 : i32 to index
        %parallel_loop3A_341 = arith.constant 112 : index
        %parallel_loop3A_342 = tpu.vector_load %arg12[%parallel_loop3A_340, %parallel_loop3A_341] {strides = array<i32>} : memref<128x128xf32, #tpu.memory_space<vmem>>, vector<1x16xf32>,
        %parallel_loop3A_343 = vector.shape_cast %parallel_loop3A_342 : vector<1x16xf32> to vector<16xf32>
        %parallel_loop3A_344 = vector.shape_cast %parallel_loop3A_339 : vector<16xf32> to vector<1x16xf32>
        tpu.vector_store %arg12[%parallel_loop3A_340, %parallel_loop3A_341], %parallel_loop3A_344 {add = true, strides = array<i32>} : memref<128x128xf32, #tpu.memory_space<vmem>>, vector<1x16xf32>,
      } {sc.loop_unroll_factor = 4 : i64, sc.parallel_access}
      %parallel_loop3A_248 = arith.constant 128 : i32
      %parallel_loop3A_249 = arith.constant 1 : i32
      scf.for %parallel_loop3A_264 = %min3A_245 to %parallel_loop3A_248 step %parallel_loop3A_249  : i32 {
        %parallel_loop3A_265 = arith.subi %parallel_loop3A_264, %min3A_245 : i32
        %parallel_loop3A_266 = arith.index_cast %parallel_loop3A_265 : i32 to index
        %parallel_loop3A_267 = arith.constant 0 : index
        %parallel_loop3A_268 = tpu.vector_load %arg7[%parallel_loop3A_266, %parallel_loop3A_267] {strides = array<i32>} : memref<200x128xf32, #tpu.memory_space<vmem>>, vector<1x16xf32>,
        %parallel_loop3A_269 = vector.shape_cast %parallel_loop3A_268 : vector<1x16xf32> to vector<16xf32>
        %parallel_loop3A_270 = arith.index_cast %parallel_loop3A_264 : i32 to index
        %parallel_loop3A_271 = arith.constant 0 : index
        %parallel_loop3A_272 = tpu.vector_load %arg12[%parallel_loop3A_270, %parallel_loop3A_271] {strides = array<i32>} : memref<128x128xf32, #tpu.memory_space<vmem>>, vector<1x16xf32>,
        %parallel_loop3A_273 = vector.shape_cast %parallel_loop3A_272 : vector<1x16xf32> to vector<16xf32>
        %parallel_loop3A_274 = vector.shape_cast %parallel_loop3A_269 : vector<16xf32> to vector<1x16xf32>
        tpu.vector_store %arg12[%parallel_loop3A_270, %parallel_loop3A_271], %parallel_loop3A_274 {add = true, strides = array<i32>} : memref<128x128xf32, #tpu.memory_space<vmem>>, vector<1x16xf32>,
        %parallel_loop3A_275 = arith.subi %parallel_loop3A_264, %min3A_245 : i32
        %parallel_loop3A_276 = arith.index_cast %parallel_loop3A_275 : i32 to index
        %parallel_loop3A_277 = arith.constant 16 : index
        %parallel_loop3A_278 = tpu.vector_load %arg7[%parallel_loop3A_276, %parallel_loop3A_277] {strides = array<i32>} : memref<200x128xf32, #tpu.memory_space<vmem>>, vector<1x16xf32>,
        %parallel_loop3A_279 = vector.shape_cast %parallel_loop3A_278 : vector<1x16xf32> to vector<16xf32>
        %parallel_loop3A_280 = arith.index_cast %parallel_loop3A_264 : i32 to index
        %parallel_loop3A_281 = arith.constant 16 : index
        %parallel_loop3A_282 = tpu.vector_load %arg12[%parallel_loop3A_280, %parallel_loop3A_281] {strides = array<i32>} : memref<128x128xf32, #tpu.memory_space<vmem>>, vector<1x16xf32>,
        %parallel_loop3A_283 = vector.shape_cast %parallel_loop3A_282 : vector<1x16xf32> to vector<16xf32>
        %parallel_loop3A_284 = vector.shape_cast %parallel_loop3A_279 : vector<16xf32> to vector<1x16xf32>
        tpu.vector_store %arg12[%parallel_loop3A_280, %parallel_loop3A_281], %parallel_loop3A_284 {add = true, strides = array<i32>} : memref<128x128xf32, #tpu.memory_space<vmem>>, vector<1x16xf32>,
        %parallel_loop3A_285 = arith.subi %parallel_loop3A_264, %min3A_245 : i32
        %parallel_loop3A_286 = arith.index_cast %parallel_loop3A_285 : i32 to index
        %parallel_loop3A_287 = arith.constant 32 : index
        %parallel_loop3A_288 = tpu.vector_load %arg7[%parallel_loop3A_286, %parallel_loop3A_287] {strides = array<i32>} : memref<200x128xf32, #tpu.memory_space<vmem>>, vector<1x16xf32>,
        %parallel_loop3A_289 = vector.shape_cast %parallel_loop3A_288 : vector<1x16xf32> to vector<16xf32>
        %parallel_loop3A_290 = arith.index_cast %parallel_loop3A_264 : i32 to index
        %parallel_loop3A_291 = arith.constant 32 : index
        %parallel_loop3A_292 = tpu.vector_load %arg12[%parallel_loop3A_290, %parallel_loop3A_291] {strides = array<i32>} : memref<128x128xf32, #tpu.memory_space<vmem>>, vector<1x16xf32>,
        %parallel_loop3A_293 = vector.shape_cast %parallel_loop3A_292 : vector<1x16xf32> to vector<16xf32>
        %parallel_loop3A_294 = vector.shape_cast %parallel_loop3A_289 : vector<16xf32> to vector<1x16xf32>
        tpu.vector_store %arg12[%parallel_loop3A_290, %parallel_loop3A_291], %parallel_loop3A_294 {add = true, strides = array<i32>} : memref<128x128xf32, #tpu.memory_space<vmem>>, vector<1x16xf32>,
        %parallel_loop3A_295 = arith.subi %parallel_loop3A_264, %min3A_245 : i32
        %parallel_loop3A_296 = arith.index_cast %parallel_loop3A_295 : i32 to index
        %parallel_loop3A_297 = arith.constant 48 : index
        %parallel_loop3A_298 = tpu.vector_load %arg7[%parallel_loop3A_296, %parallel_loop3A_297] {strides = array<i32>} : memref<200x128xf32, #tpu.memory_space<vmem>>, vector<1x16xf32>,
        %parallel_loop3A_299 = vector.shape_cast %parallel_loop3A_298 : vector<1x16xf32> to vector<16xf32>
        %parallel_loop3A_300 = arith.index_cast %parallel_loop3A_264 : i32 to index
        %parallel_loop3A_301 = arith.constant 48 : index
        %parallel_loop3A_302 = tpu.vector_load %arg12[%parallel_loop3A_300, %parallel_loop3A_301] {strides = array<i32>} : memref<128x128xf32, #tpu.memory_space<vmem>>, vector<1x16xf32>,
        %parallel_loop3A_303 = vector.shape_cast %parallel_loop3A_302 : vector<1x16xf32> to vector<16xf32>
        %parallel_loop3A_304 = vector.shape_cast %parallel_loop3A_299 : vector<16xf32> to vector<1x16xf32>
        tpu.vector_store %arg12[%parallel_loop3A_300, %parallel_loop3A_301], %parallel_loop3A_304 {add = true, strides = array<i32>} : memref<128x128xf32, #tpu.memory_space<vmem>>, vector<1x16xf32>,
        %parallel_loop3A_305 = arith.subi %parallel_loop3A_264, %min3A_245 : i32
        %parallel_loop3A_306 = arith.index_cast %parallel_loop3A_305 : i32 to index
        %parallel_loop3A_307 = arith.constant 64 : index
        %parallel_loop3A_308 = tpu.vector_load %arg7[%parallel_loop3A_306, %parallel_loop3A_307] {strides = array<i32>} : memref<200x128xf32, #tpu.memory_space<vmem>>, vector<1x16xf32>,
        %parallel_loop3A_309 = vector.shape_cast %parallel_loop3A_308 : vector<1x16xf32> to vector<16xf32>
        %parallel_loop3A_310 = arith.index_cast %parallel_loop3A_264 : i32 to index
        %parallel_loop3A_311 = arith.constant 64 : index
        %parallel_loop3A_312 = tpu.vector_load %arg12[%parallel_loop3A_310, %parallel_loop3A_311] {strides = array<i32>} : memref<128x128xf32, #tpu.memory_space<vmem>>, vector<1x16xf32>,
        %parallel_loop3A_313 = vector.shape_cast %parallel_loop3A_312 : vector<1x16xf32> to vector<16xf32>
        %parallel_loop3A_314 = vector.shape_cast %parallel_loop3A_309 : vector<16xf32> to vector<1x16xf32>
        tpu.vector_store %arg12[%parallel_loop3A_310, %parallel_loop3A_311], %parallel_loop3A_314 {add = true, strides = array<i32>} : memref<128x128xf32, #tpu.memory_space<vmem>>, vector<1x16xf32>,
        %parallel_loop3A_315 = arith.subi %parallel_loop3A_264, %min3A_245 : i32
        %parallel_loop3A_316 = arith.index_cast %parallel_loop3A_315 : i32 to index
        %parallel_loop3A_317 = arith.constant 80 : index
        %parallel_loop3A_318 = tpu.vector_load %arg7[%parallel_loop3A_316, %parallel_loop3A_317] {strides = array<i32>} : memref<200x128xf32, #tpu.memory_space<vmem>>, vector<1x16xf32>,
        %parallel_loop3A_319 = vector.shape_cast %parallel_loop3A_318 : vector<1x16xf32> to vector<16xf32>
        %parallel_loop3A_320 = arith.index_cast %parallel_loop3A_264 : i32 to index
        %parallel_loop3A_321 = arith.constant 80 : index
        %parallel_loop3A_322 = tpu.vector_load %arg12[%parallel_loop3A_320, %parallel_loop3A_321] {strides = array<i32>} : memref<128x128xf32, #tpu.memory_space<vmem>>, vector<1x16xf32>,
        %parallel_loop3A_323 = vector.shape_cast %parallel_loop3A_322 : vector<1x16xf32> to vector<16xf32>
        %parallel_loop3A_324 = vector.shape_cast %parallel_loop3A_319 : vector<16xf32> to vector<1x16xf32>
        tpu.vector_store %arg12[%parallel_loop3A_320, %parallel_loop3A_321], %parallel_loop3A_324 {add = true, strides = array<i32>} : memref<128x128xf32, #tpu.memory_space<vmem>>, vector<1x16xf32>,
        %parallel_loop3A_325 = arith.subi %parallel_loop3A_264, %min3A_245 : i32
        %parallel_loop3A_326 = arith.index_cast %parallel_loop3A_325 : i32 to index
        %parallel_loop3A_327 = arith.constant 96 : index
        %parallel_loop3A_328 = tpu.vector_load %arg7[%parallel_loop3A_326, %parallel_loop3A_327] {strides = array<i32>} : memref<200x128xf32, #tpu.memory_space<vmem>>, vector<1x16xf32>,
        %parallel_loop3A_329 = vector.shape_cast %parallel_loop3A_328 : vector<1x16xf32> to vector<16xf32>
        %parallel_loop3A_330 = arith.index_cast %parallel_loop3A_264 : i32 to index
        %parallel_loop3A_331 = arith.constant 96 : index
        %parallel_loop3A_332 = tpu.vector_load %arg12[%parallel_loop3A_330, %parallel_loop3A_331] {strides = array<i32>} : memref<128x128xf32, #tpu.memory_space<vmem>>, vector<1x16xf32>,
        %parallel_loop3A_333 = vector.shape_cast %parallel_loop3A_332 : vector<1x16xf32> to vector<16xf32>
        %parallel_loop3A_334 = vector.shape_cast %parallel_loop3A_329 : vector<16xf32> to vector<1x16xf32>
        tpu.vector_store %arg12[%parallel_loop3A_330, %parallel_loop3A_331], %parallel_loop3A_334 {add = true, strides = array<i32>} : memref<128x128xf32, #tpu.memory_space<vmem>>, vector<1x16xf32>,
        %parallel_loop3A_335 = arith.subi %parallel_loop3A_264, %min3A_245 : i32
        %parallel_loop3A_336 = arith.index_cast %parallel_loop3A_335 : i32 to index
        %parallel_loop3A_337 = arith.constant 112 : index
        %parallel_loop3A_338 = tpu.vector_load %arg7[%parallel_loop3A_336, %parallel_loop3A_337] {strides = array<i32>} : memref<200x128xf32, #tpu.memory_space<vmem>>, vector<1x16xf32>,
        %parallel_loop3A_339 = vector.shape_cast %parallel_loop3A_338 : vector<1x16xf32> to vector<16xf32>
        %parallel_loop3A_340 = arith.index_cast %parallel_loop3A_264 : i32 to index
        %parallel_loop3A_341 = arith.constant 112 : index
        %parallel_loop3A_342 = tpu.vector_load %arg12[%parallel_loop3A_340, %parallel_loop3A_341] {strides = array<i32>} : memref<128x128xf32, #tpu.memory_space<vmem>>, vector<1x16xf32>,
        %parallel_loop3A_343 = vector.shape_cast %parallel_loop3A_342 : vector<1x16xf32> to vector<16xf32>
        %parallel_loop3A_344 = vector.shape_cast %parallel_loop3A_339 : vector<16xf32> to vector<1x16xf32>
        tpu.vector_store %arg12[%parallel_loop3A_340, %parallel_loop3A_341], %parallel_loop3A_344 {add = true, strides = array<i32>} : memref<128x128xf32, #tpu.memory_space<vmem>>, vector<1x16xf32>,
      } {sc.loop_unroll_factor = 4 : i64, sc.parallel_access}
      %add3A_250 = arith.addi %mul3A_2, %add3A_231 : i32
      %mul3A_251 = arith.constant 128 : i32
      %mul3A_252 = arith.muli %add3A_250, %mul3A_251 : i32
      %dma_start3A_253 = arith.constant 0 : i32
      %dma_start3A_254 = tpu.memref_slice %arg5[%mul3A_252, %dma_start3A_253] : memref<204800x128xf32, #tpu.memory_space<hbm>> -> memref<128x128xf32, #tpu.memory_space<hbm>>
      %dma_start3A_255 = arith.constant 0 : i32
      %dma_start3A_256 = tpu.memref_slice %arg5[%mul3A_252, %dma_start3A_255] : memref<204800x128xf32, #tpu.memory_space<hbm>> -> memref<128x128xf32, #tpu.memory_space<hbm>>
      tpu.enqueue_dma source(%arg12 : memref<128x128xf32, #tpu.memory_space<vmem>>) target(%dma_start3A_256 : memref<128x128xf32, #tpu.memory_space<hbm>>) target_semaphore(%arg22 : memref<!tpu.dma_semaphore, #tpu.memory_space<semaphore_mem>>)
      %add3A_257 = arith.constant 4 : i32
      %add3A_258 = arith.addi %add3A_231, %add3A_257 : i32
      %lt3A_259 = arith.constant 50 : i32
      %lt3A_260 = arith.cmpi slt, %add3A_258, %lt3A_259 : i32
      %convert_element_type3A_261 = arith.extui %lt3A_260 : i1 to i32
      %cond3A_262 = arith.constant 0 : i32
      %cond3A_263 = arith.cmpi ne, %convert_element_type3A_261, %cond3A_262 : i32
      scf.if %cond3A_263 {
        %ge3A = arith.constant 1 : i32
        %ge3A_264 = arith.cmpi sge, %add3A_231, %ge3A : i32
        %convert_element_type3A_265 = arith.extui %ge3A_264 : i1 to i32
        %cond3A_266 = arith.constant 0 : i32
        %cond3A_267 = arith.cmpi ne, %convert_element_type3A_265, %cond3A_266 : i32
        scf.if %cond3A_267 {
          %sub3A_274 = arith.constant 5 : i32
          %sub3A_275 = arith.subi %add3A_258, %sub3A_274 : i32
          %add3A_276 = arith.addi %mul3A_2, %sub3A_275 : i32
          %mul3A_277 = arith.constant 128 : i32
          %mul3A_278 = arith.muli %add3A_276, %mul3A_277 : i32
          %dma_wait3A_279 = arith.constant 0 : i32
          %dma_wait3A_280 = tpu.memref_slice %arg5[%mul3A_278, %dma_wait3A_279] : memref<204800x128xf32, #tpu.memory_space<hbm>> -> memref<128x128xf32, #tpu.memory_space<hbm>>
          %dma_wait3A_281 = arith.constant 0 : i32
          %dma_wait3A_282 = tpu.memref_slice %arg5[%mul3A_278, %dma_wait3A_281] : memref<204800x128xf32, #tpu.memory_space<hbm>> -> memref<128x128xf32, #tpu.memory_space<hbm>>
          tpu.wait_dma2 semaphore(%arg21 : memref<!tpu.dma_semaphore, #tpu.memory_space<semaphore_mem>>) src(%arg11 : memref<128x128xf32, #tpu.memory_space<vmem>>) dst(%dma_wait3A_282 : memref<128x128xf32, #tpu.memory_space<hbm>>)
        } else {
        }
        %dma_start3A_268 = arith.constant 0 : i32
        %dma_start3A_269 = tpu.memref_slice %arg6[%add3A_258, %dma_start3A_268] : memref<50x128xi32, #tpu.memory_space<vmem>> -> memref<1x128xi32, #tpu.memory_space<vmem>>
        %dma_start3A_270 = tpu.memref_squeeze %dma_start3A_269 : memref<1x128xi32, #tpu.memory_space<vmem>> -> memref<128xi32, #tpu.memory_space<vmem>>
        %dma_start3A_271 = arith.constant 0 : i32
        %dma_start3A_272 = arith.constant 0 : i32
        %dma_start3A_273 = tpu.memref_slice %arg3[%dma_start3A_271, %dma_start3A_272] : memref<100000x128xf32, #tpu.memory_space<hbm>> -> memref<100000x128xf32, #tpu.memory_space<hbm>>
        tpu.enqueue_indirect_dma source(%dma_start3A_273 : memref<100000x128xf32, #tpu.memory_space<hbm>>) target(%arg11 : memref<128x128xf32, #tpu.memory_space<vmem>>) offsets(%dma_start3A_270 : memref<128xi32, #tpu.memory_space<vmem>>) semaphore(%arg16 : memref<!tpu.dma_semaphore, #tpu.memory_space<semaphore_mem>>)
      } else {
      }
    }
    %scan3A_49 = arith.constant 10 : i32
    %add3A_50 = arith.constant 45 : i32
    %add3A_51 = arith.addi %mul3A_2, %add3A_50 : i32
    %mul3A_52 = arith.constant 128 : i32
    %mul3A_53 = arith.muli %add3A_51, %mul3A_52 : i32
    %dma_wait3A_54 = arith.constant 0 : i32
    %dma_wait3A_55 = tpu.memref_slice %arg5[%mul3A_53, %dma_wait3A_54] : memref<204800x128xf32, #tpu.memory_space<hbm>> -> memref<128x128xf32, #tpu.memory_space<hbm>>
    %dma_wait3A_56 = arith.constant 0 : i32
    %dma_wait3A_57 = tpu.memref_slice %arg5[%mul3A_53, %dma_wait3A_56] : memref<204800x128xf32, #tpu.memory_space<hbm>> -> memref<128x128xf32, #tpu.memory_space<hbm>>
    tpu.wait_dma2 semaphore(%arg18 : memref<!tpu.dma_semaphore, #tpu.memory_space<semaphore_mem>>) src(%arg8 : memref<128x128xf32, #tpu.memory_space<vmem>>) dst(%dma_wait3A_57 : memref<128x128xf32, #tpu.memory_space<hbm>>)
    %add3A_58 = arith.constant 46 : i32
    %add3A_59 = arith.addi %mul3A_2, %add3A_58 : i32
    %mul3A_60 = arith.constant 128 : i32
    %mul3A_61 = arith.muli %add3A_59, %mul3A_60 : i32
    %dma_wait3A_62 = arith.constant 0 : i32
    %dma_wait3A_63 = tpu.memref_slice %arg5[%mul3A_61, %dma_wait3A_62] : memref<204800x128xf32, #tpu.memory_space<hbm>> -> memref<128x128xf32, #tpu.memory_space<hbm>>
    %dma_wait3A_64 = arith.constant 0 : i32
    %dma_wait3A_65 = tpu.memref_slice %arg5[%mul3A_61, %dma_wait3A_64] : memref<204800x128xf32, #tpu.memory_space<hbm>> -> memref<128x128xf32, #tpu.memory_space<hbm>>
    tpu.wait_dma2 semaphore(%arg19 : memref<!tpu.dma_semaphore, #tpu.memory_space<semaphore_mem>>) src(%arg9 : memref<128x128xf32, #tpu.memory_space<vmem>>) dst(%dma_wait3A_65 : memref<128x128xf32, #tpu.memory_space<hbm>>)
    %add3A_66 = arith.constant 47 : i32
    %add3A_67 = arith.addi %mul3A_2, %add3A_66 : i32
    %mul3A_68 = arith.constant 128 : i32
    %mul3A_69 = arith.muli %add3A_67, %mul3A_68 : i32
    %dma_wait3A_70 = arith.constant 0 : i32
    %dma_wait3A_71 = tpu.memref_slice %arg5[%mul3A_69, %dma_wait3A_70] : memref<204800x128xf32, #tpu.memory_space<hbm>> -> memref<128x128xf32, #tpu.memory_space<hbm>>
    %dma_wait3A_72 = arith.constant 0 : i32
    %dma_wait3A_73 = tpu.memref_slice %arg5[%mul3A_69, %dma_wait3A_72] : memref<204800x128xf32, #tpu.memory_space<hbm>> -> memref<128x128xf32, #tpu.memory_space<hbm>>
    tpu.wait_dma2 semaphore(%arg20 : memref<!tpu.dma_semaphore, #tpu.memory_space<semaphore_mem>>) src(%arg10 : memref<128x128xf32, #tpu.memory_space<vmem>>) dst(%dma_wait3A_73 : memref<128x128xf32, #tpu.memory_space<hbm>>)
    %add3A_74 = arith.constant 48 : i32
    %add3A_75 = arith.addi %mul3A_2, %add3A_74 : i32
    %mul3A_76 = arith.constant 128 : i32
    %mul3A_77 = arith.muli %add3A_75, %mul3A_76 : i32
    %dma_wait3A_78 = arith.constant 0 : i32
    %dma_wait3A_79 = tpu.memref_slice %arg5[%mul3A_77, %dma_wait3A_78] : memref<204800x128xf32, #tpu.memory_space<hbm>> -> memref<128x128xf32, #tpu.memory_space<hbm>>
    %dma_wait3A_80 = arith.constant 0 : i32
    %dma_wait3A_81 = tpu.memref_slice %arg5[%mul3A_77, %dma_wait3A_80] : memref<204800x128xf32, #tpu.memory_space<hbm>> -> memref<128x128xf32, #tpu.memory_space<hbm>>
    tpu.wait_dma2 semaphore(%arg21 : memref<!tpu.dma_semaphore, #tpu.memory_space<semaphore_mem>>) src(%arg11 : memref<128x128xf32, #tpu.memory_space<vmem>>) dst(%dma_wait3A_81 : memref<128x128xf32, #tpu.memory_space<hbm>>)
    %add3A_82 = arith.constant 49 : i32
    %add3A_83 = arith.addi %mul3A_2, %add3A_82 : i32
    %mul3A_84 = arith.constant 128 : i32
    %mul3A_85 = arith.muli %add3A_83, %mul3A_84 : i32
    %dma_wait3A_86 = arith.constant 0 : i32
    %dma_wait3A_87 = tpu.memref_slice %arg5[%mul3A_85, %dma_wait3A_86] : memref<204800x128xf32, #tpu.memory_space<hbm>> -> memref<128x128xf32, #tpu.memory_space<hbm>>
    %dma_wait3A_88 = arith.constant 0 : i32
    %dma_wait3A_89 = tpu.memref_slice %arg5[%mul3A_85, %dma_wait3A_88] : memref<204800x128xf32, #tpu.memory_space<hbm>> -> memref<128x128xf32, #tpu.memory_space<hbm>>
    tpu.wait_dma2 semaphore(%arg22 : memref<!tpu.dma_semaphore, #tpu.memory_space<semaphore_mem>>) src(%arg12 : memref<128x128xf32, #tpu.memory_space<vmem>>) dst(%dma_wait3A_89 : memref<128x128xf32, #tpu.memory_space<hbm>>)
    return
  }
}

</mosaic_0001>

<sc_bundles>
// kernel: kernel.3.cloned.1.call-start
scs
__scs_entry_jumppad:
0x0: {  	(pc) =	sbr.rel $0x88, $3  }
0x1: {  	(tag) =	ssettag $0x0;
	lr =	simm.s32 $0x1  }
0x2: {  	[smem:$0x3F9E] =	sst lr;
	_ =	strace $0xD0000000  }
0x3: {  	_ = 	snop  }
0x4: {  	_ = 	snop  }
0x5: {  	_ = 	snop  }
0x6: {  	_ = 	snop  }
0x7: {  	_ = 	snop  }
__scs_overlays_trampoline_lowered:
0x8: {  	[smem:$0x3FAD] =	sst s0  }
0x9: {  	[smem:$0x3FAE] =	sst s1  }
0xa: {  	[smem:$0x3FAF] =	sst s2  }
0xb: {  	[smem:$0x3FB0] =	sst s3  }
0xc: {  	[smem:$0x3FB1] =	sst s4  }
0xd: {  	[smem:$0x3FB2] =	sst s5  }
0xe: {  	[smem:$0x3FB3] =	sst s6  }
0xf: {  	[smem:$0x3FB4] =	sst s7  }
0x10: {  	[smem:$0x3FB5] =	sst s8  }
0x11: {  	[smem:$0x3FB6] =	sst s9;
	s0 =	simm.s32 @!p0 $0x0  }
0x12: {  	s1 =	sld [smem:$0x3F9C];
	s0 =	simm.s32 @p0 $0x1  }
0x13: {  	[smem:$0x3FB7] =	sst s0;
	s0 =	simm.s32 @!p1 $0x0  }
0x14: {  	s2 =	sld [smem:$0x3F9B];
	s0 =	simm.s32 @p1 $0x1  }
0x15: {  	[smem:$0x3FB8] =	sst s0;
	s0 =	simm.s32 @!p2 $0x0  }
0x16: {  	s3 =	sld [smem:$0x3FDB];
	s0 =	simm.s32 @p2 $0x1  }
0x17: {  	s4 =	simm.s32 $0x1BF5;
	[smem:$0x3FBA] =	sst s0  }
0x18: {  	s0 =	sld [smem:$0x3F9D];
	_ =	swait.ge [sflag:s4], $0x0  }
0x19: {  	s7 =	sld [smem:$0x3F9E]  }
0x1a: {  	s8 =	sadd.s32 $0xFFFFE003, lr  }
0x1b: {  	s9 =	sadd.s32 $0xFFFFFEF7, lr;
	s5 =	simm.s32 $0xFFFFFFFF;
	p2 =	slt.u32 s8, $0xFFFFF086  }
0x1c: {  	p1 =	slt.u32 s9, $0xF7A;
	s5 =	simm.s32 @!p2 $0x0  }
0x1d: {  	s5 =	simm.s32 @p1 $0x1;
	p0 =	seq.s32 s7, s2  }
0x1e: {  	s7 =	smul.u32 @!p0 $0xF7A, s2;
	p2 =	seq.s32 @!p0 s5, $0x0  }
0x1f: {  	s9 =	smul.u32 $0xF7A, s1;
	s8 =	simm.s32 @!p0 $0x1BF5;
	p2 =	por !p2, p0  }
0x20: {  	[sflag:s8] =	ssyncset.s32 @!p0 $0xFFFFF086;
	s6 =	sadd.s32 @!p0 s3, s7;
	s7 =	simm.s32 @!p0 $0x108  }
0x21: {  	s3 =	sadd.s32 s3, s9;
	s6 =	sadd.s32 @!p0 $0x88, s6;
	s7 =	simm.s32 @p2 $0x1082  }
0x22: {  	[simem:s7], [sflag:s8] =	dma.local @!p0 [hbm:s6], $0xF7A  }
0x23: {  	s9 =	sor.u32 $0xD0000000, s2;
	s6 =	simm.s32 $0x108;
	_ =	swait.ge @!p0 [sflag:s8], $0x0  }
0x24: {  	s3 =	sadd.s32 $0x88, s3;
	s6 =	simm.s32 @!p1 $0x1082;
	[sflag:s4] =	ssyncset.s32 $0xFFFFF086  }
0x25: {  	[simem:s6], [sflag:s4] =	dma.local [hbm:s3], $0xF7A  }
0x26: {  	[smem:$0x3F9E] =	sst s1;
	(tag) =	ssettag s2;
	_ =	strace s9  }
0x27: {  	s1 =	sld [smem:$0x3FAE]  }
0x28: {  	s2 =	sld [smem:$0x3FAF]  }
0x29: {  	s4 =	sld [smem:$0x3FB1]  }
0x2a: {  	p0 =	seq.s32 s5, $0x0;
	s5 =	sld [smem:$0x3FB2]  }
0x2b: {  	s6 =	sld [smem:$0x3FB3]  }
0x2c: {  	s7 =	sld [smem:$0x3FB4]  }
0x2d: {  	s3 =	simm.s32 $0x108;
	s8 =	sld [smem:$0x3FB5]  }
0x2e: {  	s3 =	simm.s32 @!p0 $0x1082;
	s9 =	sld [smem:$0x3FB6]  }
0x2f: {  	lr =	sadd.s32 s0, s3;
	s0 =	sld [smem:$0x3FAD]  }
0x30: {  	s3 =	sld [smem:$0x3FB0]  }
0x31: {  	[smem:$0x3FB9] =	sst s10  }
0x32: {  	s10 =	sld [smem:$0x3FB7];
	_ =	sdelay $0x3  }
0x33: {  	p0 =	seq.s32 s10, $0x1;
	s10 =	sld [smem:$0x3FB9];
	_ =	sdelay $0x3  }
0x34: {  	[smem:$0x3FB9] =	sst s10  }
0x35: {  	s10 =	sld [smem:$0x3FB8];
	_ =	sdelay $0x3  }
0x36: {  	p1 =	seq.s32 s10, $0x1;
	s10 =	sld [smem:$0x3FB9];
	_ =	sdelay $0x3  }
0x37: {  	[smem:$0x3FB9] =	sst s10  }
0x38: {  	s10 =	sld [smem:$0x3FBA]  }
0x39: {  	_ = 	snop;
	(pc) =	sbr.ind lr, $3  }
0x3a: {  	_ = 	snop  }
0x3b: {  	_ = 	snop  }
0x3c: {  	p2 =	seq.s32 s10, $0x1;
	s10 =	sld [smem:$0x3FB9]  }
0x3d: {  	_ =	shalt  }
0x3e: {  	_ =	shalt  }
0x3f: {  	_ =	shalt  }
0x40: {  	_ =	shalt  }
0x41: {  	_ =	shalt  }
0x42: {  	_ =	shalt  }
0x43: {  	_ =	shalt  }
0x44: {  	_ =	shalt  }
0x45: {  	_ =	shalt  }
0x46: {  	_ =	shalt  }
0x47: {  	_ =	shalt  }
0x48: {  	_ =	shalt  }
0x49: {  	_ =	shalt  }
0x4a: {  	_ =	shalt  }
0x4b: {  	_ =	shalt  }
0x4c: {  	_ =	shalt  }
0x4d: {  	_ =	shalt  }
0x4e: {  	_ =	shalt  }
0x4f: {  	_ =	shalt  }
0x50: {  	_ =	shalt  }
0x51: {  	_ =	shalt  }
0x52: {  	_ =	shalt  }
0x53: {  	_ =	shalt  }
0x54: {  	_ =	shalt  }
0x55: {  	_ =	shalt  }
0x56: {  	_ =	shalt  }
0x57: {  	_ =	shalt  }
0x58: {  	_ =	shalt  }
0x59: {  	_ =	shalt  }
0x5a: {  	_ =	shalt  }
0x5b: {  	_ =	shalt  }
0x5c: {  	_ =	shalt  }
0x5d: {  	_ =	shalt  }
0x5e: {  	_ =	shalt  }
0x5f: {  	_ =	shalt  }
0x60: {  	_ =	shalt  }
0x61: {  	_ =	shalt  }
0x62: {  	_ =	shalt  }
0x63: {  	_ =	shalt  }
0x64: {  	_ =	shalt  }
0x65: {  	_ =	shalt  }
0x66: {  	_ =	shalt  }
0x67: {  	_ =	shalt  }
0x68: {  	_ =	shalt  }
0x69: {  	_ =	shalt  }
0x6a: {  	_ =	shalt  }
0x6b: {  	_ =	shalt  }
0x6c: {  	_ =	shalt  }
0x6d: {  	_ =	shalt  }
0x6e: {  	_ =	shalt  }
0x6f: {  	_ =	shalt  }
0x70: {  	_ =	shalt  }
0x71: {  	_ =	shalt  }
0x72: {  	_ =	shalt  }
0x73: {  	_ =	shalt  }
0x74: {  	_ =	shalt  }
0x75: {  	_ =	shalt  }
0x76: {  	_ =	shalt  }
0x77: {  	_ =	shalt  }
0x78: {  	_ =	shalt  }
0x79: {  	_ =	shalt  }
0x7a: {  	_ =	shalt  }
0x7b: {  	_ =	shalt  }
0x7c: {  	_ =	shalt  }
0x7d: {  	_ =	shalt  }
0x7e: {  	_ =	shalt  }
0x7f: {  	_ =	shalt  }
0x80: {  	_ =	shalt  }
0x81: {  	_ =	shalt  }
0x82: {  	_ =	shalt  }
0x83: {  	_ =	shalt  }
0x84: {  	_ =	shalt  }
0x85: {  	_ =	shalt  }
0x86: {  	_ =	shalt  }
0x87: {  	_ =	shalt  }
.Lfunc_end0:
.L_simem_size_0:
called_computation_lowered:
.L_overlay_start_0:
0x88: {  	s2 =	sld [smem:$0x3FD9]  }
0x89: {  	s3 =	sld [smem:$0x3FFE];
	_ =	sdelay $0x1  }
0x8a: {  	s1 =	srdreg.scid  }
0x8b: {  	s0 =	sand.u32 $0x1, s1  }
0x8c: {  	s17 =	sshll.u32 s0, $0xA;
	s2 =	sadd.s32 s3, s2  }
0x8d: {  	s2 =	sadd.s32 s2, s17  }
0x8e: {  	[smem:$0x3FC5] =	sst s2  }
0x8f: {  	_ = 	snop  }
0x90: {  	s2 =	sld [smem:$0x3FC8]  }
0x91: {  	s18 =	sld [smem:$0x3FC7]  }
0x92: {  	s4 =	sld [smem:$0x3FD0];
	(tm) =	ssettm $0x1  }
0x93: {  	s5 =	sld [smem:$0x3FFB];
	_ =	sdelay $0x3  }
0x94: {  	_ =	strace s5  }
0x95: {  	s5 =	sld [smem:$0x3FFC];
	_ =	sdelay $0x3  }
0x96: {  	_ =	strace s5  }
0x97: {  	s5 =	sld [smem:$0x3FFD];
	_ =	sdelay $0x3  }
0x98: {  	_ =	strace s5  }
0x99: {  	_ =	strace $0x8FFFFFFF  }
0x9a: {  	s19 =	sld [smem:$0x3FDB];
	_ =	sdelay $0x1  }
0x9b: {  	s6 =	simm.s32 $_scs_section_size  }
0x9c: {  	s7 =	simm.s32 $_size__tile_overlayer_lowered;
	s8 =	simm.s32 $_tile_overlayer_lowered  }
0x9d: {  	s22 =	simm.s32 $0x1BFF;
	s21 =	sshll.u32 s8, $0x1;
	s5 =	sadd.s32 s6, s19  }
0x9e: {  	s9 =	simm.s32 $0x0;
	s20 =	sshll.u32 s7, $0x1;
	s7 =	sadd.s32 s21, s5  }
0x9f: {  	[timem:s9], [sflag:s22] =	dma.local [hbm:s7], s20  }
0xa0: {  	_ =	swait.ge [sflag:s22], s20  }
0xa1: {  	s6 =	ssub.s32 $0x0, s20;
	[sflag:s22] =	ssyncset.done $0x0  }
0xa2: {  	[sflag:s22] =	ssyncadd.s32 s6;
	_ =	sdelay $0x1  }
0xa3: {  	s23 =	simm.s32 $0x1B8B  }
0xa4: {  	_ =	swait.ge [sflag:s23], $0x1  }
0xa5: {  	[sflag:s23] =	ssyncset.done $0x0  }
0xa6: {  	s25 =	simm.s32 $0x1B8E;
	s24 =	sld [smem:$0x3FFE];
	[sflag:s23] =	ssyncadd.s32 $0xFFFFFFFF  }
0xa7: {  	s26 =	simm.s32 $execute0_lowered;
	[smem:$0x3FD2] =	sst s25  }
0xa8: {  	s7 =	sshll.u32 s26, $0x1;
	_ =	strace $0x80000046;
	[dreg:$0x1] =	wrdreg $0xFFFFFFFF  }
0xa9: {  	s28 =	simm.s32 $_size_execute0_lowered;
	s5 =	sadd.s32 s5, s7;
	[dreg:$0x0] =	wrdreg $0x0  }
0xaa: {  	s7 =	sshll.u32 s28, $0x1;
	[dreg:$0x2] =	wrdreg s5  }
0xab: {  	[dreg:$0x3] =	wrdreg s7  }
0xac: {  	[dreg:$0x4] =	wrdreg $0xC0  }
0xad: {  	_ =	task [dreg:s9], $0x5FFFF  }
0xae: {  	[dreg:$0x1] =	wrdreg $0xFFFFFFFF  }
0xaf: {  	[dreg:$0x0] =	wrdreg $0x60  }
0xb0: {  	[dreg:$0x2] =	wrdreg s24  }
0xb1: {  	[dreg:$0x3] =	wrdreg s2  }
0xb2: {  	[dreg:$0x4] =	wrdreg s18  }
0xb3: {  	[dreg:$0x5] =	wrdreg s4  }
0xb4: {  	[dreg:$0x6] =	wrdreg $0x9  }
0xb5: {  	_ =	task.clear_ibuf [dreg:s9], $0x7FFFF;
	_ =	strace $0x90000046  }
0xb6: {  	s29 =	simm.s32 $0x9;
	_ =	strace $0x80000048  }
0xb7: {  	_ =	swait.ge [sflag:s29], $0x1  }
0xb8: {  	[sflag:s29] =	ssyncadd.s32 $0xFFFFFFFF  }
0xb9: {  	_ =	strace $0x90000048  }
0xba: {  	_ =	sfence  }
0xbb: {  	s30 =	sld [smem:$0x0];
	_ =	sdelay $0x2  }
0xbc: {  	s31 =	sshll.u32 s1, $0xD;
	s1 =	sshrl.u32 s1, $0x2  }
0xbd: {  	s3 =	sand.u32 $0x4000, s31;
	s1 =	sadd.s32 s1, s30  }
0xbe: {  	s0 =	sor.u32 s3, s0;
	s1 =	sshll.u32 s1, $0x11  }
0xbf: {  	s0 =	sor.u32 s1, s0  }
0xc0: {  	s0 =	sadd.s32 $0x8F2B, s0  }
0xc1: {  	[sflag:s0] =	ssyncadd.remote.s32 $0x1  }
0xc2: {  	_ =	sfence.sel $0xFFFF  }
0xc3: {  	[dreg:$0x0] =	wrdreg $0xFFFFFFFF;
	(pc) =	sbr.abs _section_cstart, $3  }
0xc4: {  	[dreg:$0x1] =	wrdreg $0xFFFFFFFF  }
0xc5: {  	_ =	task.clear_ibuf [dreg:s9], $0x2FFFF;
	_ =	strace $0x9FFFFFFF  }
0xc6: {  	(tm) =	ssettm $0x7FFFFFFF  }
0xc7: {  	_ =	shalt  }
tec
execute0_lowered:
.L_overlay_start_1:
0x0: {  	(tag) =	ssettag $0x1  }
0x1: {  	s0 =	rddreg [dreg:$0x0]  }
0x2: {  	s1 =	srdreg.scid;
	s2 =	stileid.u32  }
0x3: {  	s30 =	rddreg [dreg:$0x1];
	s1 =	sand.u32 $0x1, s1;
	s2 =	sshll.u32 s2, $0x1  }
0x4: {  	s31 =	rddreg [dreg:$0x3];
	s2 =	sor.u32 s1, s2  }
0x5: {  	s4 =	simm.s32 $0x0;
	s1 =	ssub.s32 $0x2, s1;
	s3 =	smul.u32 $0x380, s2  }
.Ltmp0:
0x6: {  	s13 =	simm.s32 $0x14000;
	s28 =	sshrl.u32 s1, $0x1;
	(pc) =	sbr.rel .LBB2_1-.Ltmp0, $4  }
0x7: {  	[smem:$0x7FF] =	sst s4;
	s4 =	simm.s32 $0x0;
	s1 =	ssub.s32 s1, s28  }
0x8: {  	_ =	strace $0x80000047;
	s0 =	sadd.s32 s3, s0;
	s29 =	smax.u32 s1, $0x1  }
0x9: {  	s6 =	smul.u32 $0x32, s2;
	s0 =	sadd.s32 $0x400, s0;
	[dreg:$0x6] =	wrdreg s29  }
0xa: {  	s3 =	simm.s32 $0x0;
	s1 =	simm.s32 $0x6;
	[dreg:$0x5] =	wrdreg s0  }
.LBB2_34:
0xb: {  	s1 =	simm.s32 $0x6  }
0xc: {  	_ =	swait.ge [sflag:s1], $0x4000  }
0xd: {  	[sflag:s1] =	ssyncset.done $0x0  }
0xe: {  	s0 =	simm.s32 $0x7;
	[sflag:s1] =	ssyncadd.s32 $0xFFFFC000  }
0xf: {  	_ =	swait.ge [sflag:s0], $0x4000  }
0x10: {  	[sflag:s0] =	ssyncset.done $0x0  }
0x11: {  	s26 =	simm.s32 $0x8;
	[sflag:s0] =	ssyncadd.s32 $0xFFFFC000  }
0x12: {  	_ =	swait.ge [sflag:s26], $0x4000  }
0x13: {  	[sflag:s26] =	ssyncset.done $0x0  }
0x14: {  	s28 =	simm.s32 $0x9;
	[sflag:s26] =	ssyncadd.s32 $0xFFFFC000  }
0x15: {  	_ =	swait.ge [sflag:s28], $0x4000  }
0x16: {  	[sflag:s28] =	ssyncset.done $0x0  }
0x17: {  	s2 =	simm.s32 $0xA;
	[sflag:s28] =	ssyncadd.s32 $0xFFFFC000  }
0x18: {  	_ =	swait.ge [sflag:s2], $0x4000  }
0x19: {  	s4 =	rddreg [dreg:$0x7]  }
0x1a: {  	s29 =	rddreg [dreg:$0x6];
	s4 =	sadd.s32 $0x1, s4  }
0x1b: {  	p0 =	sne.s32 s4, s29  }
.Ltmp1:
0x1c: {  	_ = 	snop;
	(pc) =	sbr.rel @!p0 .LBB2_35-.Ltmp1, $3  }
0x1d: {  	_ =	sdelay $0x1  }
0x1e: {  	[sflag:s2] =	ssyncset.done $0x0  }
0x1f: {  	[sflag:s2] =	ssyncadd.s32 $0xFFFFC000  }
.LBB2_1:
0x20: {  	[dreg:$0x7] =	wrdreg s4  }
0x21: {  	s0 =	rddreg [dreg:$0x5]  }
0x22: {  	[tilespmem:s3], [sflag:$0x1] =	stream.linear.gather [hbm4b:s0+s3], $0x1900, $0x38;
	[tilespmem:$0x1C000] =	vst v63  }
0x23: {  	s26 =	simm.s32 $0x1C00;
	s21 =	rddreg [dreg:$0x2];
	s22 =	simm.s32 $0x1  }
0x24: {  	[tilespmem:s26], [sflag:$0x6] =	stream.linear.gather [hbm4b:s21+s3], $0x6400, $0x38;
	[tilespmem:$0x1C000] =	vst v63  }
0x25: {  	s7 =	simm.s32 $0x0;
	_ =	swait.ge [sflag:s22], $0x1900  }
0x26: {  	s23 =	simm.s32 $0x8000;
	s2 =	simm.s32 $0x80;
	[sflag:s22] =	ssyncset.done $0x0  }
0x27: {  	s24 =	simm.s32 $0xC000;
	s28 =	simm.s32 $0x100;
	[sflag:s22] =	ssyncadd.s32 $0xFFFFE700  }
0x28: {  	[tilespmem:s23], [sflag:$0x1] =	stream.indirect.gather [hbm4b:s30+s2], $0x80, s3, s2, $0xb8;
	[tilespmem:$0x1C000] =	vst v63  }
0x29: {  	s25 =	simm.s32 $0x10000;
	s29 =	simm.s32 $0x180;
	s19 =	simm.s32 $0xC8  }
0x2a: {  	[tilespmem:s24], [sflag:$0x2] =	stream.indirect.gather [hbm4b:s30+s2], $0x80, s2, s2, $0xb8;
	[tilespmem:$0x1C000] =	vst v63  }
0x2b: {  	s8 =	simm.s32 $0x48;
	s12 =	simm.s32 $0x9C00;
	s15 =	simm.s32 $0xDC00  }
0x2c: {  	[tilespmem:s25], [sflag:$0x3] =	stream.indirect.gather [hbm4b:s30+s2], $0x80, s28, s2, $0xb8;
	[tilespmem:$0x1C000] =	vst v63  }
0x2d: {  	s16 =	simm.s32 $0xFFFFFF48;
	s14 =	simm.s32 $0x80;
	s10 =	simm.s32 $0x0  }
0x2e: {  	[tilespmem:s13], [sflag:$0x4] =	stream.indirect.gather [hbm4b:s30+s2], $0x80, s29, s2, $0xb8;
	[tilespmem:$0x1C000] =	vst v63  }
0x2f: {  	s21 =	simm.s32 $0x11C00;
	s22 =	simm.s32 $0x200;
	_ =	swait.ge [sflag:s1], $0x6400  }
0x30: {  	s23 =	simm.s32 $0x5C00;
	s24 =	simm.s32 $0xFFFFFEC8;
	[sflag:s1] =	ssyncset.done $0x0  }
0x31: {  	s25 =	simm.s32 $0x0;
	s13 =	simm.s32 $0xFFFFFFC8;
	[sflag:s1] =	ssyncadd.s32 $0xFFFF9C00  }
.LBB2_2:
0x32: {  	s1 =	smulhi.u32 $0x51EB851F, s22  }
0x33: {  	s4 =	smulhi.u32 $0x51EB851F, s29  }
0x34: {  	s18 =	smulhi.u32 $0x51EB851F, s28  }
0x35: {  	s17 =	smulhi.u32 $0x51EB851F, s14;
	s1 =	sshrl.u32 s1, $0x6  }
0x36: {  	[dreg:$0xd] =	wrdreg s16;
	s2 =	smul.u32 $0xC8, s1  }
0x37: {  	[dreg:$0xb] =	wrdreg s13;
	s4 =	sshrl.u32 s4, $0x6;
	s1 =	smul.u32 $0xFFFE7000, s1  }
0x38: {  	[dreg:$0xc] =	wrdreg s15;
	s5 =	smul.u32 $0xC8, s4  }
0x39: {  	[dreg:$0x9] =	wrdreg s8;
	s4 =	smul.u32 $0xFFFE7000, s4  }
0x3a: {  	s0 =	sshrl.u32 s18, $0x6;
	s2 =	sadd.s32 s2, s24;
	s1 =	sshra.s32 s1, $0x2  }
0x3b: {  	s20 =	sadd.s32 s5, s16;
	s5 =	sshra.s32 s4, $0x2;
	s2 =	smin.u32 s2, $0x80  }
0x3c: {  	s1 =	sadd.s32 s1, s21;
	s18 =	sadd.s32 s5, s15;
	s9 =	sadd.s32 $0xFFFFFFFC, s2  }
0x3d: {  	s5 =	sshrl.u32 s17, $0x6;
	[dreg:$0xe] =	wrdreg s9;
	s9 =	smul.u32 $0xC8, s0  }
0x3e: {  	s2 =	sshll.u32 s2, $0x7;
	[dreg:$0xf] =	wrdreg s1;
	s1 =	smul.u32 $0xFFFE7000, s0  }
0x3f: {  	s11 =	sor.u32 $0x18000, s2;
	s0 =	smulhi.u32 $0x51EB851F, s25;
	s13 =	sadd.s32 s9, s13  }
0x40: {  	s2 =	smin.u32 s20, $0x80;
	s20 =	smin.u32 s13, $0x80;
	s13 =	smul.u32 $0x280, s10  }
0x41: {  	s15 =	smul.u32 $0xC8, s5;
	s3 =	sshll.u32 s2, $0x7;
	s2 =	sadd.s32 $0xFFFFFFFC, s2  }
0x42: {  	[dreg:$0x10] =	wrdreg s2;
	s9 =	sshrl.u32 s0, $0x6;
	s17 =	sand.u32 $0xFF80, s13  }
0x43: {  	s0 =	smul.u32 $0xC8, s9;
	s2 =	sadd.s32 $0xFFFFFFFC, s20;
	s4 =	sshrl.u32 s17, $0x3  }
0x44: {  	[dreg:$0x11] =	wrdreg s2;
	s2 =	sadd.s32 s15, s8;
	s8 =	smul.u32 $0x147B, s4  }
0x45: {  	s16 =	sadd.s32 $0x14000, s3;
	s9 =	smul.u32 $0xFFFE7000, s9;
	s3 =	sshll.u32 s20, $0x7  }
0x46: {  	s20 =	sor.u32 $0x10000, s3;
	s3 =	smin.u32 s2, $0x80;
	s2 =	sshrl.u32 s8, $0x11  }
0x47: {  	[dreg:$0x8] =	wrdreg s19;
	s2 =	smul.u32 $0xC8, s2  }
0x48: {  	s1 =	sshra.s32 s1, $0x2;
	s19 =	sadd.s32 s0, s19;
	s0 =	sshra.s32 s9, $0x2  }
0x49: {  	s15 =	smin.u32 s19, $0x80;
	s19 =	ssub.s32 s13, s2;
	s2 =	sadd.s32 s0, s26  }
0x4a: {  	[dreg:$0xa] =	wrdreg s12;
	s12 =	sadd.s32 s1, s12;
	v0 =	vmov s2  }
0x4b: {  	s4 =	sadd.s32 $0xFFFFFFFC, s3;
	s1 =	sshll.u32 s3, $0x7;
	s3 =	simm.s32 $0x1  }
0x4c: {  	_ =	swait.ge [sflag:s3], $0x4000  }
0x4d: {  	[sflag:s3] =	ssyncset.done $0x0  }
0x4e: {  	[sflag:s3] =	ssyncadd.s32 $0xFFFFC000;
	s13 =	simm.s32 $0x0  }
0x4f: {  	v1 =	vld.idx.msk [tilespmem:v0+s13+$0x180 ss:$0x1], $0xffff  }
0x50: {  	v2 =	vld.idx.msk [tilespmem:v0+s13+$0x0 ss:$0x1], $0xffff  }
0x51: {  	v3 =	vld.idx.msk [tilespmem:v0+s13+$0x80 ss:$0x1], $0xffff;
	_ =	sdelay $0x1  }
0x52: {  	v4 =	vld.idx.msk [tilespmem:v0+s13+$0x100 ss:$0x1], $0xffff  }
0x53: {  	[tilespmem:s13+$0x8180] =	vst.add.f32.msk $0xffff, v1  }
0x54: {  	[tilespmem:s13+$0x8000] =	vst.add.f32.msk $0xffff, v2  }
0x55: {  	[tilespmem:s13+$0x8080] =	vst.add.f32.msk $0xffff, v3  }
0x56: {  	v1 =	vld.idx.msk [tilespmem:v0+s13+$0x190 ss:$0x1], $0xffff  }
0x57: {  	v2 =	vld.idx.msk [tilespmem:v0+s13+$0x10 ss:$0x1], $0xffff  }
0x58: {  	v3 =	vld.idx.msk [tilespmem:v0+s13+$0x90 ss:$0x1], $0xffff  }
0x59: {  	[tilespmem:s13+$0x8100] =	vst.add.f32.msk $0xffff, v4  }
0x5a: {  	v4 =	vld.idx.msk [tilespmem:v0+s13+$0x110 ss:$0x1], $0xffff  }
0x5b: {  	[tilespmem:s13+$0x8190] =	vst.add.f32.msk $0xffff, v1  }
0x5c: {  	[tilespmem:s13+$0x8010] =	vst.add.f32.msk $0xffff, v2  }
0x5d: {  	[tilespmem:s13+$0x8090] =	vst.add.f32.msk $0xffff, v3  }
0x5e: {  	v1 =	vld.idx.msk [tilespmem:v0+s13+$0x1A0 ss:$0x1], $0xffff  }
0x5f: {  	v2 =	vld.idx.msk [tilespmem:v0+s13+$0x20 ss:$0x1], $0xffff  }
0x60: {  	v3 =	vld.idx.msk [tilespmem:v0+s13+$0xA0 ss:$0x1], $0xffff  }
0x61: {  	[tilespmem:s13+$0x8110] =	vst.add.f32.msk $0xffff, v4  }
0x62: {  	v4 =	vld.idx.msk [tilespmem:v0+s13+$0x120 ss:$0x1], $0xffff  }
0x63: {  	[tilespmem:s13+$0x81A0] =	vst.add.f32.msk $0xffff, v1  }
0x64: {  	[tilespmem:s13+$0x8020] =	vst.add.f32.msk $0xffff, v2  }
0x65: {  	[tilespmem:s13+$0x80A0] =	vst.add.f32.msk $0xffff, v3  }
0x66: {  	v1 =	vld.idx.msk [tilespmem:v0+s13+$0x1B0 ss:$0x1], $0xffff  }
0x67: {  	v2 =	vld.idx.msk [tilespmem:v0+s13+$0x30 ss:$0x1], $0xffff  }
0x68: {  	v3 =	vld.idx.msk [tilespmem:v0+s13+$0xB0 ss:$0x1], $0xffff  }
0x69: {  	[tilespmem:s13+$0x8120] =	vst.add.f32.msk $0xffff, v4  }
0x6a: {  	v4 =	vld.idx.msk [tilespmem:v0+s13+$0x130 ss:$0x1], $0xffff  }
0x6b: {  	[tilespmem:s13+$0x81B0] =	vst.add.f32.msk $0xffff, v1  }
0x6c: {  	[tilespmem:s13+$0x8030] =	vst.add.f32.msk $0xffff, v2  }
0x6d: {  	[tilespmem:s13+$0x80B0] =	vst.add.f32.msk $0xffff, v3  }
0x6e: {  	v1 =	vld.idx.msk [tilespmem:v0+s13+$0x1C0 ss:$0x1], $0xffff  }
0x6f: {  	v2 =	vld.idx.msk [tilespmem:v0+s13+$0x40 ss:$0x1], $0xffff  }
0x70: {  	v3 =	vld.idx.msk [tilespmem:v0+s13+$0xC0 ss:$0x1], $0xffff  }
0x71: {  	[tilespmem:s13+$0x8130] =	vst.add.f32.msk $0xffff, v4  }
0x72: {  	v4 =	vld.idx.msk [tilespmem:v0+s13+$0x140 ss:$0x1], $0xffff  }
0x73: {  	[tilespmem:s13+$0x81C0] =	vst.add.f32.msk $0xffff, v1  }
0x74: {  	[tilespmem:s13+$0x8040] =	vst.add.f32.msk $0xffff, v2  }
0x75: {  	[tilespmem:s13+$0x80C0] =	vst.add.f32.msk $0xffff, v3  }
0x76: {  	v1 =	vld.idx.msk [tilespmem:v0+s13+$0x1D0 ss:$0x1], $0xffff  }
0x77: {  	v2 =	vld.idx.msk [tilespmem:v0+s13+$0x50 ss:$0x1], $0xffff  }
0x78: {  	[tilespmem:s13+$0x8140] =	vst.add.f32.msk $0xffff, v4  }
0x79: {  	v3 =	vld.idx.msk [tilespmem:v0+s13+$0xD0 ss:$0x1], $0xffff  }
0x7a: {  	v4 =	vld.idx.msk [tilespmem:v0+s13+$0x150 ss:$0x1], $0xffff  }
0x7b: {  	[tilespmem:s13+$0x81D0] =	vst.add.f32.msk $0xffff, v1  }
0x7c: {  	[tilespmem:s13+$0x8050] =	vst.add.f32.msk $0xffff, v2  }
0x7d: {  	s5 =	smul.u32 $0xFFFE7000, s5;
	v1 =	vld.idx.msk [tilespmem:v0+s13+$0x1E0 ss:$0x1], $0xffff  }
0x7e: {  	[tilespmem:s13+$0x80D0] =	vst.add.f32.msk $0xffff, v3  }
0x7f: {  	s5 =	sshra.s32 s5, $0x2;
	s17 =	sadd.s32 $0xC000, s1;
	[tilespmem:s13+$0x8150] =	vst.add.f32.msk $0xffff, v4  }
0x80: {  	s1 =	sadd.s32 s5, s23;
	s8 =	smov.u32 s23;
	s23 =	sshll.u32 s15, $0x7;
	v2 =	vld.idx.msk [tilespmem:v0+s13+$0x60 ss:$0x1], $0xffff  }
0x81: {  	s5 =	sor.u32 $0x8000, s23;
	s23 =	sand.u32 $0xFFF8, s19;
	v5 =	vld.idx.msk [tilespmem:v0+s13+$0xE0 ss:$0x1], $0xffff  }
0x82: {  	s9 =	ssub.s32 $0xC8, s23;
	[tilespmem:s13+$0x81E0] =	vst.add.f32.msk $0xffff, v1  }
0x83: {  	s9 =	smin.u32 s9, $0x80;
	v1 =	vld.idx.msk [tilespmem:v0+s13+$0x1F0 ss:$0x1], $0xffff  }
0x84: {  	p0 =	sgt.u32 s9, $0x4;
	v3 =	vld.idx.msk [tilespmem:v0+s13+$0x160 ss:$0x1], $0xffff  }
.Ltmp2:
0x85: {  	[tilespmem:s13+$0x8060] =	vst.add.f32.msk $0xffff, v2;
	(pc) =	sbr.rel @!p0 .LBB2_4-.Ltmp2, $4  }
0x86: {  	[tilespmem:s13+$0x80E0] =	vst.add.f32.msk $0xffff, v5  }
0x87: {  	v2 =	vld.idx.msk [tilespmem:v0+s13+$0x70 ss:$0x1], $0xffff  }
0x88: {  	s15 =	sadd.s32 $0xFFFFFFFC, s15;
	s3 =	smov.u32 s31;
	s31 =	simm.s32 $0x800;
	[tilespmem:s13+$0x81F0] =	vst.add.f32.msk $0xffff, v1  }
0x89: {  	s0 =	smov.u32 s30;
	s30 =	simm.s32 $0x4;
	s23 =	smul.u32 $0x5, s10;
	v1 =	vld.idx.msk [tilespmem:v0+s13+$0xF0 ss:$0x1], $0xffff  }
.LBB2_3:
0x8a: {  	s2 =	sshra.s32 s31, $0x2;
	s30 =	sadd.s32 $0x4, s30;
	[tilespmem:s13+$0x8160] =	vst.add.f32.msk $0xffff, v3  }
0x8b: {  	v3 =	vld.idx.msk [tilespmem:v0+s2+$0x180 ss:$0x1], $0xffff;
	p0 =	slt.u32 s30, s9  }
0x8c: {  	v4 =	vld.idx.msk [tilespmem:v0+s2+$0x0 ss:$0x1], $0xffff  }
0x8d: {  	v5 =	vld.idx.msk [tilespmem:v0+s2+$0x80 ss:$0x1], $0xffff  }
0x8e: {  	v6 =	vld.idx.msk [tilespmem:v0+s2+$0x100 ss:$0x1], $0xffff  }
0x8f: {  	v7 =	vld.idx.msk [tilespmem:v0+s13+$0x170 ss:$0x1], $0xffff  }
0x90: {  	[tilespmem:s13+$0x8070] =	vst.add.f32.msk $0xffff, v2  }
0x91: {  	[tilespmem:s2+$0x8180] =	vst.add.f32.msk $0xffff, v3  }
0x92: {  	v2 =	vld.idx.msk [tilespmem:v0+s2+$0x190 ss:$0x1], $0xffff  }
0x93: {  	[tilespmem:s2+$0x8000] =	vst.add.f32.msk $0xffff, v4  }
0x94: {  	[tilespmem:s2+$0x8080] =	vst.add.f32.msk $0xffff, v5  }
0x95: {  	[tilespmem:s2+$0x8100] =	vst.add.f32.msk $0xffff, v6  }
0x96: {  	v3 =	vld.idx.msk [tilespmem:v0+s2+$0x10 ss:$0x1], $0xffff  }
0x97: {  	v4 =	vld.idx.msk [tilespmem:v0+s2+$0x90 ss:$0x1], $0xffff  }
0x98: {  	[tilespmem:s2+$0x8190] =	vst.add.f32.msk $0xffff, v2  }
0x99: {  	v2 =	vld.idx.msk [tilespmem:v0+s2+$0x1A0 ss:$0x1], $0xffff  }
0x9a: {  	v5 =	vld.idx.msk [tilespmem:v0+s2+$0x110 ss:$0x1], $0xffff  }
0x9b: {  	[tilespmem:s13+$0x80F0] =	vst.add.f32.msk $0xffff, v1  }
0x9c: {  	[tilespmem:s2+$0x8010] =	vst.add.f32.msk $0xffff, v3  }
0x9d: {  	[tilespmem:s2+$0x8090] =	vst.add.f32.msk $0xffff, v4  }
0x9e: {  	v1 =	vld.idx.msk [tilespmem:v0+s2+$0x20 ss:$0x1], $0xffff  }
0x9f: {  	[tilespmem:s2+$0x81A0] =	vst.add.f32.msk $0xffff, v2  }
0xa0: {  	v2 =	vld.idx.msk [tilespmem:v0+s2+$0x1B0 ss:$0x1], $0xffff  }
0xa1: {  	[tilespmem:s2+$0x8110] =	vst.add.f32.msk $0xffff, v5  }
0xa2: {  	v3 =	vld.idx.msk [tilespmem:v0+s2+$0xA0 ss:$0x1], $0xffff  }
0xa3: {  	v4 =	vld.idx.msk [tilespmem:v0+s2+$0x120 ss:$0x1], $0xffff  }
0xa4: {  	[tilespmem:s2+$0x8020] =	vst.add.f32.msk $0xffff, v1  }
0xa5: {  	v1 =	vld.idx.msk [tilespmem:v0+s2+$0x30 ss:$0x1], $0xffff  }
0xa6: {  	[tilespmem:s2+$0x81B0] =	vst.add.f32.msk $0xffff, v2  }
0xa7: {  	v2 =	vld.idx.msk [tilespmem:v0+s2+$0x1C0 ss:$0x1], $0xffff  }
0xa8: {  	[tilespmem:s2+$0x80A0] =	vst.add.f32.msk $0xffff, v3  }
0xa9: {  	[tilespmem:s2+$0x8120] =	vst.add.f32.msk $0xffff, v4  }
0xaa: {  	v3 =	vld.idx.msk [tilespmem:v0+s2+$0xB0 ss:$0x1], $0xffff  }
0xab: {  	v4 =	vld.idx.msk [tilespmem:v0+s2+$0x130 ss:$0x1], $0xffff  }
0xac: {  	[tilespmem:s2+$0x8030] =	vst.add.f32.msk $0xffff, v1  }
0xad: {  	[tilespmem:s2+$0x81C0] =	vst.add.f32.msk $0xffff, v2  }
0xae: {  	v1 =	vld.idx.msk [tilespmem:v0+s2+$0x1D0 ss:$0x1], $0xffff  }
0xaf: {  	v2 =	vld.idx.msk [tilespmem:v0+s2+$0x40 ss:$0x1], $0xffff  }
0xb0: {  	[tilespmem:s2+$0x80B0] =	vst.add.f32.msk $0xffff, v3  }
0xb1: {  	[tilespmem:s2+$0x8130] =	vst.add.f32.msk $0xffff, v4  }
0xb2: {  	v3 =	vld.idx.msk [tilespmem:v0+s2+$0xC0 ss:$0x1], $0xffff  }
0xb3: {  	v4 =	vld.idx.msk [tilespmem:v0+s2+$0x140 ss:$0x1], $0xffff  }
0xb4: {  	[tilespmem:s2+$0x81D0] =	vst.add.f32.msk $0xffff, v1  }
0xb5: {  	v1 =	vld.idx.msk [tilespmem:v0+s2+$0x1E0 ss:$0x1], $0xffff  }
0xb6: {  	[tilespmem:s2+$0x8040] =	vst.add.f32.msk $0xffff, v2  }
0xb7: {  	v2 =	vld.idx.msk [tilespmem:v0+s2+$0x50 ss:$0x1], $0xffff  }
0xb8: {  	[tilespmem:s2+$0x80C0] =	vst.add.f32.msk $0xffff, v3  }
0xb9: {  	[tilespmem:s2+$0x8140] =	vst.add.f32.msk $0xffff, v4  }
0xba: {  	v3 =	vld.idx.msk [tilespmem:v0+s2+$0xD0 ss:$0x1], $0xffff  }
0xbb: {  	[tilespmem:s2+$0x81E0] =	vst.add.f32.msk $0xffff, v1  }
0xbc: {  	v1 =	vld.idx.msk [tilespmem:v0+s2+$0x1F0 ss:$0x1], $0xffff  }
0xbd: {  	v4 =	vld.idx.msk [tilespmem:v0+s2+$0x150 ss:$0x1], $0xffff  }
0xbe: {  	[tilespmem:s2+$0x8050] =	vst.add.f32.msk $0xffff, v2  }
0xbf: {  	v2 =	vld.idx.msk [tilespmem:v0+s2+$0x60 ss:$0x1], $0xffff  }
0xc0: {  	[tilespmem:s2+$0x80D0] =	vst.add.f32.msk $0xffff, v3  }
0xc1: {  	v5 =	vld.idx.msk [tilespmem:v0+s2+$0xE0 ss:$0x1], $0xffff  }
0xc2: {  	[tilespmem:s2+$0x81F0] =	vst.add.f32.msk $0xffff, v1  }
0xc3: {  	[tilespmem:s2+$0x8150] =	vst.add.f32.msk $0xffff, v4  }
0xc4: {  	v3 =	vld.idx.msk [tilespmem:v0+s2+$0x160 ss:$0x1], $0xffff  }
.Ltmp3:
0xc5: {  	[tilespmem:s2+$0x8060] =	vst.add.f32.msk $0xffff, v2;
	(pc) =	sbr.rel @p0 .LBB2_3-.Ltmp3, $4  }
0xc6: {  	v2 =	vld.idx.msk [tilespmem:v0+s2+$0x70 ss:$0x1], $0xffff  }
0xc7: {  	[tilespmem:s2+$0x80E0] =	vst.add.f32.msk $0xffff, v5  }
0xc8: {  	v1 =	vld.idx.msk [tilespmem:v0+s2+$0xF0 ss:$0x1], $0xffff  }
0xc9: {  	s31 =	sadd.s32 $0x800, s31;
	[tilespmem:s13+$0x8170] =	vst.add.f32.msk $0xffff, v7;
	s13 =	smov.u32 s2  }
.LBB2_4:
0xca: {  	_ =	sdelay $0x2  }
0xcb: {  	[tilespmem:s13+$0x8160] =	vst.add.f32.msk $0xffff, v3;
	s2 =	sand.u32 $0xFFFF, s19  }
0xcc: {  	v0 =	vld.idx.msk [tilespmem:v0+s13+$0x170 ss:$0x1], $0xffff;
	p0 =	sgt.u32 s2, $0x48  }
.Ltmp4:
0xcd: {  	_ = 	snop;
	(pc) =	sbr.rel @!p0 .LBB2_8-.Ltmp4, $4  }
0xce: {  	_ = 	snop  }
0xcf: {  	[tilespmem:s13+$0x8070] =	vst.add.f32.msk $0xffff, v2  }
0xd0: {  	[tilespmem:s13+$0x80F0] =	vst.add.f32.msk $0xffff, v1  }
0xd1: {  	s30 =	smov.u32 s0;
	s31 =	smov.u32 s3;
	[tilespmem:s13+$0x8170] =	vst.add.f32.msk $0xffff, v0  }
0xd2: {  	s9 =	simm.s32 $0x0  }
0xd3: {  	v0 =	vld [tilespmem:s9+$0x1D80]  }
0xd4: {  	v1 =	vld [tilespmem:s9+$0x1C00]  }
0xd5: {  	v2 =	vld [tilespmem:s9+$0x1C80];
	_ =	sdelay $0x1  }
0xd6: {  	s13 =	sadd.s32 $0x0, s5;
	v3 =	vld [tilespmem:s9+$0x1D00]  }
0xd7: {  	[tilespmem:s13+$0x180] =	vst.add.f32.msk $0xffff, v0  }
0xd8: {  	[tilespmem:s13+$0x0] =	vst.add.f32.msk $0xffff, v1  }
0xd9: {  	[tilespmem:s13+$0x80] =	vst.add.f32.msk $0xffff, v2  }
0xda: {  	v0 =	vld [tilespmem:s9+$0x1D90]  }
0xdb: {  	v1 =	vld [tilespmem:s9+$0x1C10]  }
0xdc: {  	v2 =	vld [tilespmem:s9+$0x1C90]  }
0xdd: {  	[tilespmem:s13+$0x100] =	vst.add.f32.msk $0xffff, v3  }
0xde: {  	v3 =	vld [tilespmem:s9+$0x1D10]  }
0xdf: {  	[tilespmem:s13+$0x190] =	vst.add.f32.msk $0xffff, v0  }
0xe0: {  	[tilespmem:s13+$0x10] =	vst.add.f32.msk $0xffff, v1  }
0xe1: {  	[tilespmem:s13+$0x90] =	vst.add.f32.msk $0xffff, v2  }
0xe2: {  	v0 =	vld [tilespmem:s9+$0x1DA0]  }
0xe3: {  	v1 =	vld [tilespmem:s9+$0x1C20]  }
0xe4: {  	v2 =	vld [tilespmem:s9+$0x1CA0]  }
0xe5: {  	[tilespmem:s13+$0x110] =	vst.add.f32.msk $0xffff, v3  }
0xe6: {  	v3 =	vld [tilespmem:s9+$0x1D20]  }
0xe7: {  	[tilespmem:s13+$0x1A0] =	vst.add.f32.msk $0xffff, v0  }
0xe8: {  	[tilespmem:s13+$0x20] =	vst.add.f32.msk $0xffff, v1  }
0xe9: {  	[tilespmem:s13+$0xA0] =	vst.add.f32.msk $0xffff, v2  }
0xea: {  	v0 =	vld [tilespmem:s9+$0x1DB0]  }
0xeb: {  	v1 =	vld [tilespmem:s9+$0x1C30]  }
0xec: {  	[tilespmem:s13+$0x120] =	vst.add.f32.msk $0xffff, v3  }
0xed: {  	v2 =	vld [tilespmem:s9+$0x1CB0]  }
0xee: {  	v3 =	vld [tilespmem:s9+$0x1D30]  }
0xef: {  	[tilespmem:s13+$0x1B0] =	vst.add.f32.msk $0xffff, v0  }
0xf0: {  	[tilespmem:s13+$0x30] =	vst.add.f32.msk $0xffff, v1  }
0xf1: {  	v0 =	vld [tilespmem:s9+$0x1DC0]  }
0xf2: {  	[tilespmem:s13+$0xB0] =	vst.add.f32.msk $0xffff, v2  }
0xf3: {  	[tilespmem:s13+$0x130] =	vst.add.f32.msk $0xffff, v3  }
0xf4: {  	v1 =	vld [tilespmem:s9+$0x1C40]  }
0xf5: {  	v2 =	vld [tilespmem:s9+$0x1CC0]  }
0xf6: {  	[tilespmem:s13+$0x1C0] =	vst.add.f32.msk $0xffff, v0  }
0xf7: {  	v0 =	vld [tilespmem:s9+$0x1DD0]  }
0xf8: {  	v3 =	vld [tilespmem:s9+$0x1D40]  }
0xf9: {  	[tilespmem:s13+$0x40] =	vst.add.f32.msk $0xffff, v1  }
0xfa: {  	[tilespmem:s13+$0xC0] =	vst.add.f32.msk $0xffff, v2  }
0xfb: {  	v1 =	vld [tilespmem:s9+$0x1CD0]  }
0xfc: {  	[tilespmem:s13+$0x1D0] =	vst.add.f32.msk $0xffff, v0  }
0xfd: {  	v0 =	vld [tilespmem:s9+$0x1DE0]  }
0xfe: {  	[tilespmem:s13+$0x140] =	vst.add.f32.msk $0xffff, v3  }
0xff: {  	v2 =	vld [tilespmem:s9+$0x1D50];
	_ =	sdelay $0x1  }
0x100: {  	[tilespmem:s13+$0xD0] =	vst.add.f32.msk $0xffff, v1  }
0x101: {  	[tilespmem:s13+$0x1E0] =	vst.add.f32.msk $0xffff, v0  }
0x102: {  	v0 =	vld [tilespmem:s9+$0x1C50]  }
0x103: {  	[tilespmem:s13+$0x150] =	vst.add.f32.msk $0xffff, v2  }
0x104: {  	v2 =	vld [tilespmem:s9+$0x1CE0]  }
0x105: {  	v4 =	vld [tilespmem:s9+$0x1D60]  }
0x106: {  	v3 =	vld [tilespmem:s9+$0x1DF0]  }
0x107: {  	[tilespmem:s13+$0x50] =	vst.add.f32.msk $0xffff, v0  }
0x108: {  	v0 =	vld [tilespmem:s9+$0x1C60]  }
0x109: {  	s15 =	sadd.s32 $0x4, s15  }
0x10a: {  	p0 =	slt.u32 s15, $0x7C;
	[tilespmem:s13+$0xE0] =	vst.add.f32.msk $0xffff, v2  }
.Ltmp5:
0x10b: {  	[tilespmem:s13+$0x160] =	vst.add.f32.msk $0xffff, v4;
	(pc) =	sbr.rel @!p0 .LBB2_7-.Ltmp5, $4  }
0x10c: {  	[tilespmem:s13+$0x1F0] =	vst.add.f32.msk $0xffff, v3  }
0x10d: {  	[tilespmem:s13+$0x60] =	vst.add.f32.msk $0xffff, v0  }
0x10e: {  	v0 =	vld [tilespmem:s9+$0x1CF0]  }
0x10f: {  	s19 =	simm.s32 $0x800;
	v1 =	vld [tilespmem:s9+$0x1C70]  }
.LBB2_6:
0x110: {  	s15 =	sadd.s32 $0x4, s15;
	v2 =	vld [tilespmem:s9+$0x1D70];
	s9 =	sshra.s32 s19, $0x2  }
0x111: {  	v3 =	vld [tilespmem:s9+$0x1D80];
	p0 =	slt.u32 s15, $0x7C  }
0x112: {  	v4 =	vld [tilespmem:s9+$0x1C00]  }
0x113: {  	v5 =	vld [tilespmem:s9+$0x1C80]  }
0x114: {  	v6 =	vld [tilespmem:s9+$0x1D00]  }
0x115: {  	s2 =	sadd.s32 s9, s5;
	[tilespmem:s13+$0x70] =	vst.add.f32.msk $0xffff, v1  }
0x116: {  	[tilespmem:s2+$0x180] =	vst.add.f32.msk $0xffff, v3  }
0x117: {  	v1 =	vld [tilespmem:s9+$0x1D90]  }
0x118: {  	[tilespmem:s2+$0x0] =	vst.add.f32.msk $0xffff, v4  }
0x119: {  	[tilespmem:s2+$0x80] =	vst.add.f32.msk $0xffff, v5  }
0x11a: {  	[tilespmem:s2+$0x100] =	vst.add.f32.msk $0xffff, v6  }
0x11b: {  	v3 =	vld [tilespmem:s9+$0x1C10]  }
0x11c: {  	[tilespmem:s2+$0x190] =	vst.add.f32.msk $0xffff, v1  }
0x11d: {  	v1 =	vld [tilespmem:s9+$0x1DA0]  }
0x11e: {  	v4 =	vld [tilespmem:s9+$0x1C90]  }
0x11f: {  	v5 =	vld [tilespmem:s9+$0x1D10]  }
0x120: {  	[tilespmem:s2+$0x10] =	vst.add.f32.msk $0xffff, v3  }
0x121: {  	v3 =	vld [tilespmem:s9+$0x1C20]  }
0x122: {  	[tilespmem:s2+$0x1A0] =	vst.add.f32.msk $0xffff, v1  }
0x123: {  	v1 =	vld [tilespmem:s9+$0x1DB0]  }
0x124: {  	[tilespmem:s2+$0x90] =	vst.add.f32.msk $0xffff, v4  }
0x125: {  	[tilespmem:s2+$0x110] =	vst.add.f32.msk $0xffff, v5  }
0x126: {  	v4 =	vld [tilespmem:s9+$0x1CA0]  }
0x127: {  	v5 =	vld [tilespmem:s9+$0x1D20]  }
0x128: {  	[tilespmem:s2+$0x1B0] =	vst.add.f32.msk $0xffff, v1  }
0x129: {  	v1 =	vld [tilespmem:s9+$0x1DC0]  }
0x12a: {  	[tilespmem:s2+$0x20] =	vst.add.f32.msk $0xffff, v3  }
0x12b: {  	[tilespmem:s2+$0xA0] =	vst.add.f32.msk $0xffff, v4  }
0x12c: {  	[tilespmem:s2+$0x120] =	vst.add.f32.msk $0xffff, v5  }
0x12d: {  	v3 =	vld [tilespmem:s9+$0x1C30]  }
0x12e: {  	[tilespmem:s2+$0x1C0] =	vst.add.f32.msk $0xffff, v1  }
0x12f: {  	v1 =	vld [tilespmem:s9+$0x1DD0]  }
0x130: {  	v4 =	vld [tilespmem:s9+$0x1CB0]  }
0x131: {  	v5 =	vld [tilespmem:s9+$0x1D30]  }
0x132: {  	[tilespmem:s2+$0x30] =	vst.add.f32.msk $0xffff, v3  }
0x133: {  	v3 =	vld [tilespmem:s9+$0x1C40]  }
0x134: {  	[tilespmem:s2+$0x1D0] =	vst.add.f32.msk $0xffff, v1  }
0x135: {  	v1 =	vld [tilespmem:s9+$0x1DE0]  }
0x136: {  	[tilespmem:s2+$0xB0] =	vst.add.f32.msk $0xffff, v4  }
0x137: {  	[tilespmem:s2+$0x130] =	vst.add.f32.msk $0xffff, v5  }
0x138: {  	v4 =	vld [tilespmem:s9+$0x1CC0]  }
0x139: {  	v5 =	vld [tilespmem:s9+$0x1D40]  }
0x13a: {  	[tilespmem:s2+$0x1E0] =	vst.add.f32.msk $0xffff, v1  }
0x13b: {  	v1 =	vld [tilespmem:s9+$0x1DF0]  }
0x13c: {  	[tilespmem:s2+$0x40] =	vst.add.f32.msk $0xffff, v3  }
0x13d: {  	[tilespmem:s2+$0xC0] =	vst.add.f32.msk $0xffff, v4  }
0x13e: {  	[tilespmem:s2+$0x140] =	vst.add.f32.msk $0xffff, v5  }
0x13f: {  	v3 =	vld [tilespmem:s9+$0x1C50]  }
0x140: {  	[tilespmem:s2+$0x1F0] =	vst.add.f32.msk $0xffff, v1  }
0x141: {  	v1 =	vld [tilespmem:s9+$0x1CD0]  }
0x142: {  	v4 =	vld [tilespmem:s9+$0x1D50]  }
0x143: {  	[tilespmem:s13+$0xF0] =	vst.add.f32.msk $0xffff, v0  }
0x144: {  	[tilespmem:s2+$0x50] =	vst.add.f32.msk $0xffff, v3  }
0x145: {  	v0 =	vld [tilespmem:s9+$0x1C60]  }
0x146: {  	[tilespmem:s2+$0xD0] =	vst.add.f32.msk $0xffff, v1  }
0x147: {  	[tilespmem:s2+$0x150] =	vst.add.f32.msk $0xffff, v4  }
0x148: {  	v3 =	vld [tilespmem:s9+$0x1CE0]  }
0x149: {  	v4 =	vld [tilespmem:s9+$0x1D60]  }
0x14a: {  	[tilespmem:s2+$0x60] =	vst.add.f32.msk $0xffff, v0  }
.Ltmp6:
0x14b: {  	v1 =	vld [tilespmem:s9+$0x1C70];
	(pc) =	sbr.rel @p0 .LBB2_6-.Ltmp6, $4  }
0x14c: {  	[tilespmem:s13+$0x170] =	vst.add.f32.msk $0xffff, v2;
	s13 =	smov.u32 s2  }
0x14d: {  	[tilespmem:s13+$0xE0] =	vst.add.f32.msk $0xffff, v3  }
0x14e: {  	[tilespmem:s13+$0x160] =	vst.add.f32.msk $0xffff, v4  }
0x14f: {  	s19 =	sadd.s32 $0x800, s19;
	v0 =	vld [tilespmem:s9+$0x1CF0]  }
.LBB2_7:
0x150: {  	_ = 	snop  }
0x151: {  	v2 =	vld [tilespmem:s9+$0x1D70];
	_ =	sdelay $0x2  }
0x152: {  	[tilespmem:s13+$0x70] =	vst.add.f32.msk $0xffff, v1  }
0x153: {  	[tilespmem:s13+$0xF0] =	vst.add.f32.msk $0xffff, v0  }
0x154: {  	[tilespmem:s13+$0x170] =	vst.add.f32.msk $0xffff, v2  }
.LBB2_8:
0x155: {  	s2 =	sadd.s32 s6, s23  }
0x156: {  	p0 =	seq.s32 s10, $0x0;
	s2 =	sshll.u32 s2, $0xB  }
0x157: {  	s5 =	simm.s32 $0x8000;
	s9 =	simm.s32 @!p0 $0xA;
	s2 =	sadd.s32 s31, s2  }
0x158: {  	[hbm4b:s2+s7] =	stream.linear.scatter [tilespmem:s5], [sflag:$0x6], $0x4000, $0x38;
	[tilespmem:$0x1C000] =	vst v63  }
0x159: {  	s15 =	sadd.s32 $0x4, s23;
	_ =	swait.ge @!p0 [sflag:s9], $0x4000  }
0x15a: {  	s19 =	sshll.u32 s15, $0x7;
	s31 =	simm.s32 $0x18000;
	[sflag:s9] =	ssyncset.done @!p0 $0x0  }
0x15b: {  	s7 =	simm.s32 $0x80;
	[sflag:s9] =	ssyncadd.s32 @!p0 $0xFFFFC000;
	s9 =	sand.u32 $0x3FFFFF80, s19  }
0x15c: {  	v0 =	vmov s1;
	[tilespmem:s31], [sflag:$0x5] =	stream.indirect.gather [hbm4b:s30+s7], $0x80, s9, s7, $0xb8;
	[tilespmem:$0x1C000] =	vst v63  }
0x15d: {  	s9 =	simm.s32 $0x2  }
0x15e: {  	_ =	swait.ge [sflag:s9], $0x4000  }
0x15f: {  	[sflag:s9] =	ssyncset.done $0x0  }
0x160: {  	s1 =	simm.s32 $0x0;
	[sflag:s9] =	ssyncadd.s32 $0xFFFFC000  }
0x161: {  	v1 =	vld.idx.msk [tilespmem:v0+s1+$0x180 ss:$0x1], $0xffff  }
0x162: {  	v2 =	vld.idx.msk [tilespmem:v0+s1+$0x0 ss:$0x1], $0xffff  }
0x163: {  	v3 =	vld.idx.msk [tilespmem:v0+s1+$0x80 ss:$0x1], $0xffff;
	_ =	sdelay $0x1  }
0x164: {  	v4 =	vld.idx.msk [tilespmem:v0+s1+$0x100 ss:$0x1], $0xffff  }
0x165: {  	[tilespmem:s1+$0xC180] =	vst.add.f32.msk $0xffff, v1  }
0x166: {  	[tilespmem:s1+$0xC000] =	vst.add.f32.msk $0xffff, v2  }
0x167: {  	[tilespmem:s1+$0xC080] =	vst.add.f32.msk $0xffff, v3  }
0x168: {  	v1 =	vld.idx.msk [tilespmem:v0+s1+$0x190 ss:$0x1], $0xffff  }
0x169: {  	v2 =	vld.idx.msk [tilespmem:v0+s1+$0x10 ss:$0x1], $0xffff  }
0x16a: {  	v3 =	vld.idx.msk [tilespmem:v0+s1+$0x90 ss:$0x1], $0xffff  }
0x16b: {  	[tilespmem:s1+$0xC100] =	vst.add.f32.msk $0xffff, v4  }
0x16c: {  	v4 =	vld.idx.msk [tilespmem:v0+s1+$0x110 ss:$0x1], $0xffff  }
0x16d: {  	[tilespmem:s1+$0xC190] =	vst.add.f32.msk $0xffff, v1  }
0x16e: {  	[tilespmem:s1+$0xC010] =	vst.add.f32.msk $0xffff, v2  }
0x16f: {  	[tilespmem:s1+$0xC090] =	vst.add.f32.msk $0xffff, v3  }
0x170: {  	v1 =	vld.idx.msk [tilespmem:v0+s1+$0x1A0 ss:$0x1], $0xffff  }
0x171: {  	v2 =	vld.idx.msk [tilespmem:v0+s1+$0x20 ss:$0x1], $0xffff  }
0x172: {  	v3 =	vld.idx.msk [tilespmem:v0+s1+$0xA0 ss:$0x1], $0xffff  }
0x173: {  	[tilespmem:s1+$0xC110] =	vst.add.f32.msk $0xffff, v4  }
0x174: {  	v4 =	vld.idx.msk [tilespmem:v0+s1+$0x120 ss:$0x1], $0xffff  }
0x175: {  	[tilespmem:s1+$0xC1A0] =	vst.add.f32.msk $0xffff, v1  }
0x176: {  	[tilespmem:s1+$0xC020] =	vst.add.f32.msk $0xffff, v2  }
0x177: {  	[tilespmem:s1+$0xC0A0] =	vst.add.f32.msk $0xffff, v3  }
0x178: {  	v1 =	vld.idx.msk [tilespmem:v0+s1+$0x1B0 ss:$0x1], $0xffff  }
0x179: {  	v2 =	vld.idx.msk [tilespmem:v0+s1+$0x30 ss:$0x1], $0xffff  }
0x17a: {  	v3 =	vld.idx.msk [tilespmem:v0+s1+$0xB0 ss:$0x1], $0xffff  }
0x17b: {  	[tilespmem:s1+$0xC120] =	vst.add.f32.msk $0xffff, v4  }
0x17c: {  	v4 =	vld.idx.msk [tilespmem:v0+s1+$0x130 ss:$0x1], $0xffff  }
0x17d: {  	[tilespmem:s1+$0xC1B0] =	vst.add.f32.msk $0xffff, v1  }
0x17e: {  	[tilespmem:s1+$0xC030] =	vst.add.f32.msk $0xffff, v2  }
0x17f: {  	[tilespmem:s1+$0xC0B0] =	vst.add.f32.msk $0xffff, v3  }
0x180: {  	v1 =	vld.idx.msk [tilespmem:v0+s1+$0x1C0 ss:$0x1], $0xffff  }
0x181: {  	v2 =	vld.idx.msk [tilespmem:v0+s1+$0x40 ss:$0x1], $0xffff  }
0x182: {  	v3 =	vld.idx.msk [tilespmem:v0+s1+$0xC0 ss:$0x1], $0xffff  }
0x183: {  	[tilespmem:s1+$0xC130] =	vst.add.f32.msk $0xffff, v4  }
0x184: {  	v4 =	vld.idx.msk [tilespmem:v0+s1+$0x140 ss:$0x1], $0xffff  }
0x185: {  	[tilespmem:s1+$0xC1C0] =	vst.add.f32.msk $0xffff, v1  }
0x186: {  	[tilespmem:s1+$0xC040] =	vst.add.f32.msk $0xffff, v2  }
0x187: {  	[tilespmem:s1+$0xC0C0] =	vst.add.f32.msk $0xffff, v3  }
0x188: {  	v1 =	vld.idx.msk [tilespmem:v0+s1+$0x1D0 ss:$0x1], $0xffff  }
0x189: {  	v2 =	vld.idx.msk [tilespmem:v0+s1+$0x50 ss:$0x1], $0xffff  }
0x18a: {  	[tilespmem:s1+$0xC140] =	vst.add.f32.msk $0xffff, v4  }
0x18b: {  	v3 =	vld.idx.msk [tilespmem:v0+s1+$0xD0 ss:$0x1], $0xffff  }
0x18c: {  	s5 =	sadd.s32 $0x1, s23;
	v4 =	vld.idx.msk [tilespmem:v0+s1+$0x150 ss:$0x1], $0xffff  }
0x18d: {  	s2 =	sshll.u32 s5, $0x7;
	[tilespmem:s1+$0xC1D0] =	vst.add.f32.msk $0xffff, v1  }
0x18e: {  	s13 =	smulhi.u32 $0x51EB851F, s2;
	[tilespmem:s1+$0xC050] =	vst.add.f32.msk $0xffff, v2  }
0x18f: {  	v1 =	vld.idx.msk [tilespmem:v0+s1+$0x1E0 ss:$0x1], $0xffff  }
0x190: {  	s13 =	sshrl.u32 s13, $0x6;
	[tilespmem:s1+$0xC0D0] =	vst.add.f32.msk $0xffff, v3  }
0x191: {  	s13 =	smul.u32 $0xC8, s13;
	[tilespmem:s1+$0xC150] =	vst.add.f32.msk $0xffff, v4  }
0x192: {  	v2 =	vld.idx.msk [tilespmem:v0+s1+$0x60 ss:$0x1], $0xffff  }
0x193: {  	s13 =	ssub.s32 s2, s13;
	v5 =	vld.idx.msk [tilespmem:v0+s1+$0xE0 ss:$0x1], $0xffff  }
0x194: {  	s2 =	ssub.s32 $0xC8, s13;
	[tilespmem:s1+$0xC1E0] =	vst.add.f32.msk $0xffff, v1  }
0x195: {  	s9 =	smin.u32 s2, $0x80;
	v1 =	vld.idx.msk [tilespmem:v0+s1+$0x1F0 ss:$0x1], $0xffff  }
0x196: {  	p0 =	sgt.u32 s9, $0x4;
	v3 =	vld.idx.msk [tilespmem:v0+s1+$0x160 ss:$0x1], $0xffff  }
.Ltmp7:
0x197: {  	[tilespmem:s1+$0xC060] =	vst.add.f32.msk $0xffff, v2;
	(pc) =	sbr.rel @!p0 .LBB2_10-.Ltmp7, $4  }
0x198: {  	[tilespmem:s1+$0xC0E0] =	vst.add.f32.msk $0xffff, v5  }
0x199: {  	v2 =	vld.idx.msk [tilespmem:v0+s1+$0x70 ss:$0x1], $0xffff  }
0x19a: {  	[tilespmem:s1+$0xC1F0] =	vst.add.f32.msk $0xffff, v1  }
0x19b: {  	s7 =	simm.s32 $0x18000;
	s30 =	simm.s32 $0x4;
	s31 =	simm.s32 $0x800;
	v1 =	vld.idx.msk [tilespmem:v0+s1+$0xF0 ss:$0x1], $0xffff  }
.LBB2_9:
0x19c: {  	s2 =	sshra.s32 s31, $0x2;
	s30 =	sadd.s32 $0x4, s30;
	[tilespmem:s1+$0xC160] =	vst.add.f32.msk $0xffff, v3  }
0x19d: {  	v3 =	vld.idx.msk [tilespmem:v0+s2+$0x180 ss:$0x1], $0xffff;
	p0 =	slt.u32 s30, s9  }
0x19e: {  	v4 =	vld.idx.msk [tilespmem:v0+s2+$0x0 ss:$0x1], $0xffff  }
0x19f: {  	v5 =	vld.idx.msk [tilespmem:v0+s2+$0x80 ss:$0x1], $0xffff  }
0x1a0: {  	v6 =	vld.idx.msk [tilespmem:v0+s2+$0x100 ss:$0x1], $0xffff  }
0x1a1: {  	v7 =	vld.idx.msk [tilespmem:v0+s1+$0x170 ss:$0x1], $0xffff  }
0x1a2: {  	[tilespmem:s1+$0xC070] =	vst.add.f32.msk $0xffff, v2  }
0x1a3: {  	[tilespmem:s2+$0xC180] =	vst.add.f32.msk $0xffff, v3  }
0x1a4: {  	v2 =	vld.idx.msk [tilespmem:v0+s2+$0x190 ss:$0x1], $0xffff  }
0x1a5: {  	[tilespmem:s2+$0xC000] =	vst.add.f32.msk $0xffff, v4  }
0x1a6: {  	[tilespmem:s2+$0xC080] =	vst.add.f32.msk $0xffff, v5  }
0x1a7: {  	[tilespmem:s2+$0xC100] =	vst.add.f32.msk $0xffff, v6  }
0x1a8: {  	v3 =	vld.idx.msk [tilespmem:v0+s2+$0x10 ss:$0x1], $0xffff  }
0x1a9: {  	v4 =	vld.idx.msk [tilespmem:v0+s2+$0x90 ss:$0x1], $0xffff  }
0x1aa: {  	[tilespmem:s2+$0xC190] =	vst.add.f32.msk $0xffff, v2  }
0x1ab: {  	v2 =	vld.idx.msk [tilespmem:v0+s2+$0x1A0 ss:$0x1], $0xffff  }
0x1ac: {  	v5 =	vld.idx.msk [tilespmem:v0+s2+$0x110 ss:$0x1], $0xffff  }
0x1ad: {  	[tilespmem:s1+$0xC0F0] =	vst.add.f32.msk $0xffff, v1  }
0x1ae: {  	[tilespmem:s2+$0xC010] =	vst.add.f32.msk $0xffff, v3  }
0x1af: {  	[tilespmem:s2+$0xC090] =	vst.add.f32.msk $0xffff, v4  }
0x1b0: {  	v1 =	vld.idx.msk [tilespmem:v0+s2+$0x20 ss:$0x1], $0xffff  }
0x1b1: {  	[tilespmem:s2+$0xC1A0] =	vst.add.f32.msk $0xffff, v2  }
0x1b2: {  	v2 =	vld.idx.msk [tilespmem:v0+s2+$0x1B0 ss:$0x1], $0xffff  }
0x1b3: {  	[tilespmem:s2+$0xC110] =	vst.add.f32.msk $0xffff, v5  }
0x1b4: {  	v3 =	vld.idx.msk [tilespmem:v0+s2+$0xA0 ss:$0x1], $0xffff  }
0x1b5: {  	v4 =	vld.idx.msk [tilespmem:v0+s2+$0x120 ss:$0x1], $0xffff  }
0x1b6: {  	[tilespmem:s2+$0xC020] =	vst.add.f32.msk $0xffff, v1  }
0x1b7: {  	v1 =	vld.idx.msk [tilespmem:v0+s2+$0x30 ss:$0x1], $0xffff  }
0x1b8: {  	[tilespmem:s2+$0xC1B0] =	vst.add.f32.msk $0xffff, v2  }
0x1b9: {  	v2 =	vld.idx.msk [tilespmem:v0+s2+$0x1C0 ss:$0x1], $0xffff  }
0x1ba: {  	[tilespmem:s2+$0xC0A0] =	vst.add.f32.msk $0xffff, v3  }
0x1bb: {  	[tilespmem:s2+$0xC120] =	vst.add.f32.msk $0xffff, v4  }
0x1bc: {  	v3 =	vld.idx.msk [tilespmem:v0+s2+$0xB0 ss:$0x1], $0xffff  }
0x1bd: {  	v4 =	vld.idx.msk [tilespmem:v0+s2+$0x130 ss:$0x1], $0xffff  }
0x1be: {  	[tilespmem:s2+$0xC030] =	vst.add.f32.msk $0xffff, v1  }
0x1bf: {  	[tilespmem:s2+$0xC1C0] =	vst.add.f32.msk $0xffff, v2  }
0x1c0: {  	v1 =	vld.idx.msk [tilespmem:v0+s2+$0x1D0 ss:$0x1], $0xffff  }
0x1c1: {  	v2 =	vld.idx.msk [tilespmem:v0+s2+$0x40 ss:$0x1], $0xffff  }
0x1c2: {  	[tilespmem:s2+$0xC0B0] =	vst.add.f32.msk $0xffff, v3  }
0x1c3: {  	[tilespmem:s2+$0xC130] =	vst.add.f32.msk $0xffff, v4  }
0x1c4: {  	v3 =	vld.idx.msk [tilespmem:v0+s2+$0xC0 ss:$0x1], $0xffff  }
0x1c5: {  	v4 =	vld.idx.msk [tilespmem:v0+s2+$0x140 ss:$0x1], $0xffff  }
0x1c6: {  	[tilespmem:s2+$0xC1D0] =	vst.add.f32.msk $0xffff, v1  }
0x1c7: {  	v1 =	vld.idx.msk [tilespmem:v0+s2+$0x1E0 ss:$0x1], $0xffff  }
0x1c8: {  	[tilespmem:s2+$0xC040] =	vst.add.f32.msk $0xffff, v2  }
0x1c9: {  	v2 =	vld.idx.msk [tilespmem:v0+s2+$0x50 ss:$0x1], $0xffff  }
0x1ca: {  	[tilespmem:s2+$0xC0C0] =	vst.add.f32.msk $0xffff, v3  }
0x1cb: {  	[tilespmem:s2+$0xC140] =	vst.add.f32.msk $0xffff, v4  }
0x1cc: {  	v3 =	vld.idx.msk [tilespmem:v0+s2+$0xD0 ss:$0x1], $0xffff  }
0x1cd: {  	[tilespmem:s2+$0xC1E0] =	vst.add.f32.msk $0xffff, v1  }
0x1ce: {  	v1 =	vld.idx.msk [tilespmem:v0+s2+$0x1F0 ss:$0x1], $0xffff  }
0x1cf: {  	v4 =	vld.idx.msk [tilespmem:v0+s2+$0x150 ss:$0x1], $0xffff  }
0x1d0: {  	[tilespmem:s2+$0xC050] =	vst.add.f32.msk $0xffff, v2  }
0x1d1: {  	v2 =	vld.idx.msk [tilespmem:v0+s2+$0x60 ss:$0x1], $0xffff  }
0x1d2: {  	[tilespmem:s2+$0xC0D0] =	vst.add.f32.msk $0xffff, v3  }
0x1d3: {  	v5 =	vld.idx.msk [tilespmem:v0+s2+$0xE0 ss:$0x1], $0xffff  }
0x1d4: {  	[tilespmem:s2+$0xC1F0] =	vst.add.f32.msk $0xffff, v1  }
0x1d5: {  	[tilespmem:s2+$0xC150] =	vst.add.f32.msk $0xffff, v4  }
0x1d6: {  	v3 =	vld.idx.msk [tilespmem:v0+s2+$0x160 ss:$0x1], $0xffff  }
.Ltmp8:
0x1d7: {  	[tilespmem:s2+$0xC060] =	vst.add.f32.msk $0xffff, v2;
	(pc) =	sbr.rel @p0 .LBB2_9-.Ltmp8, $4  }
0x1d8: {  	v2 =	vld.idx.msk [tilespmem:v0+s2+$0x70 ss:$0x1], $0xffff  }
0x1d9: {  	[tilespmem:s2+$0xC0E0] =	vst.add.f32.msk $0xffff, v5  }
0x1da: {  	v1 =	vld.idx.msk [tilespmem:v0+s2+$0xF0 ss:$0x1], $0xffff  }
0x1db: {  	s31 =	sadd.s32 $0x800, s31;
	[tilespmem:s1+$0xC170] =	vst.add.f32.msk $0xffff, v7;
	s1 =	smov.u32 s2  }
.LBB2_10:
0x1dc: {  	_ =	sdelay $0x2  }
0x1dd: {  	[tilespmem:s1+$0xC160] =	vst.add.f32.msk $0xffff, v3  }
0x1de: {  	p0 =	sgt.u32 s13, $0x48;
	v0 =	vld.idx.msk [tilespmem:v0+s1+$0x170 ss:$0x1], $0xffff  }
.Ltmp9:
0x1df: {  	_ = 	snop;
	(pc) =	sbr.rel @!p0 .LBB2_14-.Ltmp9, $4  }
0x1e0: {  	_ = 	snop  }
0x1e1: {  	[tilespmem:s1+$0xC070] =	vst.add.f32.msk $0xffff, v2  }
0x1e2: {  	[tilespmem:s1+$0xC0F0] =	vst.add.f32.msk $0xffff, v1  }
0x1e3: {  	s30 =	smov.u32 s0;
	s31 =	smov.u32 s3;
	s3 =	simm.s32 $0x0;
	[tilespmem:s1+$0xC170] =	vst.add.f32.msk $0xffff, v0  }
0x1e4: {  	s1 =	simm.s32 $0x0  }
0x1e5: {  	v0 =	vld [tilespmem:s1+$0x1D80]  }
0x1e6: {  	v1 =	vld [tilespmem:s1+$0x1C00]  }
0x1e7: {  	v2 =	vld [tilespmem:s1+$0x1C80];
	_ =	sdelay $0x1  }
0x1e8: {  	s9 =	sadd.s32 $0x0, s17;
	v3 =	vld [tilespmem:s1+$0x1D00]  }
0x1e9: {  	[tilespmem:s9+$0x180] =	vst.add.f32.msk $0xffff, v0  }
0x1ea: {  	[tilespmem:s9+$0x0] =	vst.add.f32.msk $0xffff, v1  }
0x1eb: {  	[tilespmem:s9+$0x80] =	vst.add.f32.msk $0xffff, v2  }
0x1ec: {  	v0 =	vld [tilespmem:s1+$0x1D90]  }
0x1ed: {  	v1 =	vld [tilespmem:s1+$0x1C10]  }
0x1ee: {  	v2 =	vld [tilespmem:s1+$0x1C90]  }
0x1ef: {  	[tilespmem:s9+$0x100] =	vst.add.f32.msk $0xffff, v3  }
0x1f0: {  	v3 =	vld [tilespmem:s1+$0x1D10]  }
0x1f1: {  	[tilespmem:s9+$0x190] =	vst.add.f32.msk $0xffff, v0  }
0x1f2: {  	[tilespmem:s9+$0x10] =	vst.add.f32.msk $0xffff, v1  }
0x1f3: {  	[tilespmem:s9+$0x90] =	vst.add.f32.msk $0xffff, v2  }
0x1f4: {  	v0 =	vld [tilespmem:s1+$0x1DA0]  }
0x1f5: {  	v1 =	vld [tilespmem:s1+$0x1C20]  }
0x1f6: {  	v2 =	vld [tilespmem:s1+$0x1CA0]  }
0x1f7: {  	[tilespmem:s9+$0x110] =	vst.add.f32.msk $0xffff, v3  }
0x1f8: {  	v3 =	vld [tilespmem:s1+$0x1D20]  }
0x1f9: {  	[tilespmem:s9+$0x1A0] =	vst.add.f32.msk $0xffff, v0  }
0x1fa: {  	[tilespmem:s9+$0x20] =	vst.add.f32.msk $0xffff, v1  }
0x1fb: {  	[tilespmem:s9+$0xA0] =	vst.add.f32.msk $0xffff, v2  }
0x1fc: {  	v0 =	vld [tilespmem:s1+$0x1DB0]  }
0x1fd: {  	v1 =	vld [tilespmem:s1+$0x1C30]  }
0x1fe: {  	[tilespmem:s9+$0x120] =	vst.add.f32.msk $0xffff, v3  }
0x1ff: {  	v2 =	vld [tilespmem:s1+$0x1CB0]  }
0x200: {  	v3 =	vld [tilespmem:s1+$0x1D30]  }
0x201: {  	[tilespmem:s9+$0x1B0] =	vst.add.f32.msk $0xffff, v0  }
0x202: {  	[tilespmem:s9+$0x30] =	vst.add.f32.msk $0xffff, v1  }
0x203: {  	v0 =	vld [tilespmem:s1+$0x1DC0]  }
0x204: {  	[tilespmem:s9+$0xB0] =	vst.add.f32.msk $0xffff, v2  }
0x205: {  	[tilespmem:s9+$0x130] =	vst.add.f32.msk $0xffff, v3  }
0x206: {  	v1 =	vld [tilespmem:s1+$0x1C40]  }
0x207: {  	v2 =	vld [tilespmem:s1+$0x1CC0]  }
0x208: {  	[tilespmem:s9+$0x1C0] =	vst.add.f32.msk $0xffff, v0  }
0x209: {  	v0 =	vld [tilespmem:s1+$0x1DD0]  }
0x20a: {  	v3 =	vld [tilespmem:s1+$0x1D40]  }
0x20b: {  	[tilespmem:s9+$0x40] =	vst.add.f32.msk $0xffff, v1  }
0x20c: {  	[tilespmem:s9+$0xC0] =	vst.add.f32.msk $0xffff, v2  }
0x20d: {  	v1 =	vld [tilespmem:s1+$0x1CD0]  }
0x20e: {  	[tilespmem:s9+$0x1D0] =	vst.add.f32.msk $0xffff, v0  }
0x20f: {  	v0 =	vld [tilespmem:s1+$0x1DE0]  }
0x210: {  	[tilespmem:s9+$0x140] =	vst.add.f32.msk $0xffff, v3  }
0x211: {  	v2 =	vld [tilespmem:s1+$0x1D50];
	_ =	sdelay $0x1  }
0x212: {  	[tilespmem:s9+$0xD0] =	vst.add.f32.msk $0xffff, v1  }
0x213: {  	[tilespmem:s9+$0x1E0] =	vst.add.f32.msk $0xffff, v0  }
0x214: {  	v0 =	vld [tilespmem:s1+$0x1C50]  }
0x215: {  	[tilespmem:s9+$0x150] =	vst.add.f32.msk $0xffff, v2  }
0x216: {  	v2 =	vld [tilespmem:s1+$0x1CE0]  }
0x217: {  	v4 =	vld [tilespmem:s1+$0x1D60]  }
0x218: {  	v3 =	vld [tilespmem:s1+$0x1DF0]  }
0x219: {  	[tilespmem:s9+$0x50] =	vst.add.f32.msk $0xffff, v0  }
0x21a: {  	v0 =	vld [tilespmem:s1+$0x1C60]  }
0x21b: {  	s4 =	sadd.s32 $0x4, s4  }
0x21c: {  	p0 =	slt.u32 s4, $0x7C;
	[tilespmem:s9+$0xE0] =	vst.add.f32.msk $0xffff, v2  }
.Ltmp10:
0x21d: {  	[tilespmem:s9+$0x160] =	vst.add.f32.msk $0xffff, v4;
	(pc) =	sbr.rel @!p0 .LBB2_13-.Ltmp10, $4  }
0x21e: {  	[tilespmem:s9+$0x1F0] =	vst.add.f32.msk $0xffff, v3  }
0x21f: {  	[tilespmem:s9+$0x60] =	vst.add.f32.msk $0xffff, v0  }
0x220: {  	v0 =	vld [tilespmem:s1+$0x1CF0]  }
0x221: {  	s13 =	simm.s32 $0x800;
	v1 =	vld [tilespmem:s1+$0x1C70]  }
.LBB2_12:
0x222: {  	s4 =	sadd.s32 $0x4, s4;
	v2 =	vld [tilespmem:s1+$0x1D70];
	s1 =	sshra.s32 s13, $0x2  }
0x223: {  	v3 =	vld [tilespmem:s1+$0x1D80];
	p0 =	slt.u32 s4, $0x7C  }
0x224: {  	v4 =	vld [tilespmem:s1+$0x1C00]  }
0x225: {  	v5 =	vld [tilespmem:s1+$0x1C80]  }
0x226: {  	v6 =	vld [tilespmem:s1+$0x1D00]  }
0x227: {  	s2 =	sadd.s32 s1, s17;
	[tilespmem:s9+$0x70] =	vst.add.f32.msk $0xffff, v1  }
0x228: {  	[tilespmem:s2+$0x180] =	vst.add.f32.msk $0xffff, v3  }
0x229: {  	v1 =	vld [tilespmem:s1+$0x1D90]  }
0x22a: {  	[tilespmem:s2+$0x0] =	vst.add.f32.msk $0xffff, v4  }
0x22b: {  	[tilespmem:s2+$0x80] =	vst.add.f32.msk $0xffff, v5  }
0x22c: {  	[tilespmem:s2+$0x100] =	vst.add.f32.msk $0xffff, v6  }
0x22d: {  	v3 =	vld [tilespmem:s1+$0x1C10]  }
0x22e: {  	[tilespmem:s2+$0x190] =	vst.add.f32.msk $0xffff, v1  }
0x22f: {  	v1 =	vld [tilespmem:s1+$0x1DA0]  }
0x230: {  	v4 =	vld [tilespmem:s1+$0x1C90]  }
0x231: {  	v5 =	vld [tilespmem:s1+$0x1D10]  }
0x232: {  	[tilespmem:s2+$0x10] =	vst.add.f32.msk $0xffff, v3  }
0x233: {  	v3 =	vld [tilespmem:s1+$0x1C20]  }
0x234: {  	[tilespmem:s2+$0x1A0] =	vst.add.f32.msk $0xffff, v1  }
0x235: {  	v1 =	vld [tilespmem:s1+$0x1DB0]  }
0x236: {  	[tilespmem:s2+$0x90] =	vst.add.f32.msk $0xffff, v4  }
0x237: {  	[tilespmem:s2+$0x110] =	vst.add.f32.msk $0xffff, v5  }
0x238: {  	v4 =	vld [tilespmem:s1+$0x1CA0]  }
0x239: {  	v5 =	vld [tilespmem:s1+$0x1D20]  }
0x23a: {  	[tilespmem:s2+$0x1B0] =	vst.add.f32.msk $0xffff, v1  }
0x23b: {  	v1 =	vld [tilespmem:s1+$0x1DC0]  }
0x23c: {  	[tilespmem:s2+$0x20] =	vst.add.f32.msk $0xffff, v3  }
0x23d: {  	[tilespmem:s2+$0xA0] =	vst.add.f32.msk $0xffff, v4  }
0x23e: {  	[tilespmem:s2+$0x120] =	vst.add.f32.msk $0xffff, v5  }
0x23f: {  	v3 =	vld [tilespmem:s1+$0x1C30]  }
0x240: {  	[tilespmem:s2+$0x1C0] =	vst.add.f32.msk $0xffff, v1  }
0x241: {  	v1 =	vld [tilespmem:s1+$0x1DD0]  }
0x242: {  	v4 =	vld [tilespmem:s1+$0x1CB0]  }
0x243: {  	v5 =	vld [tilespmem:s1+$0x1D30]  }
0x244: {  	[tilespmem:s2+$0x30] =	vst.add.f32.msk $0xffff, v3  }
0x245: {  	v3 =	vld [tilespmem:s1+$0x1C40]  }
0x246: {  	[tilespmem:s2+$0x1D0] =	vst.add.f32.msk $0xffff, v1  }
0x247: {  	v1 =	vld [tilespmem:s1+$0x1DE0]  }
0x248: {  	[tilespmem:s2+$0xB0] =	vst.add.f32.msk $0xffff, v4  }
0x249: {  	[tilespmem:s2+$0x130] =	vst.add.f32.msk $0xffff, v5  }
0x24a: {  	v4 =	vld [tilespmem:s1+$0x1CC0]  }
0x24b: {  	v5 =	vld [tilespmem:s1+$0x1D40]  }
0x24c: {  	[tilespmem:s2+$0x1E0] =	vst.add.f32.msk $0xffff, v1  }
0x24d: {  	v1 =	vld [tilespmem:s1+$0x1DF0]  }
0x24e: {  	[tilespmem:s2+$0x40] =	vst.add.f32.msk $0xffff, v3  }
0x24f: {  	[tilespmem:s2+$0xC0] =	vst.add.f32.msk $0xffff, v4  }
0x250: {  	[tilespmem:s2+$0x140] =	vst.add.f32.msk $0xffff, v5  }
0x251: {  	v3 =	vld [tilespmem:s1+$0x1C50]  }
0x252: {  	[tilespmem:s2+$0x1F0] =	vst.add.f32.msk $0xffff, v1  }
0x253: {  	v1 =	vld [tilespmem:s1+$0x1CD0]  }
0x254: {  	v4 =	vld [tilespmem:s1+$0x1D50]  }
0x255: {  	[tilespmem:s9+$0xF0] =	vst.add.f32.msk $0xffff, v0  }
0x256: {  	[tilespmem:s2+$0x50] =	vst.add.f32.msk $0xffff, v3  }
0x257: {  	v0 =	vld [tilespmem:s1+$0x1C60]  }
0x258: {  	[tilespmem:s2+$0xD0] =	vst.add.f32.msk $0xffff, v1  }
0x259: {  	[tilespmem:s2+$0x150] =	vst.add.f32.msk $0xffff, v4  }
0x25a: {  	v3 =	vld [tilespmem:s1+$0x1CE0]  }
0x25b: {  	v4 =	vld [tilespmem:s1+$0x1D60]  }
0x25c: {  	[tilespmem:s2+$0x60] =	vst.add.f32.msk $0xffff, v0  }
.Ltmp11:
0x25d: {  	v1 =	vld [tilespmem:s1+$0x1C70];
	(pc) =	sbr.rel @p0 .LBB2_12-.Ltmp11, $4  }
0x25e: {  	[tilespmem:s9+$0x170] =	vst.add.f32.msk $0xffff, v2;
	s9 =	smov.u32 s2  }
0x25f: {  	[tilespmem:s9+$0xE0] =	vst.add.f32.msk $0xffff, v3  }
0x260: {  	[tilespmem:s9+$0x160] =	vst.add.f32.msk $0xffff, v4  }
0x261: {  	s13 =	sadd.s32 $0x800, s13;
	v0 =	vld [tilespmem:s1+$0x1CF0]  }
.LBB2_13:
0x262: {  	_ = 	snop  }
0x263: {  	v2 =	vld [tilespmem:s1+$0x1D70];
	_ =	sdelay $0x2  }
0x264: {  	[tilespmem:s9+$0x70] =	vst.add.f32.msk $0xffff, v1  }
0x265: {  	[tilespmem:s9+$0xF0] =	vst.add.f32.msk $0xffff, v0  }
0x266: {  	[tilespmem:s9+$0x170] =	vst.add.f32.msk $0xffff, v2  }
.LBB2_14:
0x267: {  	s1 =	sadd.s32 s6, s5  }
0x268: {  	s1 =	sshll.u32 s1, $0xB  }
0x269: {  	s1 =	sand.u32 $0x1FFFF800, s1  }
0x26a: {  	s0 =	simm.s32 $0xC000;
	p0 =	seq.s32 s10, $0x9;
	s1 =	sadd.s32 s31, s1  }
0x26b: {  	[hbm4b:s1+s3] =	stream.linear.scatter [tilespmem:s0], [sflag:$0x7], $0x4000, $0x38;
	[tilespmem:$0x1C000] =	vst v63  }
0x26c: {  	s2 =	simm.s32 @!p0 $0x6;
	s1 =	sadd.s32 $0x2, s23  }
0x26d: {  	s4 =	smul.u32 @!p0 $0xA00, s10;
	s5 =	sshll.u32 s1, $0x7;
	_ =	swait.ge @!p0 [sflag:s2], $0x4000  }
0x26e: {  	s9 =	smulhi.u32 $0x51EB851F, s5;
	[sflag:s2] =	ssyncset.done @!p0 $0x0  }
0x26f: {  	s13 =	simm.s32 @!p0 $0x8000;
	s17 =	sshra.s32 @!p0 s4, $0x2;
	[sflag:s2] =	ssyncadd.s32 @!p0 $0xFFFFC000  }
0x270: {  	s2 =	sadd.s32 @!p0 $0x280, s17;
	s0 =	sshrl.u32 s9, $0x6;
	s9 =	simm.s32 @!p0 $0x80  }
0x271: {  	v0 =	vmov s12;
	[tilespmem:s13], [sflag:$0x1] =	stream.indirect.gather @!p0 [hbm4b:s30+s9], $0x80, s2, s9, $0xb8;
	[tilespmem:$0x1C000] =	vst v63  }
0x272: {  	s9 =	simm.s32 $0x3  }
0x273: {  	s4 =	smul.u32 $0xC8, s0;
	_ =	swait.ge [sflag:s9], $0x4000  }
0x274: {  	[sflag:s9] =	ssyncset.done $0x0  }
0x275: {  	s4 =	ssub.s32 s5, s4;
	s5 =	simm.s32 $0x0;
	[sflag:s9] =	ssyncadd.s32 $0xFFFFC000  }
0x276: {  	v1 =	vld.idx.msk [tilespmem:v0+s5+$0x180 ss:$0x1], $0xffff  }
0x277: {  	v2 =	vld.idx.msk [tilespmem:v0+s5+$0x0 ss:$0x1], $0xffff  }
0x278: {  	v3 =	vld.idx.msk [tilespmem:v0+s5+$0x80 ss:$0x1], $0xffff;
	_ =	sdelay $0x1  }
0x279: {  	v4 =	vld.idx.msk [tilespmem:v0+s5+$0x100 ss:$0x1], $0xffff  }
0x27a: {  	[tilespmem:s5+$0x10180] =	vst.add.f32.msk $0xffff, v1  }
0x27b: {  	[tilespmem:s5+$0x10000] =	vst.add.f32.msk $0xffff, v2  }
0x27c: {  	[tilespmem:s5+$0x10080] =	vst.add.f32.msk $0xffff, v3  }
0x27d: {  	v1 =	vld.idx.msk [tilespmem:v0+s5+$0x190 ss:$0x1], $0xffff  }
0x27e: {  	v2 =	vld.idx.msk [tilespmem:v0+s5+$0x10 ss:$0x1], $0xffff  }
0x27f: {  	v3 =	vld.idx.msk [tilespmem:v0+s5+$0x90 ss:$0x1], $0xffff  }
0x280: {  	[tilespmem:s5+$0x10100] =	vst.add.f32.msk $0xffff, v4  }
0x281: {  	v4 =	vld.idx.msk [tilespmem:v0+s5+$0x110 ss:$0x1], $0xffff  }
0x282: {  	[tilespmem:s5+$0x10190] =	vst.add.f32.msk $0xffff, v1  }
0x283: {  	[tilespmem:s5+$0x10010] =	vst.add.f32.msk $0xffff, v2  }
0x284: {  	[tilespmem:s5+$0x10090] =	vst.add.f32.msk $0xffff, v3  }
0x285: {  	v1 =	vld.idx.msk [tilespmem:v0+s5+$0x1A0 ss:$0x1], $0xffff  }
0x286: {  	v2 =	vld.idx.msk [tilespmem:v0+s5+$0x20 ss:$0x1], $0xffff  }
0x287: {  	v3 =	vld.idx.msk [tilespmem:v0+s5+$0xA0 ss:$0x1], $0xffff  }
0x288: {  	[tilespmem:s5+$0x10110] =	vst.add.f32.msk $0xffff, v4  }
0x289: {  	v4 =	vld.idx.msk [tilespmem:v0+s5+$0x120 ss:$0x1], $0xffff  }
0x28a: {  	[tilespmem:s5+$0x101A0] =	vst.add.f32.msk $0xffff, v1  }
0x28b: {  	[tilespmem:s5+$0x10020] =	vst.add.f32.msk $0xffff, v2  }
0x28c: {  	[tilespmem:s5+$0x100A0] =	vst.add.f32.msk $0xffff, v3  }
0x28d: {  	v1 =	vld.idx.msk [tilespmem:v0+s5+$0x1B0 ss:$0x1], $0xffff  }
0x28e: {  	v2 =	vld.idx.msk [tilespmem:v0+s5+$0x30 ss:$0x1], $0xffff  }
0x28f: {  	v3 =	vld.idx.msk [tilespmem:v0+s5+$0xB0 ss:$0x1], $0xffff  }
0x290: {  	[tilespmem:s5+$0x10120] =	vst.add.f32.msk $0xffff, v4  }
0x291: {  	v4 =	vld.idx.msk [tilespmem:v0+s5+$0x130 ss:$0x1], $0xffff  }
0x292: {  	[tilespmem:s5+$0x101B0] =	vst.add.f32.msk $0xffff, v1  }
0x293: {  	[tilespmem:s5+$0x10030] =	vst.add.f32.msk $0xffff, v2  }
0x294: {  	[tilespmem:s5+$0x100B0] =	vst.add.f32.msk $0xffff, v3  }
0x295: {  	v1 =	vld.idx.msk [tilespmem:v0+s5+$0x1C0 ss:$0x1], $0xffff  }
0x296: {  	v2 =	vld.idx.msk [tilespmem:v0+s5+$0x40 ss:$0x1], $0xffff  }
0x297: {  	v3 =	vld.idx.msk [tilespmem:v0+s5+$0xC0 ss:$0x1], $0xffff  }
0x298: {  	[tilespmem:s5+$0x10130] =	vst.add.f32.msk $0xffff, v4  }
0x299: {  	v4 =	vld.idx.msk [tilespmem:v0+s5+$0x140 ss:$0x1], $0xffff  }
0x29a: {  	[tilespmem:s5+$0x101C0] =	vst.add.f32.msk $0xffff, v1  }
0x29b: {  	[tilespmem:s5+$0x10040] =	vst.add.f32.msk $0xffff, v2  }
0x29c: {  	[tilespmem:s5+$0x100C0] =	vst.add.f32.msk $0xffff, v3  }
0x29d: {  	v1 =	vld.idx.msk [tilespmem:v0+s5+$0x1D0 ss:$0x1], $0xffff  }
0x29e: {  	v2 =	vld.idx.msk [tilespmem:v0+s5+$0x50 ss:$0x1], $0xffff  }
0x29f: {  	[tilespmem:s5+$0x10140] =	vst.add.f32.msk $0xffff, v4  }
0x2a0: {  	v3 =	vld.idx.msk [tilespmem:v0+s5+$0xD0 ss:$0x1], $0xffff  }
0x2a1: {  	v4 =	vld.idx.msk [tilespmem:v0+s5+$0x150 ss:$0x1], $0xffff  }
0x2a2: {  	[tilespmem:s5+$0x101D0] =	vst.add.f32.msk $0xffff, v1  }
0x2a3: {  	[tilespmem:s5+$0x10050] =	vst.add.f32.msk $0xffff, v2  }
0x2a4: {  	v1 =	vld.idx.msk [tilespmem:v0+s5+$0x1E0 ss:$0x1], $0xffff  }
0x2a5: {  	[tilespmem:s5+$0x100D0] =	vst.add.f32.msk $0xffff, v3  }
0x2a6: {  	[tilespmem:s5+$0x10150] =	vst.add.f32.msk $0xffff, v4  }
0x2a7: {  	v2 =	vld.idx.msk [tilespmem:v0+s5+$0x60 ss:$0x1], $0xffff  }
0x2a8: {  	v5 =	vld.idx.msk [tilespmem:v0+s5+$0xE0 ss:$0x1], $0xffff  }
0x2a9: {  	s13 =	ssub.s32 $0xC8, s4;
	[tilespmem:s5+$0x101E0] =	vst.add.f32.msk $0xffff, v1  }
0x2aa: {  	s9 =	smin.u32 s13, $0x80;
	v1 =	vld.idx.msk [tilespmem:v0+s5+$0x1F0 ss:$0x1], $0xffff  }
0x2ab: {  	p1 =	sgt.u32 s9, $0x4;
	v3 =	vld.idx.msk [tilespmem:v0+s5+$0x160 ss:$0x1], $0xffff  }
.Ltmp12:
0x2ac: {  	[tilespmem:s5+$0x10060] =	vst.add.f32.msk $0xffff, v2;
	(pc) =	sbr.rel @!p1 .LBB2_16-.Ltmp12, $4  }
0x2ad: {  	[tilespmem:s5+$0x100E0] =	vst.add.f32.msk $0xffff, v5  }
0x2ae: {  	v2 =	vld.idx.msk [tilespmem:v0+s5+$0x70 ss:$0x1], $0xffff  }
0x2af: {  	[tilespmem:s5+$0x101F0] =	vst.add.f32.msk $0xffff, v1  }
0x2b0: {  	s12 =	simm.s32 $0x4;
	s13 =	simm.s32 $0x800;
	v1 =	vld.idx.msk [tilespmem:v0+s5+$0xF0 ss:$0x1], $0xffff  }
.LBB2_15:
0x2b1: {  	s2 =	sshra.s32 s13, $0x2;
	s12 =	sadd.s32 $0x4, s12;
	[tilespmem:s5+$0x10160] =	vst.add.f32.msk $0xffff, v3  }
0x2b2: {  	v3 =	vld.idx.msk [tilespmem:v0+s2+$0x180 ss:$0x1], $0xffff;
	p1 =	slt.u32 s12, s9  }
0x2b3: {  	v4 =	vld.idx.msk [tilespmem:v0+s2+$0x0 ss:$0x1], $0xffff  }
0x2b4: {  	v5 =	vld.idx.msk [tilespmem:v0+s2+$0x80 ss:$0x1], $0xffff  }
0x2b5: {  	v6 =	vld.idx.msk [tilespmem:v0+s2+$0x100 ss:$0x1], $0xffff  }
0x2b6: {  	v7 =	vld.idx.msk [tilespmem:v0+s5+$0x170 ss:$0x1], $0xffff  }
0x2b7: {  	[tilespmem:s5+$0x10070] =	vst.add.f32.msk $0xffff, v2  }
0x2b8: {  	[tilespmem:s2+$0x10180] =	vst.add.f32.msk $0xffff, v3  }
0x2b9: {  	v2 =	vld.idx.msk [tilespmem:v0+s2+$0x190 ss:$0x1], $0xffff  }
0x2ba: {  	[tilespmem:s2+$0x10000] =	vst.add.f32.msk $0xffff, v4  }
0x2bb: {  	[tilespmem:s2+$0x10080] =	vst.add.f32.msk $0xffff, v5  }
0x2bc: {  	[tilespmem:s2+$0x10100] =	vst.add.f32.msk $0xffff, v6  }
0x2bd: {  	v3 =	vld.idx.msk [tilespmem:v0+s2+$0x10 ss:$0x1], $0xffff  }
0x2be: {  	v4 =	vld.idx.msk [tilespmem:v0+s2+$0x90 ss:$0x1], $0xffff  }
0x2bf: {  	[tilespmem:s2+$0x10190] =	vst.add.f32.msk $0xffff, v2  }
0x2c0: {  	v2 =	vld.idx.msk [tilespmem:v0+s2+$0x1A0 ss:$0x1], $0xffff  }
0x2c1: {  	v5 =	vld.idx.msk [tilespmem:v0+s2+$0x110 ss:$0x1], $0xffff  }
0x2c2: {  	[tilespmem:s5+$0x100F0] =	vst.add.f32.msk $0xffff, v1  }
0x2c3: {  	[tilespmem:s2+$0x10010] =	vst.add.f32.msk $0xffff, v3  }
0x2c4: {  	[tilespmem:s2+$0x10090] =	vst.add.f32.msk $0xffff, v4  }
0x2c5: {  	v1 =	vld.idx.msk [tilespmem:v0+s2+$0x20 ss:$0x1], $0xffff  }
0x2c6: {  	[tilespmem:s2+$0x101A0] =	vst.add.f32.msk $0xffff, v2  }
0x2c7: {  	v2 =	vld.idx.msk [tilespmem:v0+s2+$0x1B0 ss:$0x1], $0xffff  }
0x2c8: {  	[tilespmem:s2+$0x10110] =	vst.add.f32.msk $0xffff, v5  }
0x2c9: {  	v3 =	vld.idx.msk [tilespmem:v0+s2+$0xA0 ss:$0x1], $0xffff  }
0x2ca: {  	v4 =	vld.idx.msk [tilespmem:v0+s2+$0x120 ss:$0x1], $0xffff  }
0x2cb: {  	[tilespmem:s2+$0x10020] =	vst.add.f32.msk $0xffff, v1  }
0x2cc: {  	v1 =	vld.idx.msk [tilespmem:v0+s2+$0x30 ss:$0x1], $0xffff  }
0x2cd: {  	[tilespmem:s2+$0x101B0] =	vst.add.f32.msk $0xffff, v2  }
0x2ce: {  	v2 =	vld.idx.msk [tilespmem:v0+s2+$0x1C0 ss:$0x1], $0xffff  }
0x2cf: {  	[tilespmem:s2+$0x100A0] =	vst.add.f32.msk $0xffff, v3  }
0x2d0: {  	[tilespmem:s2+$0x10120] =	vst.add.f32.msk $0xffff, v4  }
0x2d1: {  	v3 =	vld.idx.msk [tilespmem:v0+s2+$0xB0 ss:$0x1], $0xffff  }
0x2d2: {  	v4 =	vld.idx.msk [tilespmem:v0+s2+$0x130 ss:$0x1], $0xffff  }
0x2d3: {  	[tilespmem:s2+$0x10030] =	vst.add.f32.msk $0xffff, v1  }
0x2d4: {  	[tilespmem:s2+$0x101C0] =	vst.add.f32.msk $0xffff, v2  }
0x2d5: {  	v1 =	vld.idx.msk [tilespmem:v0+s2+$0x1D0 ss:$0x1], $0xffff  }
0x2d6: {  	v2 =	vld.idx.msk [tilespmem:v0+s2+$0x40 ss:$0x1], $0xffff  }
0x2d7: {  	[tilespmem:s2+$0x100B0] =	vst.add.f32.msk $0xffff, v3  }
0x2d8: {  	[tilespmem:s2+$0x10130] =	vst.add.f32.msk $0xffff, v4  }
0x2d9: {  	v3 =	vld.idx.msk [tilespmem:v0+s2+$0xC0 ss:$0x1], $0xffff  }
0x2da: {  	v4 =	vld.idx.msk [tilespmem:v0+s2+$0x140 ss:$0x1], $0xffff  }
0x2db: {  	[tilespmem:s2+$0x101D0] =	vst.add.f32.msk $0xffff, v1  }
0x2dc: {  	v1 =	vld.idx.msk [tilespmem:v0+s2+$0x1E0 ss:$0x1], $0xffff  }
0x2dd: {  	[tilespmem:s2+$0x10040] =	vst.add.f32.msk $0xffff, v2  }
0x2de: {  	v2 =	vld.idx.msk [tilespmem:v0+s2+$0x50 ss:$0x1], $0xffff  }
0x2df: {  	[tilespmem:s2+$0x100C0] =	vst.add.f32.msk $0xffff, v3  }
0x2e0: {  	[tilespmem:s2+$0x10140] =	vst.add.f32.msk $0xffff, v4  }
0x2e1: {  	v3 =	vld.idx.msk [tilespmem:v0+s2+$0xD0 ss:$0x1], $0xffff  }
0x2e2: {  	[tilespmem:s2+$0x101E0] =	vst.add.f32.msk $0xffff, v1  }
0x2e3: {  	v1 =	vld.idx.msk [tilespmem:v0+s2+$0x1F0 ss:$0x1], $0xffff  }
0x2e4: {  	v4 =	vld.idx.msk [tilespmem:v0+s2+$0x150 ss:$0x1], $0xffff  }
0x2e5: {  	[tilespmem:s2+$0x10050] =	vst.add.f32.msk $0xffff, v2  }
0x2e6: {  	v2 =	vld.idx.msk [tilespmem:v0+s2+$0x60 ss:$0x1], $0xffff  }
0x2e7: {  	[tilespmem:s2+$0x100D0] =	vst.add.f32.msk $0xffff, v3  }
0x2e8: {  	v5 =	vld.idx.msk [tilespmem:v0+s2+$0xE0 ss:$0x1], $0xffff  }
0x2e9: {  	[tilespmem:s2+$0x101F0] =	vst.add.f32.msk $0xffff, v1  }
0x2ea: {  	[tilespmem:s2+$0x10150] =	vst.add.f32.msk $0xffff, v4  }
0x2eb: {  	v3 =	vld.idx.msk [tilespmem:v0+s2+$0x160 ss:$0x1], $0xffff  }
.Ltmp13:
0x2ec: {  	[tilespmem:s2+$0x10060] =	vst.add.f32.msk $0xffff, v2;
	(pc) =	sbr.rel @p1 .LBB2_15-.Ltmp13, $4  }
0x2ed: {  	v2 =	vld.idx.msk [tilespmem:v0+s2+$0x70 ss:$0x1], $0xffff  }
0x2ee: {  	[tilespmem:s2+$0x100E0] =	vst.add.f32.msk $0xffff, v5  }
0x2ef: {  	v1 =	vld.idx.msk [tilespmem:v0+s2+$0xF0 ss:$0x1], $0xffff  }
0x2f0: {  	s13 =	sadd.s32 $0x800, s13;
	[tilespmem:s5+$0x10170] =	vst.add.f32.msk $0xffff, v7;
	s5 =	smov.u32 s2  }
.LBB2_16:
0x2f1: {  	_ =	sdelay $0x2  }
0x2f2: {  	[tilespmem:s5+$0x10160] =	vst.add.f32.msk $0xffff, v3  }
0x2f3: {  	p1 =	sgt.u32 s4, $0x48;
	v0 =	vld.idx.msk [tilespmem:v0+s5+$0x170 ss:$0x1], $0xffff  }
.Ltmp14:
0x2f4: {  	_ = 	snop;
	(pc) =	sbr.rel @!p1 .LBB2_20-.Ltmp14, $4  }
0x2f5: {  	_ = 	snop  }
0x2f6: {  	[tilespmem:s5+$0x10070] =	vst.add.f32.msk $0xffff, v2  }
0x2f7: {  	[tilespmem:s5+$0x100F0] =	vst.add.f32.msk $0xffff, v1  }
0x2f8: {  	[tilespmem:s5+$0x10170] =	vst.add.f32.msk $0xffff, v0  }
0x2f9: {  	s4 =	simm.s32 $0x0  }
0x2fa: {  	v0 =	vld [tilespmem:s4+$0x1D80]  }
0x2fb: {  	v1 =	vld [tilespmem:s4+$0x1C00]  }
0x2fc: {  	v2 =	vld [tilespmem:s4+$0x1C80];
	_ =	sdelay $0x1  }
0x2fd: {  	s5 =	sadd.s32 $0x0, s20;
	v3 =	vld [tilespmem:s4+$0x1D00]  }
0x2fe: {  	[tilespmem:s5+$0x180] =	vst.add.f32.msk $0xffff, v0  }
0x2ff: {  	[tilespmem:s5+$0x0] =	vst.add.f32.msk $0xffff, v1  }
0x300: {  	[tilespmem:s5+$0x80] =	vst.add.f32.msk $0xffff, v2  }
0x301: {  	v0 =	vld [tilespmem:s4+$0x1D90]  }
0x302: {  	[tilespmem:s5+$0x100] =	vst.add.f32.msk $0xffff, v3  }
0x303: {  	v1 =	vld [tilespmem:s4+$0x1C10]  }
0x304: {  	v2 =	vld [tilespmem:s4+$0x1C90]  }
0x305: {  	v3 =	vld [tilespmem:s4+$0x1D10]  }
0x306: {  	[tilespmem:s5+$0x190] =	vst.add.f32.msk $0xffff, v0  }
0x307: {  	v0 =	vld [tilespmem:s4+$0x1DA0]  }
0x308: {  	[tilespmem:s5+$0x10] =	vst.add.f32.msk $0xffff, v1  }
0x309: {  	[tilespmem:s5+$0x90] =	vst.add.f32.msk $0xffff, v2  }
0x30a: {  	v1 =	vld [tilespmem:s4+$0x1C20]  }
0x30b: {  	v2 =	vld [tilespmem:s4+$0x1CA0]  }
0x30c: {  	[tilespmem:s5+$0x1A0] =	vst.add.f32.msk $0xffff, v0  }
0x30d: {  	v0 =	vld [tilespmem:s4+$0x1DB0]  }
0x30e: {  	[tilespmem:s5+$0x110] =	vst.add.f32.msk $0xffff, v3  }
0x30f: {  	v3 =	vld [tilespmem:s4+$0x1D20]  }
0x310: {  	[tilespmem:s5+$0x20] =	vst.add.f32.msk $0xffff, v1  }
0x311: {  	[tilespmem:s5+$0xA0] =	vst.add.f32.msk $0xffff, v2  }
0x312: {  	[tilespmem:s5+$0x1B0] =	vst.add.f32.msk $0xffff, v0  }
0x313: {  	v0 =	vld [tilespmem:s4+$0x1DC0]  }
0x314: {  	[tilespmem:s5+$0x120] =	vst.add.f32.msk $0xffff, v3  }
0x315: {  	v1 =	vld [tilespmem:s4+$0x1C30]  }
0x316: {  	v2 =	vld [tilespmem:s4+$0x1CB0]  }
0x317: {  	v3 =	vld [tilespmem:s4+$0x1D30]  }
0x318: {  	[tilespmem:s5+$0x1C0] =	vst.add.f32.msk $0xffff, v0  }
0x319: {  	v0 =	vld [tilespmem:s4+$0x1DD0]  }
0x31a: {  	[tilespmem:s5+$0x30] =	vst.add.f32.msk $0xffff, v1  }
0x31b: {  	[tilespmem:s5+$0xB0] =	vst.add.f32.msk $0xffff, v2  }
0x31c: {  	v1 =	vld [tilespmem:s4+$0x1C40]  }
0x31d: {  	v2 =	vld [tilespmem:s4+$0x1CC0]  }
0x31e: {  	[tilespmem:s5+$0x1D0] =	vst.add.f32.msk $0xffff, v0  }
0x31f: {  	v0 =	vld [tilespmem:s4+$0x1DE0]  }
0x320: {  	[tilespmem:s5+$0x130] =	vst.add.f32.msk $0xffff, v3  }
0x321: {  	v3 =	vld [tilespmem:s4+$0x1D40]  }
0x322: {  	[tilespmem:s5+$0x40] =	vst.add.f32.msk $0xffff, v1  }
0x323: {  	[tilespmem:s5+$0xC0] =	vst.add.f32.msk $0xffff, v2  }
0x324: {  	[tilespmem:s5+$0x1E0] =	vst.add.f32.msk $0xffff, v0  }
0x325: {  	v0 =	vld [tilespmem:s4+$0x1C50]  }
0x326: {  	[tilespmem:s5+$0x140] =	vst.add.f32.msk $0xffff, v3  }
0x327: {  	v1 =	vld [tilespmem:s4+$0x1CD0]  }
0x328: {  	v2 =	vld [tilespmem:s4+$0x1D50]  }
0x329: {  	v3 =	vld [tilespmem:s4+$0x1DF0]  }
0x32a: {  	[tilespmem:s5+$0x50] =	vst.add.f32.msk $0xffff, v0  }
0x32b: {  	v0 =	vld [tilespmem:s4+$0x1C60];
	_ =	sdelay $0x1  }
0x32c: {  	[tilespmem:s5+$0xD0] =	vst.add.f32.msk $0xffff, v1  }
0x32d: {  	[tilespmem:s5+$0x150] =	vst.add.f32.msk $0xffff, v2  }
0x32e: {  	[tilespmem:s5+$0x1F0] =	vst.add.f32.msk $0xffff, v3  }
0x32f: {  	[tilespmem:s5+$0x60] =	vst.add.f32.msk $0xffff, v0  }
0x330: {  	v2 =	vld [tilespmem:s4+$0x1CE0];
	s0 =	rddreg [dreg:$0x11]  }
0x331: {  	v4 =	vld [tilespmem:s4+$0x1D60];
	s9 =	sadd.s32 $0x4, s0  }
0x332: {  	p1 =	slt.u32 s9, $0x7C  }
.Ltmp15:
0x333: {  	_ = 	snop;
	(pc) =	sbr.rel @!p1 .LBB2_19-.Ltmp15, $4  }
0x334: {  	v1 =	vld [tilespmem:s4+$0x1C70]  }
0x335: {  	[tilespmem:s5+$0xE0] =	vst.add.f32.msk $0xffff, v2  }
0x336: {  	[tilespmem:s5+$0x160] =	vst.add.f32.msk $0xffff, v4  }
0x337: {  	s12 =	simm.s32 $0x800;
	v0 =	vld [tilespmem:s4+$0x1CF0]  }
.LBB2_18:
0x338: {  	s9 =	sadd.s32 $0x4, s9;
	v2 =	vld [tilespmem:s4+$0x1D70];
	s4 =	sshra.s32 s12, $0x2  }
0x339: {  	v3 =	vld [tilespmem:s4+$0x1D80];
	p1 =	slt.u32 s9, $0x7C  }
0x33a: {  	v4 =	vld [tilespmem:s4+$0x1C00]  }
0x33b: {  	v5 =	vld [tilespmem:s4+$0x1C80]  }
0x33c: {  	v6 =	vld [tilespmem:s4+$0x1D00]  }
0x33d: {  	s2 =	sadd.s32 s4, s20;
	[tilespmem:s5+$0x70] =	vst.add.f32.msk $0xffff, v1  }
0x33e: {  	[tilespmem:s2+$0x180] =	vst.add.f32.msk $0xffff, v3  }
0x33f: {  	v1 =	vld [tilespmem:s4+$0x1D90]  }
0x340: {  	[tilespmem:s2+$0x0] =	vst.add.f32.msk $0xffff, v4  }
0x341: {  	[tilespmem:s2+$0x80] =	vst.add.f32.msk $0xffff, v5  }
0x342: {  	[tilespmem:s2+$0x100] =	vst.add.f32.msk $0xffff, v6  }
0x343: {  	v3 =	vld [tilespmem:s4+$0x1C10]  }
0x344: {  	[tilespmem:s2+$0x190] =	vst.add.f32.msk $0xffff, v1  }
0x345: {  	v1 =	vld [tilespmem:s4+$0x1DA0]  }
0x346: {  	v4 =	vld [tilespmem:s4+$0x1C90]  }
0x347: {  	v5 =	vld [tilespmem:s4+$0x1D10]  }
0x348: {  	[tilespmem:s2+$0x10] =	vst.add.f32.msk $0xffff, v3  }
0x349: {  	v3 =	vld [tilespmem:s4+$0x1C20]  }
0x34a: {  	[tilespmem:s2+$0x1A0] =	vst.add.f32.msk $0xffff, v1  }
0x34b: {  	v1 =	vld [tilespmem:s4+$0x1DB0]  }
0x34c: {  	[tilespmem:s2+$0x90] =	vst.add.f32.msk $0xffff, v4  }
0x34d: {  	[tilespmem:s2+$0x110] =	vst.add.f32.msk $0xffff, v5  }
0x34e: {  	v4 =	vld [tilespmem:s4+$0x1CA0]  }
0x34f: {  	v5 =	vld [tilespmem:s4+$0x1D20]  }
0x350: {  	[tilespmem:s2+$0x1B0] =	vst.add.f32.msk $0xffff, v1  }
0x351: {  	v1 =	vld [tilespmem:s4+$0x1DC0]  }
0x352: {  	[tilespmem:s2+$0x20] =	vst.add.f32.msk $0xffff, v3  }
0x353: {  	[tilespmem:s2+$0xA0] =	vst.add.f32.msk $0xffff, v4  }
0x354: {  	[tilespmem:s2+$0x120] =	vst.add.f32.msk $0xffff, v5  }
0x355: {  	v3 =	vld [tilespmem:s4+$0x1C30]  }
0x356: {  	[tilespmem:s2+$0x1C0] =	vst.add.f32.msk $0xffff, v1  }
0x357: {  	v1 =	vld [tilespmem:s4+$0x1DD0]  }
0x358: {  	v4 =	vld [tilespmem:s4+$0x1CB0]  }
0x359: {  	v5 =	vld [tilespmem:s4+$0x1D30]  }
0x35a: {  	[tilespmem:s2+$0x30] =	vst.add.f32.msk $0xffff, v3  }
0x35b: {  	v3 =	vld [tilespmem:s4+$0x1C40]  }
0x35c: {  	[tilespmem:s2+$0x1D0] =	vst.add.f32.msk $0xffff, v1  }
0x35d: {  	v1 =	vld [tilespmem:s4+$0x1DE0]  }
0x35e: {  	[tilespmem:s2+$0xB0] =	vst.add.f32.msk $0xffff, v4  }
0x35f: {  	[tilespmem:s2+$0x130] =	vst.add.f32.msk $0xffff, v5  }
0x360: {  	v4 =	vld [tilespmem:s4+$0x1CC0]  }
0x361: {  	v5 =	vld [tilespmem:s4+$0x1D40]  }
0x362: {  	[tilespmem:s2+$0x1E0] =	vst.add.f32.msk $0xffff, v1  }
0x363: {  	v1 =	vld [tilespmem:s4+$0x1DF0]  }
0x364: {  	[tilespmem:s2+$0x40] =	vst.add.f32.msk $0xffff, v3  }
0x365: {  	[tilespmem:s2+$0xC0] =	vst.add.f32.msk $0xffff, v4  }
0x366: {  	[tilespmem:s2+$0x140] =	vst.add.f32.msk $0xffff, v5  }
0x367: {  	v3 =	vld [tilespmem:s4+$0x1C50]  }
0x368: {  	[tilespmem:s2+$0x1F0] =	vst.add.f32.msk $0xffff, v1  }
0x369: {  	v1 =	vld [tilespmem:s4+$0x1CD0]  }
0x36a: {  	v4 =	vld [tilespmem:s4+$0x1D50]  }
0x36b: {  	[tilespmem:s5+$0xF0] =	vst.add.f32.msk $0xffff, v0  }
0x36c: {  	[tilespmem:s2+$0x50] =	vst.add.f32.msk $0xffff, v3  }
0x36d: {  	v0 =	vld [tilespmem:s4+$0x1C60]  }
0x36e: {  	[tilespmem:s2+$0xD0] =	vst.add.f32.msk $0xffff, v1  }
0x36f: {  	[tilespmem:s2+$0x150] =	vst.add.f32.msk $0xffff, v4  }
0x370: {  	v3 =	vld [tilespmem:s4+$0x1CE0]  }
0x371: {  	v4 =	vld [tilespmem:s4+$0x1D60]  }
0x372: {  	[tilespmem:s2+$0x60] =	vst.add.f32.msk $0xffff, v0  }
.Ltmp16:
0x373: {  	v1 =	vld [tilespmem:s4+$0x1C70];
	(pc) =	sbr.rel @p1 .LBB2_18-.Ltmp16, $4  }
0x374: {  	[tilespmem:s5+$0x170] =	vst.add.f32.msk $0xffff, v2;
	s5 =	smov.u32 s2  }
0x375: {  	[tilespmem:s5+$0xE0] =	vst.add.f32.msk $0xffff, v3  }
0x376: {  	[tilespmem:s5+$0x160] =	vst.add.f32.msk $0xffff, v4  }
0x377: {  	s12 =	sadd.s32 $0x800, s12;
	v0 =	vld [tilespmem:s4+$0x1CF0]  }
.LBB2_19:
0x378: {  	v2 =	vld [tilespmem:s4+$0x1D70];
	_ =	sdelay $0x2  }
0x379: {  	[tilespmem:s5+$0x70] =	vst.add.f32.msk $0xffff, v1  }
0x37a: {  	[tilespmem:s5+$0xF0] =	vst.add.f32.msk $0xffff, v0  }
0x37b: {  	[tilespmem:s5+$0x170] =	vst.add.f32.msk $0xffff, v2  }
.LBB2_20:
0x37c: {  	s1 =	sadd.s32 s6, s1  }
0x37d: {  	s1 =	sshll.u32 s1, $0xB  }
0x37e: {  	s1 =	sand.u32 $0x1FFFF800, s1  }
0x37f: {  	s0 =	simm.s32 $0x10000;
	s1 =	sadd.s32 s31, s1  }
0x380: {  	[hbm4b:s1+s3] =	stream.linear.scatter [tilespmem:s0], [sflag:$0x8], $0x4000, $0x38;
	[tilespmem:$0x1C000] =	vst v63  }
0x381: {  	s1 =	sadd.s32 $0x3, s23  }
0x382: {  	s2 =	simm.s32 @!p0 $0x7;
	s4 =	sshll.u32 s1, $0x7  }
0x383: {  	s9 =	simm.s32 @!p0 $0x80;
	_ =	swait.ge @!p0 [sflag:s2], $0x4000;
	s5 =	smulhi.u32 $0x51EB851F, s4  }
0x384: {  	s12 =	simm.s32 @!p0 $0xC000;
	s20 =	simm.s32 $0x4;
	[sflag:s2] =	ssyncset.done @!p0 $0x0  }
0x385: {  	v0 =	vmov s18;
	[sflag:s2] =	ssyncadd.s32 @!p0 $0xFFFFC000;
	s2 =	sadd.s32 @!p0 $0x300, s17;
	s5 =	sshrl.u32 s5, $0x6  }
0x386: {  	[tilespmem:s12], [sflag:$0x2] =	stream.indirect.gather @!p0 [hbm4b:s30+s9], $0x80, s2, s9, $0xb8;
	[tilespmem:$0x1C000] =	vst v63  }
0x387: {  	s5 =	smul.u32 $0xC8, s5;
	_ =	swait.ge [sflag:s20], $0x4000  }
0x388: {  	[sflag:s20] =	ssyncset.done $0x0  }
0x389: {  	s4 =	ssub.s32 s4, s5;
	[sflag:s20] =	ssyncadd.s32 $0xFFFFC000;
	s5 =	simm.s32 $0x0  }
0x38a: {  	v1 =	vld.idx.msk [tilespmem:v0+s5+$0x180 ss:$0x1], $0xffff  }
0x38b: {  	v2 =	vld.idx.msk [tilespmem:v0+s5+$0x0 ss:$0x1], $0xffff  }
0x38c: {  	v3 =	vld.idx.msk [tilespmem:v0+s5+$0x80 ss:$0x1], $0xffff;
	_ =	sdelay $0x1  }
0x38d: {  	v4 =	vld.idx.msk [tilespmem:v0+s5+$0x100 ss:$0x1], $0xffff  }
0x38e: {  	[tilespmem:s5+$0x14180] =	vst.add.f32.msk $0xffff, v1  }
0x38f: {  	[tilespmem:s5+$0x14000] =	vst.add.f32.msk $0xffff, v2  }
0x390: {  	[tilespmem:s5+$0x14080] =	vst.add.f32.msk $0xffff, v3  }
0x391: {  	v1 =	vld.idx.msk [tilespmem:v0+s5+$0x190 ss:$0x1], $0xffff  }
0x392: {  	v2 =	vld.idx.msk [tilespmem:v0+s5+$0x10 ss:$0x1], $0xffff  }
0x393: {  	v3 =	vld.idx.msk [tilespmem:v0+s5+$0x90 ss:$0x1], $0xffff  }
0x394: {  	[tilespmem:s5+$0x14100] =	vst.add.f32.msk $0xffff, v4  }
0x395: {  	v4 =	vld.idx.msk [tilespmem:v0+s5+$0x110 ss:$0x1], $0xffff  }
0x396: {  	[tilespmem:s5+$0x14190] =	vst.add.f32.msk $0xffff, v1  }
0x397: {  	[tilespmem:s5+$0x14010] =	vst.add.f32.msk $0xffff, v2  }
0x398: {  	[tilespmem:s5+$0x14090] =	vst.add.f32.msk $0xffff, v3  }
0x399: {  	v1 =	vld.idx.msk [tilespmem:v0+s5+$0x1A0 ss:$0x1], $0xffff  }
0x39a: {  	v2 =	vld.idx.msk [tilespmem:v0+s5+$0x20 ss:$0x1], $0xffff  }
0x39b: {  	v3 =	vld.idx.msk [tilespmem:v0+s5+$0xA0 ss:$0x1], $0xffff  }
0x39c: {  	[tilespmem:s5+$0x14110] =	vst.add.f32.msk $0xffff, v4  }
0x39d: {  	v4 =	vld.idx.msk [tilespmem:v0+s5+$0x120 ss:$0x1], $0xffff  }
0x39e: {  	[tilespmem:s5+$0x141A0] =	vst.add.f32.msk $0xffff, v1  }
0x39f: {  	[tilespmem:s5+$0x14020] =	vst.add.f32.msk $0xffff, v2  }
0x3a0: {  	[tilespmem:s5+$0x140A0] =	vst.add.f32.msk $0xffff, v3  }
0x3a1: {  	v1 =	vld.idx.msk [tilespmem:v0+s5+$0x1B0 ss:$0x1], $0xffff  }
0x3a2: {  	v2 =	vld.idx.msk [tilespmem:v0+s5+$0x30 ss:$0x1], $0xffff  }
0x3a3: {  	v3 =	vld.idx.msk [tilespmem:v0+s5+$0xB0 ss:$0x1], $0xffff  }
0x3a4: {  	[tilespmem:s5+$0x14120] =	vst.add.f32.msk $0xffff, v4  }
0x3a5: {  	v4 =	vld.idx.msk [tilespmem:v0+s5+$0x130 ss:$0x1], $0xffff  }
0x3a6: {  	[tilespmem:s5+$0x141B0] =	vst.add.f32.msk $0xffff, v1  }
0x3a7: {  	[tilespmem:s5+$0x14030] =	vst.add.f32.msk $0xffff, v2  }
0x3a8: {  	[tilespmem:s5+$0x140B0] =	vst.add.f32.msk $0xffff, v3  }
0x3a9: {  	v1 =	vld.idx.msk [tilespmem:v0+s5+$0x1C0 ss:$0x1], $0xffff  }
0x3aa: {  	v2 =	vld.idx.msk [tilespmem:v0+s5+$0x40 ss:$0x1], $0xffff  }
0x3ab: {  	v3 =	vld.idx.msk [tilespmem:v0+s5+$0xC0 ss:$0x1], $0xffff  }
0x3ac: {  	[tilespmem:s5+$0x14130] =	vst.add.f32.msk $0xffff, v4  }
0x3ad: {  	v4 =	vld.idx.msk [tilespmem:v0+s5+$0x140 ss:$0x1], $0xffff  }
0x3ae: {  	[tilespmem:s5+$0x141C0] =	vst.add.f32.msk $0xffff, v1  }
0x3af: {  	[tilespmem:s5+$0x14040] =	vst.add.f32.msk $0xffff, v2  }
0x3b0: {  	[tilespmem:s5+$0x140C0] =	vst.add.f32.msk $0xffff, v3  }
0x3b1: {  	v1 =	vld.idx.msk [tilespmem:v0+s5+$0x1D0 ss:$0x1], $0xffff  }
0x3b2: {  	v2 =	vld.idx.msk [tilespmem:v0+s5+$0x50 ss:$0x1], $0xffff  }
0x3b3: {  	[tilespmem:s5+$0x14140] =	vst.add.f32.msk $0xffff, v4  }
0x3b4: {  	v3 =	vld.idx.msk [tilespmem:v0+s5+$0xD0 ss:$0x1], $0xffff  }
0x3b5: {  	v4 =	vld.idx.msk [tilespmem:v0+s5+$0x150 ss:$0x1], $0xffff  }
0x3b6: {  	[tilespmem:s5+$0x141D0] =	vst.add.f32.msk $0xffff, v1  }
0x3b7: {  	[tilespmem:s5+$0x14050] =	vst.add.f32.msk $0xffff, v2  }
0x3b8: {  	v1 =	vld.idx.msk [tilespmem:v0+s5+$0x1E0 ss:$0x1], $0xffff  }
0x3b9: {  	[tilespmem:s5+$0x140D0] =	vst.add.f32.msk $0xffff, v3  }
0x3ba: {  	[tilespmem:s5+$0x14150] =	vst.add.f32.msk $0xffff, v4  }
0x3bb: {  	v2 =	vld.idx.msk [tilespmem:v0+s5+$0x60 ss:$0x1], $0xffff  }
0x3bc: {  	v5 =	vld.idx.msk [tilespmem:v0+s5+$0xE0 ss:$0x1], $0xffff  }
0x3bd: {  	s23 =	ssub.s32 $0xC8, s4;
	[tilespmem:s5+$0x141E0] =	vst.add.f32.msk $0xffff, v1  }
0x3be: {  	s9 =	smin.u32 s23, $0x80;
	v1 =	vld.idx.msk [tilespmem:v0+s5+$0x1F0 ss:$0x1], $0xffff  }
0x3bf: {  	p1 =	sgt.u32 s9, $0x4;
	v3 =	vld.idx.msk [tilespmem:v0+s5+$0x160 ss:$0x1], $0xffff  }
.Ltmp17:
0x3c0: {  	[tilespmem:s5+$0x14060] =	vst.add.f32.msk $0xffff, v2;
	(pc) =	sbr.rel @!p1 .LBB2_22-.Ltmp17, $4  }
0x3c1: {  	[tilespmem:s5+$0x140E0] =	vst.add.f32.msk $0xffff, v5  }
0x3c2: {  	v2 =	vld.idx.msk [tilespmem:v0+s5+$0x70 ss:$0x1], $0xffff  }
0x3c3: {  	[tilespmem:s5+$0x141F0] =	vst.add.f32.msk $0xffff, v1  }
0x3c4: {  	s13 =	simm.s32 $0x800;
	s12 =	simm.s32 $0x4;
	s23 =	smov.u32 s8;
	v1 =	vld.idx.msk [tilespmem:v0+s5+$0xF0 ss:$0x1], $0xffff  }
.LBB2_21:
0x3c5: {  	s2 =	sshra.s32 s13, $0x2;
	s12 =	sadd.s32 $0x4, s12;
	[tilespmem:s5+$0x14160] =	vst.add.f32.msk $0xffff, v3  }
0x3c6: {  	v3 =	vld.idx.msk [tilespmem:v0+s2+$0x180 ss:$0x1], $0xffff;
	p1 =	slt.u32 s12, s9  }
0x3c7: {  	v4 =	vld.idx.msk [tilespmem:v0+s2+$0x0 ss:$0x1], $0xffff  }
0x3c8: {  	v5 =	vld.idx.msk [tilespmem:v0+s2+$0x80 ss:$0x1], $0xffff  }
0x3c9: {  	v6 =	vld.idx.msk [tilespmem:v0+s2+$0x100 ss:$0x1], $0xffff  }
0x3ca: {  	v7 =	vld.idx.msk [tilespmem:v0+s5+$0x170 ss:$0x1], $0xffff  }
0x3cb: {  	[tilespmem:s5+$0x14070] =	vst.add.f32.msk $0xffff, v2  }
0x3cc: {  	[tilespmem:s2+$0x14180] =	vst.add.f32.msk $0xffff, v3  }
0x3cd: {  	v2 =	vld.idx.msk [tilespmem:v0+s2+$0x190 ss:$0x1], $0xffff  }
0x3ce: {  	[tilespmem:s2+$0x14000] =	vst.add.f32.msk $0xffff, v4  }
0x3cf: {  	[tilespmem:s2+$0x14080] =	vst.add.f32.msk $0xffff, v5  }
0x3d0: {  	[tilespmem:s2+$0x14100] =	vst.add.f32.msk $0xffff, v6  }
0x3d1: {  	v3 =	vld.idx.msk [tilespmem:v0+s2+$0x10 ss:$0x1], $0xffff  }
0x3d2: {  	v4 =	vld.idx.msk [tilespmem:v0+s2+$0x90 ss:$0x1], $0xffff  }
0x3d3: {  	[tilespmem:s2+$0x14190] =	vst.add.f32.msk $0xffff, v2  }
0x3d4: {  	v2 =	vld.idx.msk [tilespmem:v0+s2+$0x1A0 ss:$0x1], $0xffff  }
0x3d5: {  	v5 =	vld.idx.msk [tilespmem:v0+s2+$0x110 ss:$0x1], $0xffff  }
0x3d6: {  	[tilespmem:s5+$0x140F0] =	vst.add.f32.msk $0xffff, v1  }
0x3d7: {  	[tilespmem:s2+$0x14010] =	vst.add.f32.msk $0xffff, v3  }
0x3d8: {  	[tilespmem:s2+$0x14090] =	vst.add.f32.msk $0xffff, v4  }
0x3d9: {  	v1 =	vld.idx.msk [tilespmem:v0+s2+$0x20 ss:$0x1], $0xffff  }
0x3da: {  	[tilespmem:s2+$0x141A0] =	vst.add.f32.msk $0xffff, v2  }
0x3db: {  	v2 =	vld.idx.msk [tilespmem:v0+s2+$0x1B0 ss:$0x1], $0xffff  }
0x3dc: {  	[tilespmem:s2+$0x14110] =	vst.add.f32.msk $0xffff, v5  }
0x3dd: {  	v3 =	vld.idx.msk [tilespmem:v0+s2+$0xA0 ss:$0x1], $0xffff  }
0x3de: {  	v4 =	vld.idx.msk [tilespmem:v0+s2+$0x120 ss:$0x1], $0xffff  }
0x3df: {  	[tilespmem:s2+$0x14020] =	vst.add.f32.msk $0xffff, v1  }
0x3e0: {  	v1 =	vld.idx.msk [tilespmem:v0+s2+$0x30 ss:$0x1], $0xffff  }
0x3e1: {  	[tilespmem:s2+$0x141B0] =	vst.add.f32.msk $0xffff, v2  }
0x3e2: {  	v2 =	vld.idx.msk [tilespmem:v0+s2+$0x1C0 ss:$0x1], $0xffff  }
0x3e3: {  	[tilespmem:s2+$0x140A0] =	vst.add.f32.msk $0xffff, v3  }
0x3e4: {  	[tilespmem:s2+$0x14120] =	vst.add.f32.msk $0xffff, v4  }
0x3e5: {  	v3 =	vld.idx.msk [tilespmem:v0+s2+$0xB0 ss:$0x1], $0xffff  }
0x3e6: {  	v4 =	vld.idx.msk [tilespmem:v0+s2+$0x130 ss:$0x1], $0xffff  }
0x3e7: {  	[tilespmem:s2+$0x14030] =	vst.add.f32.msk $0xffff, v1  }
0x3e8: {  	[tilespmem:s2+$0x141C0] =	vst.add.f32.msk $0xffff, v2  }
0x3e9: {  	v1 =	vld.idx.msk [tilespmem:v0+s2+$0x1D0 ss:$0x1], $0xffff  }
0x3ea: {  	v2 =	vld.idx.msk [tilespmem:v0+s2+$0x40 ss:$0x1], $0xffff  }
0x3eb: {  	[tilespmem:s2+$0x140B0] =	vst.add.f32.msk $0xffff, v3  }
0x3ec: {  	[tilespmem:s2+$0x14130] =	vst.add.f32.msk $0xffff, v4  }
0x3ed: {  	v3 =	vld.idx.msk [tilespmem:v0+s2+$0xC0 ss:$0x1], $0xffff  }
0x3ee: {  	v4 =	vld.idx.msk [tilespmem:v0+s2+$0x140 ss:$0x1], $0xffff  }
0x3ef: {  	[tilespmem:s2+$0x141D0] =	vst.add.f32.msk $0xffff, v1  }
0x3f0: {  	v1 =	vld.idx.msk [tilespmem:v0+s2+$0x1E0 ss:$0x1], $0xffff  }
0x3f1: {  	[tilespmem:s2+$0x14040] =	vst.add.f32.msk $0xffff, v2  }
0x3f2: {  	v2 =	vld.idx.msk [tilespmem:v0+s2+$0x50 ss:$0x1], $0xffff  }
0x3f3: {  	[tilespmem:s2+$0x140C0] =	vst.add.f32.msk $0xffff, v3  }
0x3f4: {  	[tilespmem:s2+$0x14140] =	vst.add.f32.msk $0xffff, v4  }
0x3f5: {  	v3 =	vld.idx.msk [tilespmem:v0+s2+$0xD0 ss:$0x1], $0xffff  }
0x3f6: {  	[tilespmem:s2+$0x141E0] =	vst.add.f32.msk $0xffff, v1  }
0x3f7: {  	v1 =	vld.idx.msk [tilespmem:v0+s2+$0x1F0 ss:$0x1], $0xffff  }
0x3f8: {  	v4 =	vld.idx.msk [tilespmem:v0+s2+$0x150 ss:$0x1], $0xffff  }
0x3f9: {  	[tilespmem:s2+$0x14050] =	vst.add.f32.msk $0xffff, v2  }
0x3fa: {  	v2 =	vld.idx.msk [tilespmem:v0+s2+$0x60 ss:$0x1], $0xffff  }
0x3fb: {  	[tilespmem:s2+$0x140D0] =	vst.add.f32.msk $0xffff, v3  }
0x3fc: {  	v5 =	vld.idx.msk [tilespmem:v0+s2+$0xE0 ss:$0x1], $0xffff  }
0x3fd: {  	[tilespmem:s2+$0x141F0] =	vst.add.f32.msk $0xffff, v1  }
0x3fe: {  	[tilespmem:s2+$0x14150] =	vst.add.f32.msk $0xffff, v4  }
0x3ff: {  	v3 =	vld.idx.msk [tilespmem:v0+s2+$0x160 ss:$0x1], $0xffff  }
.Ltmp18:
0x400: {  	[tilespmem:s2+$0x14060] =	vst.add.f32.msk $0xffff, v2;
	(pc) =	sbr.rel @p1 .LBB2_21-.Ltmp18, $4  }
0x401: {  	v2 =	vld.idx.msk [tilespmem:v0+s2+$0x70 ss:$0x1], $0xffff  }
0x402: {  	[tilespmem:s2+$0x140E0] =	vst.add.f32.msk $0xffff, v5  }
0x403: {  	v1 =	vld.idx.msk [tilespmem:v0+s2+$0xF0 ss:$0x1], $0xffff  }
0x404: {  	s13 =	sadd.s32 $0x800, s13;
	[tilespmem:s5+$0x14170] =	vst.add.f32.msk $0xffff, v7;
	s5 =	smov.u32 s2  }
.LBB2_22:
0x405: {  	_ =	sdelay $0x2  }
0x406: {  	[tilespmem:s5+$0x14160] =	vst.add.f32.msk $0xffff, v3  }
0x407: {  	p1 =	sgt.u32 s4, $0x48;
	v0 =	vld.idx.msk [tilespmem:v0+s5+$0x170 ss:$0x1], $0xffff  }
.Ltmp19:
0x408: {  	_ = 	snop;
	(pc) =	sbr.rel @!p1 .LBB2_26-.Ltmp19, $4  }
0x409: {  	_ = 	snop  }
0x40a: {  	[tilespmem:s5+$0x14070] =	vst.add.f32.msk $0xffff, v2  }
0x40b: {  	[tilespmem:s5+$0x140F0] =	vst.add.f32.msk $0xffff, v1  }
0x40c: {  	s13 =	simm.s32 $0x14000;
	[tilespmem:s5+$0x14170] =	vst.add.f32.msk $0xffff, v0  }
0x40d: {  	s4 =	simm.s32 $0x0  }
0x40e: {  	v0 =	vld [tilespmem:s4+$0x1D80]  }
0x40f: {  	v1 =	vld [tilespmem:s4+$0x1C00]  }
0x410: {  	v2 =	vld [tilespmem:s4+$0x1C80];
	_ =	sdelay $0x1  }
0x411: {  	s5 =	sadd.s32 $0x0, s16;
	v3 =	vld [tilespmem:s4+$0x1D00]  }
0x412: {  	[tilespmem:s5+$0x180] =	vst.add.f32.msk $0xffff, v0  }
0x413: {  	[tilespmem:s5+$0x0] =	vst.add.f32.msk $0xffff, v1  }
0x414: {  	[tilespmem:s5+$0x80] =	vst.add.f32.msk $0xffff, v2  }
0x415: {  	v0 =	vld [tilespmem:s4+$0x1D90]  }
0x416: {  	[tilespmem:s5+$0x100] =	vst.add.f32.msk $0xffff, v3  }
0x417: {  	v1 =	vld [tilespmem:s4+$0x1C10]  }
0x418: {  	v2 =	vld [tilespmem:s4+$0x1C90]  }
0x419: {  	v3 =	vld [tilespmem:s4+$0x1D10]  }
0x41a: {  	[tilespmem:s5+$0x190] =	vst.add.f32.msk $0xffff, v0  }
0x41b: {  	v0 =	vld [tilespmem:s4+$0x1DA0]  }
0x41c: {  	[tilespmem:s5+$0x10] =	vst.add.f32.msk $0xffff, v1  }
0x41d: {  	[tilespmem:s5+$0x90] =	vst.add.f32.msk $0xffff, v2  }
0x41e: {  	v1 =	vld [tilespmem:s4+$0x1C20]  }
0x41f: {  	v2 =	vld [tilespmem:s4+$0x1CA0]  }
0x420: {  	[tilespmem:s5+$0x1A0] =	vst.add.f32.msk $0xffff, v0  }
0x421: {  	v0 =	vld [tilespmem:s4+$0x1DB0]  }
0x422: {  	[tilespmem:s5+$0x110] =	vst.add.f32.msk $0xffff, v3  }
0x423: {  	v3 =	vld [tilespmem:s4+$0x1D20]  }
0x424: {  	[tilespmem:s5+$0x20] =	vst.add.f32.msk $0xffff, v1  }
0x425: {  	[tilespmem:s5+$0xA0] =	vst.add.f32.msk $0xffff, v2  }
0x426: {  	[tilespmem:s5+$0x1B0] =	vst.add.f32.msk $0xffff, v0  }
0x427: {  	v0 =	vld [tilespmem:s4+$0x1DC0]  }
0x428: {  	[tilespmem:s5+$0x120] =	vst.add.f32.msk $0xffff, v3  }
0x429: {  	v1 =	vld [tilespmem:s4+$0x1C30]  }
0x42a: {  	v2 =	vld [tilespmem:s4+$0x1CB0]  }
0x42b: {  	v3 =	vld [tilespmem:s4+$0x1D30]  }
0x42c: {  	[tilespmem:s5+$0x1C0] =	vst.add.f32.msk $0xffff, v0  }
0x42d: {  	v0 =	vld [tilespmem:s4+$0x1DD0]  }
0x42e: {  	[tilespmem:s5+$0x30] =	vst.add.f32.msk $0xffff, v1  }
0x42f: {  	[tilespmem:s5+$0xB0] =	vst.add.f32.msk $0xffff, v2  }
0x430: {  	v1 =	vld [tilespmem:s4+$0x1C40]  }
0x431: {  	v2 =	vld [tilespmem:s4+$0x1CC0]  }
0x432: {  	[tilespmem:s5+$0x1D0] =	vst.add.f32.msk $0xffff, v0  }
0x433: {  	v0 =	vld [tilespmem:s4+$0x1DE0]  }
0x434: {  	[tilespmem:s5+$0x130] =	vst.add.f32.msk $0xffff, v3  }
0x435: {  	v3 =	vld [tilespmem:s4+$0x1D40]  }
0x436: {  	[tilespmem:s5+$0x40] =	vst.add.f32.msk $0xffff, v1  }
0x437: {  	[tilespmem:s5+$0xC0] =	vst.add.f32.msk $0xffff, v2  }
0x438: {  	[tilespmem:s5+$0x1E0] =	vst.add.f32.msk $0xffff, v0  }
0x439: {  	v0 =	vld [tilespmem:s4+$0x1C50]  }
0x43a: {  	[tilespmem:s5+$0x140] =	vst.add.f32.msk $0xffff, v3  }
0x43b: {  	v1 =	vld [tilespmem:s4+$0x1CD0]  }
0x43c: {  	v2 =	vld [tilespmem:s4+$0x1D50]  }
0x43d: {  	v3 =	vld [tilespmem:s4+$0x1DF0]  }
0x43e: {  	[tilespmem:s5+$0x50] =	vst.add.f32.msk $0xffff, v0  }
0x43f: {  	v0 =	vld [tilespmem:s4+$0x1C60];
	_ =	sdelay $0x1  }
0x440: {  	[tilespmem:s5+$0xD0] =	vst.add.f32.msk $0xffff, v1  }
0x441: {  	[tilespmem:s5+$0x150] =	vst.add.f32.msk $0xffff, v2  }
0x442: {  	[tilespmem:s5+$0x1F0] =	vst.add.f32.msk $0xffff, v3  }
0x443: {  	[tilespmem:s5+$0x60] =	vst.add.f32.msk $0xffff, v0  }
0x444: {  	v2 =	vld [tilespmem:s4+$0x1CE0];
	s0 =	rddreg [dreg:$0x10]  }
0x445: {  	v4 =	vld [tilespmem:s4+$0x1D60];
	s9 =	sadd.s32 $0x4, s0  }
0x446: {  	p1 =	slt.u32 s9, $0x7C  }
.Ltmp20:
0x447: {  	_ = 	snop;
	(pc) =	sbr.rel @!p1 .LBB2_25-.Ltmp20, $4  }
0x448: {  	v1 =	vld [tilespmem:s4+$0x1C70]  }
0x449: {  	[tilespmem:s5+$0xE0] =	vst.add.f32.msk $0xffff, v2  }
0x44a: {  	[tilespmem:s5+$0x160] =	vst.add.f32.msk $0xffff, v4  }
0x44b: {  	s12 =	simm.s32 $0x800;
	v0 =	vld [tilespmem:s4+$0x1CF0]  }
.LBB2_24:
0x44c: {  	s9 =	sadd.s32 $0x4, s9;
	v2 =	vld [tilespmem:s4+$0x1D70];
	s4 =	sshra.s32 s12, $0x2  }
0x44d: {  	v3 =	vld [tilespmem:s4+$0x1D80];
	p1 =	slt.u32 s9, $0x7C  }
0x44e: {  	v4 =	vld [tilespmem:s4+$0x1C00]  }
0x44f: {  	v5 =	vld [tilespmem:s4+$0x1C80]  }
0x450: {  	v6 =	vld [tilespmem:s4+$0x1D00]  }
0x451: {  	s2 =	sadd.s32 s4, s16;
	[tilespmem:s5+$0x70] =	vst.add.f32.msk $0xffff, v1  }
0x452: {  	[tilespmem:s2+$0x180] =	vst.add.f32.msk $0xffff, v3  }
0x453: {  	v1 =	vld [tilespmem:s4+$0x1D90]  }
0x454: {  	[tilespmem:s2+$0x0] =	vst.add.f32.msk $0xffff, v4  }
0x455: {  	[tilespmem:s2+$0x80] =	vst.add.f32.msk $0xffff, v5  }
0x456: {  	[tilespmem:s2+$0x100] =	vst.add.f32.msk $0xffff, v6  }
0x457: {  	v3 =	vld [tilespmem:s4+$0x1C10]  }
0x458: {  	[tilespmem:s2+$0x190] =	vst.add.f32.msk $0xffff, v1  }
0x459: {  	v1 =	vld [tilespmem:s4+$0x1DA0]  }
0x45a: {  	v4 =	vld [tilespmem:s4+$0x1C90]  }
0x45b: {  	v5 =	vld [tilespmem:s4+$0x1D10]  }
0x45c: {  	[tilespmem:s2+$0x10] =	vst.add.f32.msk $0xffff, v3  }
0x45d: {  	v3 =	vld [tilespmem:s4+$0x1C20]  }
0x45e: {  	[tilespmem:s2+$0x1A0] =	vst.add.f32.msk $0xffff, v1  }
0x45f: {  	v1 =	vld [tilespmem:s4+$0x1DB0]  }
0x460: {  	[tilespmem:s2+$0x90] =	vst.add.f32.msk $0xffff, v4  }
0x461: {  	[tilespmem:s2+$0x110] =	vst.add.f32.msk $0xffff, v5  }
0x462: {  	v4 =	vld [tilespmem:s4+$0x1CA0]  }
0x463: {  	v5 =	vld [tilespmem:s4+$0x1D20]  }
0x464: {  	[tilespmem:s2+$0x1B0] =	vst.add.f32.msk $0xffff, v1  }
0x465: {  	v1 =	vld [tilespmem:s4+$0x1DC0]  }
0x466: {  	[tilespmem:s2+$0x20] =	vst.add.f32.msk $0xffff, v3  }
0x467: {  	[tilespmem:s2+$0xA0] =	vst.add.f32.msk $0xffff, v4  }
0x468: {  	[tilespmem:s2+$0x120] =	vst.add.f32.msk $0xffff, v5  }
0x469: {  	v3 =	vld [tilespmem:s4+$0x1C30]  }
0x46a: {  	[tilespmem:s2+$0x1C0] =	vst.add.f32.msk $0xffff, v1  }
0x46b: {  	v1 =	vld [tilespmem:s4+$0x1DD0]  }
0x46c: {  	v4 =	vld [tilespmem:s4+$0x1CB0]  }
0x46d: {  	v5 =	vld [tilespmem:s4+$0x1D30]  }
0x46e: {  	[tilespmem:s2+$0x30] =	vst.add.f32.msk $0xffff, v3  }
0x46f: {  	v3 =	vld [tilespmem:s4+$0x1C40]  }
0x470: {  	[tilespmem:s2+$0x1D0] =	vst.add.f32.msk $0xffff, v1  }
0x471: {  	v1 =	vld [tilespmem:s4+$0x1DE0]  }
0x472: {  	[tilespmem:s2+$0xB0] =	vst.add.f32.msk $0xffff, v4  }
0x473: {  	[tilespmem:s2+$0x130] =	vst.add.f32.msk $0xffff, v5  }
0x474: {  	v4 =	vld [tilespmem:s4+$0x1CC0]  }
0x475: {  	v5 =	vld [tilespmem:s4+$0x1D40]  }
0x476: {  	[tilespmem:s2+$0x1E0] =	vst.add.f32.msk $0xffff, v1  }
0x477: {  	v1 =	vld [tilespmem:s4+$0x1DF0]  }
0x478: {  	[tilespmem:s2+$0x40] =	vst.add.f32.msk $0xffff, v3  }
0x479: {  	[tilespmem:s2+$0xC0] =	vst.add.f32.msk $0xffff, v4  }
0x47a: {  	[tilespmem:s2+$0x140] =	vst.add.f32.msk $0xffff, v5  }
0x47b: {  	v3 =	vld [tilespmem:s4+$0x1C50]  }
0x47c: {  	[tilespmem:s2+$0x1F0] =	vst.add.f32.msk $0xffff, v1  }
0x47d: {  	v1 =	vld [tilespmem:s4+$0x1CD0]  }
0x47e: {  	v4 =	vld [tilespmem:s4+$0x1D50]  }
0x47f: {  	[tilespmem:s5+$0xF0] =	vst.add.f32.msk $0xffff, v0  }
0x480: {  	[tilespmem:s2+$0x50] =	vst.add.f32.msk $0xffff, v3  }
0x481: {  	v0 =	vld [tilespmem:s4+$0x1C60]  }
0x482: {  	[tilespmem:s2+$0xD0] =	vst.add.f32.msk $0xffff, v1  }
0x483: {  	[tilespmem:s2+$0x150] =	vst.add.f32.msk $0xffff, v4  }
0x484: {  	v3 =	vld [tilespmem:s4+$0x1CE0]  }
0x485: {  	v4 =	vld [tilespmem:s4+$0x1D60]  }
0x486: {  	[tilespmem:s2+$0x60] =	vst.add.f32.msk $0xffff, v0  }
.Ltmp21:
0x487: {  	v1 =	vld [tilespmem:s4+$0x1C70];
	(pc) =	sbr.rel @p1 .LBB2_24-.Ltmp21, $4  }
0x488: {  	[tilespmem:s5+$0x170] =	vst.add.f32.msk $0xffff, v2;
	s5 =	smov.u32 s2  }
0x489: {  	[tilespmem:s5+$0xE0] =	vst.add.f32.msk $0xffff, v3  }
0x48a: {  	[tilespmem:s5+$0x160] =	vst.add.f32.msk $0xffff, v4  }
0x48b: {  	s12 =	sadd.s32 $0x800, s12;
	v0 =	vld [tilespmem:s4+$0x1CF0]  }
.LBB2_25:
0x48c: {  	v2 =	vld [tilespmem:s4+$0x1D70];
	_ =	sdelay $0x2  }
0x48d: {  	[tilespmem:s5+$0x70] =	vst.add.f32.msk $0xffff, v1  }
0x48e: {  	[tilespmem:s5+$0xF0] =	vst.add.f32.msk $0xffff, v0  }
0x48f: {  	[tilespmem:s5+$0x170] =	vst.add.f32.msk $0xffff, v2  }
.LBB2_26:
0x490: {  	s1 =	sadd.s32 s6, s1  }
0x491: {  	s1 =	sshll.u32 s1, $0xB  }
0x492: {  	s1 =	sand.u32 $0x1FFFF800, s1  }
0x493: {  	s1 =	sadd.s32 s31, s1  }
0x494: {  	[hbm4b:s1+s3] =	stream.linear.scatter [tilespmem:s13], [sflag:$0x9], $0x4000, $0x38;
	[tilespmem:$0x1C000] =	vst v63  }
0x495: {  	s1 =	simm.s32 @!p0 $0x8  }
0x496: {  	_ =	swait.ge @!p0 [sflag:s1], $0x4000  }
0x497: {  	s4 =	simm.s32 @!p0 $0x80;
	s5 =	simm.s32 @!p0 $0x10000;
	[sflag:s1] =	ssyncset.done @!p0 $0x0  }
0x498: {  	s0 =	simm.s32 $0x5;
	[sflag:s1] =	ssyncadd.s32 @!p0 $0xFFFFC000;
	s1 =	sadd.s32 @!p0 $0x380, s17  }
0x499: {  	[tilespmem:s5], [sflag:$0x3] =	stream.indirect.gather @!p0 [hbm4b:s30+s4], $0x80, s1, s4, $0xb8;
	[tilespmem:$0x1C000] =	vst v63  }
0x49a: {  	_ =	swait.ge [sflag:s0], $0x4000  }
0x49b: {  	s20 =	rddreg [dreg:$0xf]  }
0x49c: {  	v0 =	vmov s20;
	_ =	sdelay $0x2  }
0x49d: {  	[sflag:s0] =	ssyncset.done $0x0  }
0x49e: {  	s4 =	simm.s32 $0x0;
	[sflag:s0] =	ssyncadd.s32 $0xFFFFC000  }
0x49f: {  	v1 =	vld.idx.msk [tilespmem:v0+s4+$0x180 ss:$0x1], $0xffff  }
0x4a0: {  	v2 =	vld.idx.msk [tilespmem:v0+s4+$0x0 ss:$0x1], $0xffff  }
0x4a1: {  	v3 =	vld.idx.msk [tilespmem:v0+s4+$0x80 ss:$0x1], $0xffff;
	_ =	sdelay $0x1  }
0x4a2: {  	v4 =	vld.idx.msk [tilespmem:v0+s4+$0x100 ss:$0x1], $0xffff  }
0x4a3: {  	[tilespmem:s4+$0x18180] =	vst.add.f32.msk $0xffff, v1  }
0x4a4: {  	[tilespmem:s4+$0x18000] =	vst.add.f32.msk $0xffff, v2  }
0x4a5: {  	[tilespmem:s4+$0x18080] =	vst.add.f32.msk $0xffff, v3  }
0x4a6: {  	v1 =	vld.idx.msk [tilespmem:v0+s4+$0x190 ss:$0x1], $0xffff  }
0x4a7: {  	v2 =	vld.idx.msk [tilespmem:v0+s4+$0x10 ss:$0x1], $0xffff  }
0x4a8: {  	v3 =	vld.idx.msk [tilespmem:v0+s4+$0x90 ss:$0x1], $0xffff  }
0x4a9: {  	[tilespmem:s4+$0x18100] =	vst.add.f32.msk $0xffff, v4  }
0x4aa: {  	v4 =	vld.idx.msk [tilespmem:v0+s4+$0x110 ss:$0x1], $0xffff  }
0x4ab: {  	[tilespmem:s4+$0x18190] =	vst.add.f32.msk $0xffff, v1  }
0x4ac: {  	[tilespmem:s4+$0x18010] =	vst.add.f32.msk $0xffff, v2  }
0x4ad: {  	[tilespmem:s4+$0x18090] =	vst.add.f32.msk $0xffff, v3  }
0x4ae: {  	v1 =	vld.idx.msk [tilespmem:v0+s4+$0x1A0 ss:$0x1], $0xffff  }
0x4af: {  	v2 =	vld.idx.msk [tilespmem:v0+s4+$0x20 ss:$0x1], $0xffff  }
0x4b0: {  	v3 =	vld.idx.msk [tilespmem:v0+s4+$0xA0 ss:$0x1], $0xffff  }
0x4b1: {  	[tilespmem:s4+$0x18110] =	vst.add.f32.msk $0xffff, v4  }
0x4b2: {  	v4 =	vld.idx.msk [tilespmem:v0+s4+$0x120 ss:$0x1], $0xffff  }
0x4b3: {  	[tilespmem:s4+$0x181A0] =	vst.add.f32.msk $0xffff, v1  }
0x4b4: {  	[tilespmem:s4+$0x18020] =	vst.add.f32.msk $0xffff, v2  }
0x4b5: {  	[tilespmem:s4+$0x180A0] =	vst.add.f32.msk $0xffff, v3  }
0x4b6: {  	v1 =	vld.idx.msk [tilespmem:v0+s4+$0x1B0 ss:$0x1], $0xffff  }
0x4b7: {  	v2 =	vld.idx.msk [tilespmem:v0+s4+$0x30 ss:$0x1], $0xffff  }
0x4b8: {  	v3 =	vld.idx.msk [tilespmem:v0+s4+$0xB0 ss:$0x1], $0xffff  }
0x4b9: {  	[tilespmem:s4+$0x18120] =	vst.add.f32.msk $0xffff, v4  }
0x4ba: {  	v4 =	vld.idx.msk [tilespmem:v0+s4+$0x130 ss:$0x1], $0xffff  }
0x4bb: {  	[tilespmem:s4+$0x181B0] =	vst.add.f32.msk $0xffff, v1  }
0x4bc: {  	[tilespmem:s4+$0x18030] =	vst.add.f32.msk $0xffff, v2  }
0x4bd: {  	[tilespmem:s4+$0x180B0] =	vst.add.f32.msk $0xffff, v3  }
0x4be: {  	v1 =	vld.idx.msk [tilespmem:v0+s4+$0x1C0 ss:$0x1], $0xffff  }
0x4bf: {  	v2 =	vld.idx.msk [tilespmem:v0+s4+$0x40 ss:$0x1], $0xffff  }
0x4c0: {  	v3 =	vld.idx.msk [tilespmem:v0+s4+$0xC0 ss:$0x1], $0xffff  }
0x4c1: {  	[tilespmem:s4+$0x18130] =	vst.add.f32.msk $0xffff, v4  }
0x4c2: {  	v4 =	vld.idx.msk [tilespmem:v0+s4+$0x140 ss:$0x1], $0xffff  }
0x4c3: {  	[tilespmem:s4+$0x181C0] =	vst.add.f32.msk $0xffff, v1  }
0x4c4: {  	[tilespmem:s4+$0x18040] =	vst.add.f32.msk $0xffff, v2  }
0x4c5: {  	[tilespmem:s4+$0x180C0] =	vst.add.f32.msk $0xffff, v3  }
0x4c6: {  	v1 =	vld.idx.msk [tilespmem:v0+s4+$0x1D0 ss:$0x1], $0xffff  }
0x4c7: {  	[tilespmem:s4+$0x18140] =	vst.add.f32.msk $0xffff, v4  }
0x4c8: {  	v2 =	vld.idx.msk [tilespmem:v0+s4+$0x50 ss:$0x1], $0xffff  }
0x4c9: {  	v3 =	vld.idx.msk [tilespmem:v0+s4+$0xD0 ss:$0x1], $0xffff  }
0x4ca: {  	v4 =	vld.idx.msk [tilespmem:v0+s4+$0x150 ss:$0x1], $0xffff  }
0x4cb: {  	[tilespmem:s4+$0x181D0] =	vst.add.f32.msk $0xffff, v1  }
0x4cc: {  	s2 =	smulhi.u32 $0x51EB851F, s19;
	v1 =	vld.idx.msk [tilespmem:v0+s4+$0x1E0 ss:$0x1], $0xffff  }
0x4cd: {  	[tilespmem:s4+$0x18050] =	vst.add.f32.msk $0xffff, v2  }
0x4ce: {  	s2 =	sshrl.u32 s2, $0x6;
	[tilespmem:s4+$0x180D0] =	vst.add.f32.msk $0xffff, v3  }
0x4cf: {  	s2 =	smul.u32 $0xC8, s2;
	v2 =	vld.idx.msk [tilespmem:v0+s4+$0x60 ss:$0x1], $0xffff  }
0x4d0: {  	v5 =	vld.idx.msk [tilespmem:v0+s4+$0xE0 ss:$0x1], $0xffff  }
0x4d1: {  	s1 =	ssub.s32 s19, s2;
	[tilespmem:s4+$0x181E0] =	vst.add.f32.msk $0xffff, v1  }
0x4d2: {  	s2 =	ssub.s32 $0xC8, s1;
	v1 =	vld.idx.msk [tilespmem:v0+s4+$0x1F0 ss:$0x1], $0xffff  }
0x4d3: {  	s5 =	smin.u32 s2, $0x80;
	[tilespmem:s4+$0x18150] =	vst.add.f32.msk $0xffff, v4  }
0x4d4: {  	p1 =	sgt.u32 s5, $0x4;
	v3 =	vld.idx.msk [tilespmem:v0+s4+$0x160 ss:$0x1], $0xffff  }
.Ltmp22:
0x4d5: {  	[tilespmem:s4+$0x18060] =	vst.add.f32.msk $0xffff, v2;
	(pc) =	sbr.rel @!p1 .LBB2_28-.Ltmp22, $4  }
0x4d6: {  	[tilespmem:s4+$0x180E0] =	vst.add.f32.msk $0xffff, v5  }
0x4d7: {  	[tilespmem:s4+$0x181F0] =	vst.add.f32.msk $0xffff, v1  }
0x4d8: {  	v2 =	vld.idx.msk [tilespmem:v0+s4+$0x70 ss:$0x1], $0xffff;
	s19 =	rddreg [dreg:$0x8]  }
0x4d9: {  	s9 =	simm.s32 $0x4;
	s12 =	simm.s32 $0x800;
	v1 =	vld.idx.msk [tilespmem:v0+s4+$0xF0 ss:$0x1], $0xffff;
	s16 =	rddreg [dreg:$0xd]  }
.LBB2_27:
0x4da: {  	s2 =	sshra.s32 s12, $0x2;
	s9 =	sadd.s32 $0x4, s9;
	[tilespmem:s4+$0x18160] =	vst.add.f32.msk $0xffff, v3  }
0x4db: {  	v3 =	vld.idx.msk [tilespmem:v0+s2+$0x180 ss:$0x1], $0xffff;
	p1 =	slt.u32 s9, s5  }
0x4dc: {  	v4 =	vld.idx.msk [tilespmem:v0+s2+$0x0 ss:$0x1], $0xffff  }
0x4dd: {  	v5 =	vld.idx.msk [tilespmem:v0+s2+$0x80 ss:$0x1], $0xffff  }
0x4de: {  	v6 =	vld.idx.msk [tilespmem:v0+s2+$0x100 ss:$0x1], $0xffff  }
0x4df: {  	v7 =	vld.idx.msk [tilespmem:v0+s4+$0x170 ss:$0x1], $0xffff  }
0x4e0: {  	[tilespmem:s4+$0x18070] =	vst.add.f32.msk $0xffff, v2  }
0x4e1: {  	[tilespmem:s2+$0x18180] =	vst.add.f32.msk $0xffff, v3  }
0x4e2: {  	v2 =	vld.idx.msk [tilespmem:v0+s2+$0x190 ss:$0x1], $0xffff  }
0x4e3: {  	[tilespmem:s2+$0x18000] =	vst.add.f32.msk $0xffff, v4  }
0x4e4: {  	[tilespmem:s2+$0x18080] =	vst.add.f32.msk $0xffff, v5  }
0x4e5: {  	[tilespmem:s2+$0x18100] =	vst.add.f32.msk $0xffff, v6  }
0x4e6: {  	v3 =	vld.idx.msk [tilespmem:v0+s2+$0x10 ss:$0x1], $0xffff  }
0x4e7: {  	v4 =	vld.idx.msk [tilespmem:v0+s2+$0x90 ss:$0x1], $0xffff  }
0x4e8: {  	[tilespmem:s2+$0x18190] =	vst.add.f32.msk $0xffff, v2  }
0x4e9: {  	v2 =	vld.idx.msk [tilespmem:v0+s2+$0x1A0 ss:$0x1], $0xffff  }
0x4ea: {  	v5 =	vld.idx.msk [tilespmem:v0+s2+$0x110 ss:$0x1], $0xffff  }
0x4eb: {  	[tilespmem:s4+$0x180F0] =	vst.add.f32.msk $0xffff, v1  }
0x4ec: {  	[tilespmem:s2+$0x18010] =	vst.add.f32.msk $0xffff, v3  }
0x4ed: {  	[tilespmem:s2+$0x18090] =	vst.add.f32.msk $0xffff, v4  }
0x4ee: {  	v1 =	vld.idx.msk [tilespmem:v0+s2+$0x20 ss:$0x1], $0xffff  }
0x4ef: {  	[tilespmem:s2+$0x181A0] =	vst.add.f32.msk $0xffff, v2  }
0x4f0: {  	v2 =	vld.idx.msk [tilespmem:v0+s2+$0x1B0 ss:$0x1], $0xffff  }
0x4f1: {  	[tilespmem:s2+$0x18110] =	vst.add.f32.msk $0xffff, v5  }
0x4f2: {  	v3 =	vld.idx.msk [tilespmem:v0+s2+$0xA0 ss:$0x1], $0xffff  }
0x4f3: {  	v4 =	vld.idx.msk [tilespmem:v0+s2+$0x120 ss:$0x1], $0xffff  }
0x4f4: {  	[tilespmem:s2+$0x18020] =	vst.add.f32.msk $0xffff, v1  }
0x4f5: {  	v1 =	vld.idx.msk [tilespmem:v0+s2+$0x30 ss:$0x1], $0xffff  }
0x4f6: {  	[tilespmem:s2+$0x181B0] =	vst.add.f32.msk $0xffff, v2  }
0x4f7: {  	v2 =	vld.idx.msk [tilespmem:v0+s2+$0x1C0 ss:$0x1], $0xffff  }
0x4f8: {  	[tilespmem:s2+$0x180A0] =	vst.add.f32.msk $0xffff, v3  }
0x4f9: {  	[tilespmem:s2+$0x18120] =	vst.add.f32.msk $0xffff, v4  }
0x4fa: {  	v3 =	vld.idx.msk [tilespmem:v0+s2+$0xB0 ss:$0x1], $0xffff  }
0x4fb: {  	v4 =	vld.idx.msk [tilespmem:v0+s2+$0x130 ss:$0x1], $0xffff  }
0x4fc: {  	[tilespmem:s2+$0x18030] =	vst.add.f32.msk $0xffff, v1  }
0x4fd: {  	[tilespmem:s2+$0x181C0] =	vst.add.f32.msk $0xffff, v2  }
0x4fe: {  	v1 =	vld.idx.msk [tilespmem:v0+s2+$0x1D0 ss:$0x1], $0xffff  }
0x4ff: {  	v2 =	vld.idx.msk [tilespmem:v0+s2+$0x40 ss:$0x1], $0xffff  }
0x500: {  	[tilespmem:s2+$0x180B0] =	vst.add.f32.msk $0xffff, v3  }
0x501: {  	[tilespmem:s2+$0x18130] =	vst.add.f32.msk $0xffff, v4  }
0x502: {  	v3 =	vld.idx.msk [tilespmem:v0+s2+$0xC0 ss:$0x1], $0xffff  }
0x503: {  	v4 =	vld.idx.msk [tilespmem:v0+s2+$0x140 ss:$0x1], $0xffff  }
0x504: {  	[tilespmem:s2+$0x181D0] =	vst.add.f32.msk $0xffff, v1  }
0x505: {  	v1 =	vld.idx.msk [tilespmem:v0+s2+$0x1E0 ss:$0x1], $0xffff  }
0x506: {  	[tilespmem:s2+$0x18040] =	vst.add.f32.msk $0xffff, v2  }
0x507: {  	v2 =	vld.idx.msk [tilespmem:v0+s2+$0x50 ss:$0x1], $0xffff  }
0x508: {  	[tilespmem:s2+$0x180C0] =	vst.add.f32.msk $0xffff, v3  }
0x509: {  	[tilespmem:s2+$0x18140] =	vst.add.f32.msk $0xffff, v4  }
0x50a: {  	v3 =	vld.idx.msk [tilespmem:v0+s2+$0xD0 ss:$0x1], $0xffff  }
0x50b: {  	[tilespmem:s2+$0x181E0] =	vst.add.f32.msk $0xffff, v1  }
0x50c: {  	v1 =	vld.idx.msk [tilespmem:v0+s2+$0x1F0 ss:$0x1], $0xffff  }
0x50d: {  	v4 =	vld.idx.msk [tilespmem:v0+s2+$0x150 ss:$0x1], $0xffff  }
0x50e: {  	[tilespmem:s2+$0x18050] =	vst.add.f32.msk $0xffff, v2  }
0x50f: {  	v2 =	vld.idx.msk [tilespmem:v0+s2+$0x60 ss:$0x1], $0xffff  }
0x510: {  	[tilespmem:s2+$0x180D0] =	vst.add.f32.msk $0xffff, v3  }
0x511: {  	v5 =	vld.idx.msk [tilespmem:v0+s2+$0xE0 ss:$0x1], $0xffff  }
0x512: {  	[tilespmem:s2+$0x181F0] =	vst.add.f32.msk $0xffff, v1  }
0x513: {  	[tilespmem:s2+$0x18150] =	vst.add.f32.msk $0xffff, v4  }
0x514: {  	v3 =	vld.idx.msk [tilespmem:v0+s2+$0x160 ss:$0x1], $0xffff  }
.Ltmp23:
0x515: {  	[tilespmem:s2+$0x18060] =	vst.add.f32.msk $0xffff, v2;
	(pc) =	sbr.rel @p1 .LBB2_27-.Ltmp23, $4  }
0x516: {  	v2 =	vld.idx.msk [tilespmem:v0+s2+$0x70 ss:$0x1], $0xffff  }
0x517: {  	[tilespmem:s2+$0x180E0] =	vst.add.f32.msk $0xffff, v5  }
0x518: {  	v1 =	vld.idx.msk [tilespmem:v0+s2+$0xF0 ss:$0x1], $0xffff  }
0x519: {  	s12 =	sadd.s32 $0x800, s12;
	[tilespmem:s4+$0x18170] =	vst.add.f32.msk $0xffff, v7;
	s4 =	smov.u32 s2  }
.LBB2_28:
0x51a: {  	_ =	sdelay $0x2  }
0x51b: {  	[tilespmem:s4+$0x18160] =	vst.add.f32.msk $0xffff, v3  }
0x51c: {  	v0 =	vld.idx.msk [tilespmem:v0+s4+$0x170 ss:$0x1], $0xffff  }
0x51d: {  	p1 =	sgt.u32 s1, $0x48  }
.Ltmp24:
0x51e: {  	_ = 	snop;
	(pc) =	sbr.rel @!p1 .LBB2_32-.Ltmp24, $4  }
0x51f: {  	[tilespmem:s4+$0x18070] =	vst.add.f32.msk $0xffff, v2  }
0x520: {  	[tilespmem:s4+$0x180F0] =	vst.add.f32.msk $0xffff, v1  }
0x521: {  	[tilespmem:s4+$0x18170] =	vst.add.f32.msk $0xffff, v0  }
0x522: {  	s12 =	rddreg [dreg:$0xa]  }
0x523: {  	s1 =	simm.s32 $0x0  }
0x524: {  	v0 =	vld [tilespmem:s1+$0x1D80]  }
0x525: {  	v1 =	vld [tilespmem:s1+$0x1C00]  }
0x526: {  	v2 =	vld [tilespmem:s1+$0x1C80];
	_ =	sdelay $0x1  }
0x527: {  	s4 =	sadd.s32 $0x0, s11;
	v3 =	vld [tilespmem:s1+$0x1D00]  }
0x528: {  	[tilespmem:s4+$0x180] =	vst.add.f32.msk $0xffff, v0  }
0x529: {  	[tilespmem:s4+$0x0] =	vst.add.f32.msk $0xffff, v1  }
0x52a: {  	[tilespmem:s4+$0x80] =	vst.add.f32.msk $0xffff, v2  }
0x52b: {  	v0 =	vld [tilespmem:s1+$0x1D90]  }
0x52c: {  	[tilespmem:s4+$0x100] =	vst.add.f32.msk $0xffff, v3  }
0x52d: {  	v1 =	vld [tilespmem:s1+$0x1C10]  }
0x52e: {  	v2 =	vld [tilespmem:s1+$0x1C90]  }
0x52f: {  	v3 =	vld [tilespmem:s1+$0x1D10]  }
0x530: {  	[tilespmem:s4+$0x190] =	vst.add.f32.msk $0xffff, v0  }
0x531: {  	v0 =	vld [tilespmem:s1+$0x1DA0]  }
0x532: {  	[tilespmem:s4+$0x10] =	vst.add.f32.msk $0xffff, v1  }
0x533: {  	[tilespmem:s4+$0x90] =	vst.add.f32.msk $0xffff, v2  }
0x534: {  	v1 =	vld [tilespmem:s1+$0x1C20]  }
0x535: {  	v2 =	vld [tilespmem:s1+$0x1CA0]  }
0x536: {  	[tilespmem:s4+$0x1A0] =	vst.add.f32.msk $0xffff, v0  }
0x537: {  	v0 =	vld [tilespmem:s1+$0x1DB0]  }
0x538: {  	[tilespmem:s4+$0x110] =	vst.add.f32.msk $0xffff, v3  }
0x539: {  	v3 =	vld [tilespmem:s1+$0x1D20]  }
0x53a: {  	[tilespmem:s4+$0x20] =	vst.add.f32.msk $0xffff, v1  }
0x53b: {  	[tilespmem:s4+$0xA0] =	vst.add.f32.msk $0xffff, v2  }
0x53c: {  	[tilespmem:s4+$0x1B0] =	vst.add.f32.msk $0xffff, v0  }
0x53d: {  	v0 =	vld [tilespmem:s1+$0x1DC0]  }
0x53e: {  	[tilespmem:s4+$0x120] =	vst.add.f32.msk $0xffff, v3  }
0x53f: {  	v1 =	vld [tilespmem:s1+$0x1C30]  }
0x540: {  	v2 =	vld [tilespmem:s1+$0x1CB0]  }
0x541: {  	v3 =	vld [tilespmem:s1+$0x1D30]  }
0x542: {  	[tilespmem:s4+$0x1C0] =	vst.add.f32.msk $0xffff, v0  }
0x543: {  	v0 =	vld [tilespmem:s1+$0x1DD0]  }
0x544: {  	[tilespmem:s4+$0x30] =	vst.add.f32.msk $0xffff, v1  }
0x545: {  	[tilespmem:s4+$0xB0] =	vst.add.f32.msk $0xffff, v2  }
0x546: {  	v1 =	vld [tilespmem:s1+$0x1C40]  }
0x547: {  	v2 =	vld [tilespmem:s1+$0x1CC0]  }
0x548: {  	[tilespmem:s4+$0x1D0] =	vst.add.f32.msk $0xffff, v0  }
0x549: {  	v0 =	vld [tilespmem:s1+$0x1DE0]  }
0x54a: {  	[tilespmem:s4+$0x130] =	vst.add.f32.msk $0xffff, v3  }
0x54b: {  	v3 =	vld [tilespmem:s1+$0x1D40]  }
0x54c: {  	[tilespmem:s4+$0x40] =	vst.add.f32.msk $0xffff, v1  }
0x54d: {  	[tilespmem:s4+$0xC0] =	vst.add.f32.msk $0xffff, v2  }
0x54e: {  	[tilespmem:s4+$0x1E0] =	vst.add.f32.msk $0xffff, v0  }
0x54f: {  	v0 =	vld [tilespmem:s1+$0x1C50]  }
0x550: {  	[tilespmem:s4+$0x140] =	vst.add.f32.msk $0xffff, v3  }
0x551: {  	v1 =	vld [tilespmem:s1+$0x1CD0]  }
0x552: {  	v2 =	vld [tilespmem:s1+$0x1D50]  }
0x553: {  	v3 =	vld [tilespmem:s1+$0x1DF0]  }
0x554: {  	[tilespmem:s4+$0x50] =	vst.add.f32.msk $0xffff, v0  }
0x555: {  	v0 =	vld [tilespmem:s1+$0x1C60];
	_ =	sdelay $0x1  }
0x556: {  	[tilespmem:s4+$0xD0] =	vst.add.f32.msk $0xffff, v1  }
0x557: {  	[tilespmem:s4+$0x150] =	vst.add.f32.msk $0xffff, v2  }
0x558: {  	[tilespmem:s4+$0x1F0] =	vst.add.f32.msk $0xffff, v3  }
0x559: {  	[tilespmem:s4+$0x60] =	vst.add.f32.msk $0xffff, v0  }
0x55a: {  	v2 =	vld [tilespmem:s1+$0x1CE0];
	s0 =	rddreg [dreg:$0xe]  }
0x55b: {  	v4 =	vld [tilespmem:s1+$0x1D60];
	s5 =	sadd.s32 $0x4, s0  }
0x55c: {  	p1 =	slt.u32 s5, $0x7C  }
.Ltmp25:
0x55d: {  	_ = 	snop;
	(pc) =	sbr.rel @!p1 .LBB2_31-.Ltmp25, $4  }
0x55e: {  	v1 =	vld [tilespmem:s1+$0x1C70]  }
0x55f: {  	[tilespmem:s4+$0xE0] =	vst.add.f32.msk $0xffff, v2  }
0x560: {  	[tilespmem:s4+$0x160] =	vst.add.f32.msk $0xffff, v4  }
0x561: {  	s9 =	simm.s32 $0x800;
	v0 =	vld [tilespmem:s1+$0x1CF0]  }
.LBB2_30:
0x562: {  	s5 =	sadd.s32 $0x4, s5;
	v2 =	vld [tilespmem:s1+$0x1D70];
	s1 =	sshra.s32 s9, $0x2  }
0x563: {  	v3 =	vld [tilespmem:s1+$0x1D80];
	p1 =	slt.u32 s5, $0x7C  }
0x564: {  	v4 =	vld [tilespmem:s1+$0x1C00]  }
0x565: {  	v5 =	vld [tilespmem:s1+$0x1C80]  }
0x566: {  	v6 =	vld [tilespmem:s1+$0x1D00]  }
0x567: {  	s2 =	sadd.s32 s1, s11;
	[tilespmem:s4+$0x70] =	vst.add.f32.msk $0xffff, v1  }
0x568: {  	[tilespmem:s2+$0x180] =	vst.add.f32.msk $0xffff, v3  }
0x569: {  	v1 =	vld [tilespmem:s1+$0x1D90]  }
0x56a: {  	[tilespmem:s2+$0x0] =	vst.add.f32.msk $0xffff, v4  }
0x56b: {  	[tilespmem:s2+$0x80] =	vst.add.f32.msk $0xffff, v5  }
0x56c: {  	[tilespmem:s2+$0x100] =	vst.add.f32.msk $0xffff, v6  }
0x56d: {  	v3 =	vld [tilespmem:s1+$0x1C10]  }
0x56e: {  	[tilespmem:s2+$0x190] =	vst.add.f32.msk $0xffff, v1  }
0x56f: {  	v1 =	vld [tilespmem:s1+$0x1DA0]  }
0x570: {  	v4 =	vld [tilespmem:s1+$0x1C90]  }
0x571: {  	v5 =	vld [tilespmem:s1+$0x1D10]  }
0x572: {  	[tilespmem:s2+$0x10] =	vst.add.f32.msk $0xffff, v3  }
0x573: {  	v3 =	vld [tilespmem:s1+$0x1C20]  }
0x574: {  	[tilespmem:s2+$0x1A0] =	vst.add.f32.msk $0xffff, v1  }
0x575: {  	v1 =	vld [tilespmem:s1+$0x1DB0]  }
0x576: {  	[tilespmem:s2+$0x90] =	vst.add.f32.msk $0xffff, v4  }
0x577: {  	[tilespmem:s2+$0x110] =	vst.add.f32.msk $0xffff, v5  }
0x578: {  	v4 =	vld [tilespmem:s1+$0x1CA0]  }
0x579: {  	v5 =	vld [tilespmem:s1+$0x1D20]  }
0x57a: {  	[tilespmem:s2+$0x1B0] =	vst.add.f32.msk $0xffff, v1  }
0x57b: {  	v1 =	vld [tilespmem:s1+$0x1DC0]  }
0x57c: {  	[tilespmem:s2+$0x20] =	vst.add.f32.msk $0xffff, v3  }
0x57d: {  	[tilespmem:s2+$0xA0] =	vst.add.f32.msk $0xffff, v4  }
0x57e: {  	[tilespmem:s2+$0x120] =	vst.add.f32.msk $0xffff, v5  }
0x57f: {  	v3 =	vld [tilespmem:s1+$0x1C30]  }
0x580: {  	[tilespmem:s2+$0x1C0] =	vst.add.f32.msk $0xffff, v1  }
0x581: {  	v1 =	vld [tilespmem:s1+$0x1DD0]  }
0x582: {  	v4 =	vld [tilespmem:s1+$0x1CB0]  }
0x583: {  	v5 =	vld [tilespmem:s1+$0x1D30]  }
0x584: {  	[tilespmem:s2+$0x30] =	vst.add.f32.msk $0xffff, v3  }
0x585: {  	v3 =	vld [tilespmem:s1+$0x1C40]  }
0x586: {  	[tilespmem:s2+$0x1D0] =	vst.add.f32.msk $0xffff, v1  }
0x587: {  	v1 =	vld [tilespmem:s1+$0x1DE0]  }
0x588: {  	[tilespmem:s2+$0xB0] =	vst.add.f32.msk $0xffff, v4  }
0x589: {  	[tilespmem:s2+$0x130] =	vst.add.f32.msk $0xffff, v5  }
0x58a: {  	v4 =	vld [tilespmem:s1+$0x1CC0]  }
0x58b: {  	v5 =	vld [tilespmem:s1+$0x1D40]  }
0x58c: {  	[tilespmem:s2+$0x1E0] =	vst.add.f32.msk $0xffff, v1  }
0x58d: {  	v1 =	vld [tilespmem:s1+$0x1DF0]  }
0x58e: {  	[tilespmem:s2+$0x40] =	vst.add.f32.msk $0xffff, v3  }
0x58f: {  	[tilespmem:s2+$0xC0] =	vst.add.f32.msk $0xffff, v4  }
0x590: {  	[tilespmem:s2+$0x140] =	vst.add.f32.msk $0xffff, v5  }
0x591: {  	v3 =	vld [tilespmem:s1+$0x1C50]  }
0x592: {  	[tilespmem:s2+$0x1F0] =	vst.add.f32.msk $0xffff, v1  }
0x593: {  	v1 =	vld [tilespmem:s1+$0x1CD0]  }
0x594: {  	v4 =	vld [tilespmem:s1+$0x1D50]  }
0x595: {  	[tilespmem:s4+$0xF0] =	vst.add.f32.msk $0xffff, v0  }
0x596: {  	[tilespmem:s2+$0x50] =	vst.add.f32.msk $0xffff, v3  }
0x597: {  	v0 =	vld [tilespmem:s1+$0x1C60]  }
0x598: {  	[tilespmem:s2+$0xD0] =	vst.add.f32.msk $0xffff, v1  }
0x599: {  	[tilespmem:s2+$0x150] =	vst.add.f32.msk $0xffff, v4  }
0x59a: {  	v3 =	vld [tilespmem:s1+$0x1CE0]  }
0x59b: {  	v4 =	vld [tilespmem:s1+$0x1D60]  }
0x59c: {  	[tilespmem:s2+$0x60] =	vst.add.f32.msk $0xffff, v0  }
.Ltmp26:
0x59d: {  	v1 =	vld [tilespmem:s1+$0x1C70];
	(pc) =	sbr.rel @p1 .LBB2_30-.Ltmp26, $4  }
0x59e: {  	[tilespmem:s4+$0x170] =	vst.add.f32.msk $0xffff, v2;
	s4 =	smov.u32 s2  }
0x59f: {  	[tilespmem:s4+$0xE0] =	vst.add.f32.msk $0xffff, v3  }
0x5a0: {  	[tilespmem:s4+$0x160] =	vst.add.f32.msk $0xffff, v4  }
0x5a1: {  	s9 =	sadd.s32 $0x800, s9;
	v0 =	vld [tilespmem:s1+$0x1CF0]  }
.LBB2_31:
0x5a2: {  	v2 =	vld [tilespmem:s1+$0x1D70];
	_ =	sdelay $0x2  }
0x5a3: {  	[tilespmem:s4+$0x70] =	vst.add.f32.msk $0xffff, v1  }
0x5a4: {  	[tilespmem:s4+$0xF0] =	vst.add.f32.msk $0xffff, v0  }
0x5a5: {  	[tilespmem:s4+$0x170] =	vst.add.f32.msk $0xffff, v2  }
.LBB2_32:
.Ltmp27:
0x5a6: {  	s1 =	sadd.s32 s6, s15;
	(pc) =	sbr.rel @p0 .LBB2_34-.Ltmp27, $4  }
0x5a7: {  	s1 =	sshll.u32 s1, $0xB  }
0x5a8: {  	s1 =	sand.u32 $0x1FFFF800, s1  }
0x5a9: {  	s1 =	sadd.s32 s31, s1  }
0x5aa: {  	[hbm4b:s1+s3] =	stream.linear.scatter [tilespmem:s7], [sflag:$0xA], $0x4000, $0x38;
	[tilespmem:$0x1C000] =	vst v63  }
0x5ab: {  	s7 =	simm.s32 $0x0;
	s1 =	smul.u32 $0xA00, s10  }
0x5ac: {  	s0 =	simm.s32 $0x9;
	s18 =	simm.s32 $0x80;
	s10 =	sadd.s32 $0x1, s10  }
0x5ad: {  	s26 =	sadd.s32 $0x14000, s26;
	s25 =	sadd.s32 $0x280, s25;
	s19 =	sadd.s32 $0xFFFFFD80, s19  }
0x5ae: {  	s23 =	sadd.s32 $0x14000, s23;
	s14 =	sadd.s32 $0x280, s14;
	s12 =	sadd.s32 $0x14000, s12  }
0x5af: {  	s28 =	sadd.s32 $0x280, s28;
	s29 =	sadd.s32 $0x280, s29;
	s16 =	sadd.s32 $0xFFFFFD80, s16  }
0x5b0: {  	s21 =	sadd.s32 $0x14000, s21;
	s22 =	sadd.s32 $0x280, s22;
	_ =	swait.ge [sflag:s0], $0x4000  }
.Ltmp28:
0x5b1: {  	s24 =	sadd.s32 $0xFFFFFD80, s24;
	s8 =	rddreg [dreg:$0x9];
	(pc) =	sbr.rel .LBB2_2-.Ltmp28, $4  }
0x5b2: {  	[sflag:s0] =	ssyncset.done $0x0;
	s1 =	sshra.s32 s1, $0x2;
	s20 =	rddreg [dreg:$0xb]  }
0x5b3: {  	s15 =	rddreg [dreg:$0xc];
	[sflag:s0] =	ssyncadd.s32 $0xFFFFC000;
	s1 =	sadd.s32 $0x400, s1  }
0x5b4: {  	[tilespmem:s13], [sflag:$0x4] =	stream.indirect.gather [hbm4b:s30+s18], $0x80, s1, s18, $0xb8;
	[tilespmem:$0x1C000] =	vst v63  }
0x5b5: {  	s8 =	sadd.s32 $0xFFFFFD80, s8;
	s15 =	sadd.s32 $0x14000, s15;
	s13 =	sadd.s32 $0xFFFFFD80, s20  }
.LBB2_35:
0x5b6: {  	_ =	sfence.sel $0x180000  }
0x5b7: {  	[bflag:$0x0] =	sbarrier.arrive $0xFFFF  }
0x5b8: {  	_ =	strace $0x90000047  }
0x5b9: {  	s0 =	stileid.u32;
	[bflag:$0x2] =	sbarrier.arrive $0xFFFF  }
0x5ba: {  	p0 =	sne.s32 s0, $0x0;
	s0 =	rddreg [dreg:$0x4]  }
0x5bb: {  	s0 =	sadd.s32 @!p0 $0x100000, s0  }
0x5bc: {  	[sflag:s0] =	ssyncadd.tile.s32 @!p0 $0x1;
	_ =	shalt  }
.Lfunc_end2:
_tile_overlayer_lowered:
.L_overlay_start_2:
0x5bd: {  	(tag) =	ssettag $0x2  }
0x5be: {  	s0 =	rddreg [dreg:$0x0];
	s2 =	stileid.u32  }
0x5bf: {  	s1 =	rddreg [dreg:$0x1];
	p0 =	sne.s32 s2, $0x0  }
0x5c0: {  	s3 =	rddreg [dreg:$0x2];
	[bflag:$0x3] =	sbarrier.arrive $0xFFFF;
	s2 =	simm.s32 @!p0 $0x1C0B  }
0x5c1: {  	[timem:s3], [sflag:s2] =	dma.local @!p0 [hbm:s0], s1  }
0x5c2: {  	s0 =	simm.s32 @!p0 $0xB  }
0x5c3: {  	_ =	swait.ge @!p0 [sflag:s0], s1  }
0x5c4: {  	s1 =	ssub.s32 @!p0 $0x0, s1;
	[sflag:s0] =	ssyncset.done @!p0 $0x0  }
0x5c5: {  	[sflag:s0] =	ssyncadd.s32 @!p0 s1  }
0x5c6: {  	[bflag:$0x3] =	sbarrier.arrive $0xFFFF  }
0x5c7: {  	_ =	shalt  }

</sc_bundles>
